<compile_context>
chip_gen: v7x
topology: tpu7x:2x2x1
jax: 0.10.2.dev20260603
libtpu: 0.0.44.dev20260713+nightly
codegen_flags: <defaults>
</compile_context>

<pallas_src>
import functools

import jax
import jax.numpy as jnp
from jax import lax
from jax.experimental import pallas as pl
from jax.experimental.pallas import tpu as pltpu
from jax.experimental.pallas import tpu_sc as plsc

_N = 10000
_D = 128
_E = 320000
_NC = 2
_NS = 16
_NW = _NC * _NS
_EW = _E // _NW
_K = 80
_NCHUNK = _EW // _K
_NPAD = 10240
_RPT = _NPAD // _NS
_FB = 32
_BR = 2000
_G = _N // _BR


def _seg_body(with_deg, *refs):
    if with_deg:
        (h_hbm, src_hbm, dst_hbm, out0, out1, deg0, deg1,
         src_all, dstv0, dstv1, dstv2, rows0, rows1, rows2, fb, acc,
         ones_v, degfb, dacc,
         semI0, semI1, semI2, semG0, semG1, semG2) = refs
    else:
        (h_hbm, src_hbm, dst_hbm, out0, out1,
         src_all, dstv0, dstv1, dstv2, rows0, rows1, rows2, fb, acc,
         semI0, semI1, semI2, semG0, semG1, semG2) = refs
        ones_v = degfb = dacc = deg0 = deg1 = None
    bufs = ((dstv0, rows0, semI0, semG0),
            (dstv1, rows1, semI1, semG1),
            (dstv2, rows2, semI2, semG2))

    c = lax.axis_index("c")
    s = lax.axis_index("s")
    wid = s * _NC + c
    r0 = s * _RPT

    z16 = jnp.zeros((16,), jnp.float32)

    def _zrow(i, carry):
        for j in range(_D // 16):
            fb[i, pl.ds(j * 16, 16)] = z16
        return carry

    lax.fori_loop(0, _FB, _zrow, 0)
    for t in range(_RPT // _FB):
        pltpu.sync_copy(fb, acc.at[pl.ds(r0 + t * _FB, _FB)])

    if with_deg:
        def _zdeg(i, carry):
            degfb[pl.ds(i * 16, 16)] = z16
            return carry

        lax.fori_loop(0, _RPT // 16, _zdeg, 0)
        pltpu.sync_copy(degfb, dacc.at[pl.ds(r0, _RPT)])
        o16 = jnp.ones((16,), jnp.float32)
        for j in range(_K // 16):
            ones_v[pl.ds(j * 16, 16)] = o16

    pltpu.sync_copy(src_hbm.at[pl.ds(wid * _EW, _EW)], src_all)

    plsc.subcore_barrier()

    def _issue(j, b):
        dstv, rows, semI, semG = bufs[b]
        pltpu.async_copy(dst_hbm.at[pl.ds(pl.multiple_of(wid * _EW + j * _K, 8), _K)], dstv, semI)
        idx = src_all.at[pl.ds(pl.multiple_of(j * _K, 8), _K)]
        pltpu.async_copy(h_hbm.at[idx], rows, semG)

    def _drain_scatter(b):
        dstv, rows, semI, semG = bufs[b]
        pltpu.make_async_copy(dst_hbm.at[pl.ds(0, _K)], dstv, semI).wait()
        idx = src_all.at[pl.ds(0, _K)]
        pltpu.make_async_copy(h_hbm.at[idx], rows, semG).wait()
        pltpu.sync_copy(rows, acc.at[dstv], add=True)
        if with_deg:
            pltpu.sync_copy(ones_v, dacc.at[dstv], add=True)

    _issue(0, 0)
    _issue(1, 1)
    _issue(2, 2)

    def _triple(t, carry):
        j0 = 3 * t
        for u in range(3):
            _drain_scatter(u)

            @pl.when(j0 + u + 3 < _NCHUNK)
            def _():
                _issue(j0 + u + 3, u)
        return carry

    lax.fori_loop(0, _NCHUNK // 3, _triple, 0)
    for u in range(_NCHUNK % 3):
        _drain_scatter(u)

    plsc.subcore_barrier()

    def _flush(dst_out):
        pltpu.sync_copy(acc.at[pl.ds(r0, _RPT)], dst_out.at[pl.ds(r0, _RPT)])

    @pl.when(c == 0)
    def _():
        _flush(out0)

    @pl.when(c == 1)
    def _():
        _flush(out1)

    if with_deg:
        @pl.when(c == 0)
        def _():
            pltpu.sync_copy(dacc.at[pl.ds(r0, _RPT)], deg0.at[pl.ds(r0, _RPT)])

        @pl.when(c == 1)
        def _():
            pltpu.sync_copy(dacc.at[pl.ds(r0, _RPT)], deg1.at[pl.ds(r0, _RPT)])


def _make_seg(with_deg):
    mesh = plsc.VectorSubcoreMesh(core_axis_name="c", subcore_axis_name="s")
    out_type = [jax.ShapeDtypeStruct((_NPAD, _D), jnp.float32)] * 2
    scratch = [
        pltpu.VMEM((_EW,), jnp.int32),
        pltpu.VMEM((_K,), jnp.int32),
        pltpu.VMEM((_K,), jnp.int32),
        pltpu.VMEM((_K,), jnp.int32),
        pltpu.VMEM((_K, _D), jnp.float32),
        pltpu.VMEM((_K, _D), jnp.float32),
        pltpu.VMEM((_K, _D), jnp.float32),
        pltpu.VMEM((_FB, _D), jnp.float32),
        pltpu.VMEM_SHARED((_NPAD, _D), jnp.float32),
    ]
    if with_deg:
        out_type += [jax.ShapeDtypeStruct((_NPAD,), jnp.float32)] * 2
        scratch += [
            pltpu.VMEM((_K,), jnp.float32),
            pltpu.VMEM((_RPT,), jnp.float32),
            pltpu.VMEM_SHARED((_NPAD,), jnp.float32),
        ]
    scratch += [pltpu.SemaphoreType.DMA] * 6
    return pl.kernel(
        functools.partial(_seg_body, with_deg),
        out_type=tuple(out_type),
        mesh=mesh,
        scratch_types=scratch,
    )


_seg_with_deg = _make_seg(True)
_seg_no_deg = _make_seg(False)


def _enc_body(x, w, b, ei, o, so, do_):
    o[...] = jnp.maximum(
        jnp.dot(x[...], w[...], preferred_element_type=jnp.float32) + b[...], 0.0)
    so[...] = ei[0]
    do_[...] = ei[1]


def _layer_body(p0, p1, d0, d1, w, b, o):
    rdeg = 1.0 / jnp.maximum(d0[...] + d1[...], 1.0)
    agg = (p0[...] + p1[...]) * rdeg
    hh = jnp.concatenate(
        [jnp.dot(agg, w[0], preferred_element_type=jnp.float32),
         jnp.dot(agg, w[1], preferred_element_type=jnp.float32)], axis=-1)
    o[...] = jnp.maximum(hh + b[...], 0.0)


def _final_body(p0, p1, d0, d1, w, b, wd, bd, out_o, h_o):
    rdeg = 1.0 / jnp.maximum(d0[...] + d1[...], 1.0)
    agg = (p0[...] + p1[...]) * rdeg
    hh = jnp.concatenate(
        [jnp.dot(agg, w[0], preferred_element_type=jnp.float32),
         jnp.dot(agg, w[1], preferred_element_type=jnp.float32)], axis=-1)
    hh = jnp.maximum(hh + b[...], 0.0)
    h_o[...] = hh
    out_o[...] = jnp.dot(hh, wd[...], preferred_element_type=jnp.float32) + bd[...]


_row_spec = pl.BlockSpec((_BR, _D), lambda i: (i, 0))
_deg_spec = pl.BlockSpec((_BR, 1), lambda i: (i, 0))
_w_spec = pl.BlockSpec((_D, _D), lambda i: (0, 0))
_wh_spec = pl.BlockSpec((2, _D, _D // 2), lambda i: (0, 0, 0))
_b_spec = pl.BlockSpec((1, _D), lambda i: (0, 0))

_enc_call = pl.pallas_call(
    _enc_body,
    out_shape=(jax.ShapeDtypeStruct((_N, _D), jnp.float32),
               jax.ShapeDtypeStruct((_E,), jnp.int32),
               jax.ShapeDtypeStruct((_E,), jnp.int32)),
)

_layer_call = pl.pallas_call(
    _layer_body,
    grid=(_G,),
    in_specs=[_row_spec, _row_spec, _deg_spec, _deg_spec, _wh_spec, _b_spec],
    out_specs=_row_spec,
    out_shape=jax.ShapeDtypeStruct((_N, _D), jnp.float32),
)

_final_call = pl.pallas_call(
    _final_body,
    grid=(_G,),
    in_specs=[_row_spec, _row_spec, _deg_spec, _deg_spec, _wh_spec, _b_spec,
              _w_spec, _b_spec],
    out_specs=(_row_spec, _row_spec),
    out_shape=(jax.ShapeDtypeStruct((_N, _D), jnp.float32),
               jax.ShapeDtypeStruct((_N, _D), jnp.float32)),
)


def kernel(x, edge_index, enc_W, enc_b, conv_Ws, conv_bs, dec_W, dec_b):


    h0, src1, dst1 = _enc_call(x, enc_W, enc_b.reshape(1, _D), edge_index)

    pa, pb, dg0, dg1 = _seg_with_deg(h0, src1, dst1)
    d0 = dg0.reshape(_NPAD, 1)
    d1 = dg1.reshape(_NPAD, 1)

    h1 = _layer_call(pa, pb, d0, d1, conv_Ws[0], conv_bs[0].reshape(1, _D))

    qa, qb = _seg_no_deg(h1, src1, dst1)

    out, h2 = _final_call(qa, qb, d0, d1, conv_Ws[1], conv_bs[1].reshape(1, _D),
                          dec_W, dec_b.reshape(1, _D))
    return (out, h2)

# --- scband reference (transcript-rebuilt; emitter-appended) ---
"""Pipeline reference for scband-model-13357348291073 (READ-ONLY COPY).

The authoritative reference and input builder live on the scoring server;
editing this copy changes nothing except your own understanding.
"""

import jax, jax.numpy as jnp
import numpy as np

N = 10000
E = 320000
D = 128
HEADS = 2
LAYERS = 2
DH = D // HEADS


def setup_inputs(seed: int = 0) -> dict:
    key = jax.random.key(seed)
    ks = jax.random.split(key, 10)
    x = jax.random.normal(ks[0], (N, D), dtype=jnp.float32)
    edge_index = jax.random.randint(ks[1], (2, E), 0, N, dtype=jnp.int32)
    s = 1.0 / np.sqrt(D)
    enc_W = jax.random.normal(ks[2], (D, D), dtype=jnp.float32) * s
    enc_b = jnp.zeros((D,), dtype=jnp.float32)
    conv_Ws = jax.random.normal(ks[3], (LAYERS, HEADS, D, DH), dtype=jnp.float32) * s
    conv_bs = jnp.zeros((LAYERS, D), dtype=jnp.float32)
    dec_W = jax.random.normal(ks[4], (D, D), dtype=jnp.float32) * s
    dec_b = jnp.zeros((D,), dtype=jnp.float32)
    return {"x": x, "edge_index": edge_index, "enc_W": enc_W, "enc_b": enc_b,
            "conv_Ws": conv_Ws, "conv_bs": conv_bs, "dec_W": dec_W, "dec_b": dec_b}


def reference(x, edge_index, enc_W, enc_b, conv_Ws, conv_bs, dec_W, dec_b):
    # enc + relu
    h = jax.nn.relu(x @ enc_W + enc_b)
    src = edge_index[0]
    dst = edge_index[1]
    deg = jax.ops.segment_sum(jnp.ones((E,), dtype=jnp.float32), dst, num_segments=N)
    deg = jnp.maximum(deg, 1.0)[:, None]
    # num_layers multi-head message-passing conv layers (SKP approximation):
    # per-head linear transform, gather messages over edges, scatter-mean to dst, concat heads
    for i in range(LAYERS):
        head_outs = []
        for hd in range(HEADS):
            m = h @ conv_Ws[i, hd]               # [N, DH]
            msgs = jnp.take(m, src, axis=0)      # gather by source node [E, DH]
            agg = jax.ops.segment_sum(msgs, dst, num_segments=N) / deg  # scatter-mean
            head_outs.append(agg)
        h = jnp.concatenate(head_outs, axis=-1) + conv_bs[i]
        h = jax.nn.relu(h)  # act=True
    out = h @ dec_W + dec_b
    return (out, h)

if __name__ == "__main__":
    import jax
    _d = setup_inputs()
    print(jax.jit(kernel)(*tuple(_d.values())))

</pallas_src>

<mosaic_0001>
#map = affine_map<(d0, d1) -> (0, 0)>
#map1 = affine_map<(d0, d1) -> (0)>
module attributes {stable_mosaic.version = 14 : i64} {
  func.func @_seg_body(%arg0: i32, %arg1: i32, %arg2: memref<10000x128xf32, #tpu.memory_space<hbm>>, %arg3: memref<320000xi32, #tpu.memory_space<hbm>>, %arg4: memref<320000xi32, #tpu.memory_space<hbm>>, %arg5: memref<10240x128xf32, #tpu.memory_space<hbm>>, %arg6: memref<10240x128xf32, #tpu.memory_space<hbm>>, %arg7: memref<10240xf32, #tpu.memory_space<hbm>>, %arg8: memref<10240xf32, #tpu.memory_space<hbm>>, %arg9: memref<10000xi32, #tpu.memory_space<vmem>>, %arg10: memref<80xi32, #tpu.memory_space<vmem>>, %arg11: memref<80xi32, #tpu.memory_space<vmem>>, %arg12: memref<80xi32, #tpu.memory_space<vmem>>, %arg13: memref<80x128xf32, #tpu.memory_space<vmem>>, %arg14: memref<80x128xf32, #tpu.memory_space<vmem>>, %arg15: memref<80x128xf32, #tpu.memory_space<vmem>>, %arg16: memref<32x128xf32, #tpu.memory_space<vmem>>, %arg17: memref<10240x128xf32, #tpu.memory_space<vmem_shared>>, %arg18: memref<80xf32, #tpu.memory_space<vmem>>, %arg19: memref<640xf32, #tpu.memory_space<vmem>>, %arg20: memref<10240xf32, #tpu.memory_space<vmem_shared>>, %arg21: memref<!tpu.dma_semaphore, #tpu.memory_space<semaphore_mem>>, %arg22: memref<!tpu.dma_semaphore, #tpu.memory_space<semaphore_mem>>, %arg23: memref<!tpu.dma_semaphore, #tpu.memory_space<semaphore_mem>>, %arg24: memref<!tpu.dma_semaphore, #tpu.memory_space<semaphore_mem>>, %arg25: memref<!tpu.dma_semaphore, #tpu.memory_space<semaphore_mem>>, %arg26: memref<!tpu.dma_semaphore, #tpu.memory_space<semaphore_mem>>) attributes {dimension_semantics = [#tpu.dimension_semantics<core_parallel>, #tpu.dimension_semantics<subcore_parallel>], iteration_bounds = array<i64: 2, 16>, scalar_prefetch = 0 : i64, scratch_operands = 18 : i64, tpu.core_type = #tpu.core_type<sc_vector_subcore>, window_params = [{transform_indices = #map}, {transform_indices = #map1}, {transform_indices = #map1}, {transform_indices = #map}, {transform_indices = #map}, {transform_indices = #map1}, {transform_indices = #map1}]} {
    %mul3A = arith.constant 2 : i32
    %mul3A_0 = arith.muli %arg1, %mul3A : i32
    %add3A = arith.addi %mul3A_0, %arg0 : i32
    %mul3A_1 = arith.constant 640 : i32
    %mul3A_2 = arith.muli %arg1, %mul3A_1 : i32
    %broadcast_in_dim3A = arith.constant 0.000000e+00 : f32
    %broadcast_in_dim3A_3 = vector.broadcast %broadcast_in_dim3A : f32 to vector<16xf32>
    %scan3A = arith.constant 0 : i32
    %scan3A_4 = arith.constant 0 : i32
    %scan3A_5 = arith.constant 32 : i32
    %scan3A_6 = arith.addi %scan3A_4, %scan3A_5 : i32
    %scan3A_7 = arith.constant 1 : i32
    scf.for %scan3A_156 = %scan3A_4 to %scan3A_6 step %scan3A_7  : i32 {
      %swap3A_157 = arith.index_cast %scan3A_156 : i32 to index
      %swap3A_158 = arith.constant 0 : index
      %swap3A_159 = tpu.vector_load %arg16[%swap3A_157, %swap3A_158] {strides = array<i32>} : memref<32x128xf32, #tpu.memory_space<vmem>>, vector<1x16xf32>,
      %swap3A_160 = vector.shape_cast %swap3A_159 : vector<1x16xf32> to vector<16xf32>
      %swap3A_161 = vector.shape_cast %broadcast_in_dim3A_3 : vector<16xf32> to vector<1x16xf32>
      tpu.vector_store %arg16[%swap3A_157, %swap3A_158], %swap3A_161 {strides = array<i32>} : memref<32x128xf32, #tpu.memory_space<vmem>>, vector<1x16xf32>,
      %swap3A_162 = arith.index_cast %scan3A_156 : i32 to index
      %swap3A_163 = arith.constant 16 : index
      %swap3A_164 = tpu.vector_load %arg16[%swap3A_162, %swap3A_163] {strides = array<i32>} : memref<32x128xf32, #tpu.memory_space<vmem>>, vector<1x16xf32>,
      %swap3A_165 = vector.shape_cast %swap3A_164 : vector<1x16xf32> to vector<16xf32>
      %swap3A_166 = vector.shape_cast %broadcast_in_dim3A_3 : vector<16xf32> to vector<1x16xf32>
      tpu.vector_store %arg16[%swap3A_162, %swap3A_163], %swap3A_166 {strides = array<i32>} : memref<32x128xf32, #tpu.memory_space<vmem>>, vector<1x16xf32>,
      %swap3A_167 = arith.index_cast %scan3A_156 : i32 to index
      %swap3A_168 = arith.constant 32 : index
      %swap3A_169 = tpu.vector_load %arg16[%swap3A_167, %swap3A_168] {strides = array<i32>} : memref<32x128xf32, #tpu.memory_space<vmem>>, vector<1x16xf32>,
      %swap3A_170 = vector.shape_cast %swap3A_169 : vector<1x16xf32> to vector<16xf32>
      %swap3A_171 = vector.shape_cast %broadcast_in_dim3A_3 : vector<16xf32> to vector<1x16xf32>
      tpu.vector_store %arg16[%swap3A_167, %swap3A_168], %swap3A_171 {strides = array<i32>} : memref<32x128xf32, #tpu.memory_space<vmem>>, vector<1x16xf32>,
      %swap3A_172 = arith.index_cast %scan3A_156 : i32 to index
      %swap3A_173 = arith.constant 48 : index
      %swap3A_174 = tpu.vector_load %arg16[%swap3A_172, %swap3A_173] {strides = array<i32>} : memref<32x128xf32, #tpu.memory_space<vmem>>, vector<1x16xf32>,
      %swap3A_175 = vector.shape_cast %swap3A_174 : vector<1x16xf32> to vector<16xf32>
      %swap3A_176 = vector.shape_cast %broadcast_in_dim3A_3 : vector<16xf32> to vector<1x16xf32>
      tpu.vector_store %arg16[%swap3A_172, %swap3A_173], %swap3A_176 {strides = array<i32>} : memref<32x128xf32, #tpu.memory_space<vmem>>, vector<1x16xf32>,
      %swap3A_177 = arith.index_cast %scan3A_156 : i32 to index
      %swap3A_178 = arith.constant 64 : index
      %swap3A_179 = tpu.vector_load %arg16[%swap3A_177, %swap3A_178] {strides = array<i32>} : memref<32x128xf32, #tpu.memory_space<vmem>>, vector<1x16xf32>,
      %swap3A_180 = vector.shape_cast %swap3A_179 : vector<1x16xf32> to vector<16xf32>
      %swap3A_181 = vector.shape_cast %broadcast_in_dim3A_3 : vector<16xf32> to vector<1x16xf32>
      tpu.vector_store %arg16[%swap3A_177, %swap3A_178], %swap3A_181 {strides = array<i32>} : memref<32x128xf32, #tpu.memory_space<vmem>>, vector<1x16xf32>,
      %swap3A_182 = arith.index_cast %scan3A_156 : i32 to index
      %swap3A_183 = arith.constant 80 : index
      %swap3A_184 = tpu.vector_load %arg16[%swap3A_182, %swap3A_183] {strides = array<i32>} : memref<32x128xf32, #tpu.memory_space<vmem>>, vector<1x16xf32>,
      %swap3A_185 = vector.shape_cast %swap3A_184 : vector<1x16xf32> to vector<16xf32>
      %swap3A_186 = vector.shape_cast %broadcast_in_dim3A_3 : vector<16xf32> to vector<1x16xf32>
      tpu.vector_store %arg16[%swap3A_182, %swap3A_183], %swap3A_186 {strides = array<i32>} : memref<32x128xf32, #tpu.memory_space<vmem>>, vector<1x16xf32>,
      %swap3A_187 = arith.index_cast %scan3A_156 : i32 to index
      %swap3A_188 = arith.constant 96 : index
      %swap3A_189 = tpu.vector_load %arg16[%swap3A_187, %swap3A_188] {strides = array<i32>} : memref<32x128xf32, #tpu.memory_space<vmem>>, vector<1x16xf32>,
      %swap3A_190 = vector.shape_cast %swap3A_189 : vector<1x16xf32> to vector<16xf32>
      %swap3A_191 = vector.shape_cast %broadcast_in_dim3A_3 : vector<16xf32> to vector<1x16xf32>
      tpu.vector_store %arg16[%swap3A_187, %swap3A_188], %swap3A_191 {strides = array<i32>} : memref<32x128xf32, #tpu.memory_space<vmem>>, vector<1x16xf32>,
      %swap3A_192 = arith.index_cast %scan3A_156 : i32 to index
      %swap3A_193 = arith.constant 112 : index
      %swap3A_194 = tpu.vector_load %arg16[%swap3A_192, %swap3A_193] {strides = array<i32>} : memref<32x128xf32, #tpu.memory_space<vmem>>, vector<1x16xf32>,
      %swap3A_195 = vector.shape_cast %swap3A_194 : vector<1x16xf32> to vector<16xf32>
      %swap3A_196 = vector.shape_cast %broadcast_in_dim3A_3 : vector<16xf32> to vector<1x16xf32>
      tpu.vector_store %arg16[%swap3A_192, %swap3A_193], %swap3A_196 {strides = array<i32>} : memref<32x128xf32, #tpu.memory_space<vmem>>, vector<1x16xf32>,
    }
    %scan3A_8 = arith.constant 32 : i32
    %add3A_9 = arith.constant 0 : i32
    %add3A_10 = arith.addi %mul3A_2, %add3A_9 : i32
    "tpu.region"() ({
      %run_scoped3A = tpu.sem_alloc : memref<!tpu.dma_semaphore, #tpu.memory_space<semaphore_mem>>
      %dma_start3A_156 = arith.constant 0 : i32
      %dma_start3A_157 = tpu.memref_slice %arg17[%add3A_10, %dma_start3A_156] : memref<10240x128xf32, #tpu.memory_space<vmem_shared>> -> memref<32x128xf32, #tpu.memory_space<vmem_shared>>
      %dma_start3A_158 = arith.constant 0 : i32
      %dma_start3A_159 = tpu.memref_slice %arg17[%add3A_10, %dma_start3A_158] : memref<10240x128xf32, #tpu.memory_space<vmem_shared>> -> memref<32x128xf32, #tpu.memory_space<vmem_shared>>
      tpu.enqueue_dma source(%arg16 : memref<32x128xf32, #tpu.memory_space<vmem>>) target(%dma_start3A_159 : memref<32x128xf32, #tpu.memory_space<vmem_shared>>) target_semaphore(%run_scoped3A : memref<!tpu.dma_semaphore, #tpu.memory_space<semaphore_mem>>)
      %dma_wait3A_160 = arith.constant 0 : i32
      %dma_wait3A_161 = tpu.memref_slice %arg17[%add3A_10, %dma_wait3A_160] : memref<10240x128xf32, #tpu.memory_space<vmem_shared>> -> memref<32x128xf32, #tpu.memory_space<vmem_shared>>
      %dma_wait3A_162 = arith.constant 0 : i32
      %dma_wait3A_163 = tpu.memref_slice %arg17[%add3A_10, %dma_wait3A_162] : memref<10240x128xf32, #tpu.memory_space<vmem_shared>> -> memref<32x128xf32, #tpu.memory_space<vmem_shared>>
      tpu.wait_dma2 semaphore(%run_scoped3A : memref<!tpu.dma_semaphore, #tpu.memory_space<semaphore_mem>>) src(%arg16 : memref<32x128xf32, #tpu.memory_space<vmem>>) dst(%dma_wait3A_163 : memref<32x128xf32, #tpu.memory_space<vmem_shared>>)
      tpu.yield
    }) : () -> ()
    %add3A_11 = arith.constant 32 : i32
    %add3A_12 = arith.addi %mul3A_2, %add3A_11 : i32
    "tpu.region"() ({
      %run_scoped3A = tpu.sem_alloc : memref<!tpu.dma_semaphore, #tpu.memory_space<semaphore_mem>>
      %dma_start3A_156 = arith.constant 0 : i32
      %dma_start3A_157 = tpu.memref_slice %arg17[%add3A_12, %dma_start3A_156] : memref<10240x128xf32, #tpu.memory_space<vmem_shared>> -> memref<32x128xf32, #tpu.memory_space<vmem_shared>>
      %dma_start3A_158 = arith.constant 0 : i32
      %dma_start3A_159 = tpu.memref_slice %arg17[%add3A_12, %dma_start3A_158] : memref<10240x128xf32, #tpu.memory_space<vmem_shared>> -> memref<32x128xf32, #tpu.memory_space<vmem_shared>>
      tpu.enqueue_dma source(%arg16 : memref<32x128xf32, #tpu.memory_space<vmem>>) target(%dma_start3A_159 : memref<32x128xf32, #tpu.memory_space<vmem_shared>>) target_semaphore(%run_scoped3A : memref<!tpu.dma_semaphore, #tpu.memory_space<semaphore_mem>>)
      %dma_wait3A_160 = arith.constant 0 : i32
      %dma_wait3A_161 = tpu.memref_slice %arg17[%add3A_12, %dma_wait3A_160] : memref<10240x128xf32, #tpu.memory_space<vmem_shared>> -> memref<32x128xf32, #tpu.memory_space<vmem_shared>>
      %dma_wait3A_162 = arith.constant 0 : i32
      %dma_wait3A_163 = tpu.memref_slice %arg17[%add3A_12, %dma_wait3A_162] : memref<10240x128xf32, #tpu.memory_space<vmem_shared>> -> memref<32x128xf32, #tpu.memory_space<vmem_shared>>
      tpu.wait_dma2 semaphore(%run_scoped3A : memref<!tpu.dma_semaphore, #tpu.memory_space<semaphore_mem>>) src(%arg16 : memref<32x128xf32, #tpu.memory_space<vmem>>) dst(%dma_wait3A_163 : memref<32x128xf32, #tpu.memory_space<vmem_shared>>)
      tpu.yield
    }) : () -> ()
    %add3A_13 = arith.constant 64 : i32
    %add3A_14 = arith.addi %mul3A_2, %add3A_13 : i32
    "tpu.region"() ({
      %run_scoped3A = tpu.sem_alloc : memref<!tpu.dma_semaphore, #tpu.memory_space<semaphore_mem>>
      %dma_start3A_156 = arith.constant 0 : i32
      %dma_start3A_157 = tpu.memref_slice %arg17[%add3A_14, %dma_start3A_156] : memref<10240x128xf32, #tpu.memory_space<vmem_shared>> -> memref<32x128xf32, #tpu.memory_space<vmem_shared>>
      %dma_start3A_158 = arith.constant 0 : i32
      %dma_start3A_159 = tpu.memref_slice %arg17[%add3A_14, %dma_start3A_158] : memref<10240x128xf32, #tpu.memory_space<vmem_shared>> -> memref<32x128xf32, #tpu.memory_space<vmem_shared>>
      tpu.enqueue_dma source(%arg16 : memref<32x128xf32, #tpu.memory_space<vmem>>) target(%dma_start3A_159 : memref<32x128xf32, #tpu.memory_space<vmem_shared>>) target_semaphore(%run_scoped3A : memref<!tpu.dma_semaphore, #tpu.memory_space<semaphore_mem>>)
      %dma_wait3A_160 = arith.constant 0 : i32
      %dma_wait3A_161 = tpu.memref_slice %arg17[%add3A_14, %dma_wait3A_160] : memref<10240x128xf32, #tpu.memory_space<vmem_shared>> -> memref<32x128xf32, #tpu.memory_space<vmem_shared>>
      %dma_wait3A_162 = arith.constant 0 : i32
      %dma_wait3A_163 = tpu.memref_slice %arg17[%add3A_14, %dma_wait3A_162] : memref<10240x128xf32, #tpu.memory_space<vmem_shared>> -> memref<32x128xf32, #tpu.memory_space<vmem_shared>>
      tpu.wait_dma2 semaphore(%run_scoped3A : memref<!tpu.dma_semaphore, #tpu.memory_space<semaphore_mem>>) src(%arg16 : memref<32x128xf32, #tpu.memory_space<vmem>>) dst(%dma_wait3A_163 : memref<32x128xf32, #tpu.memory_space<vmem_shared>>)
      tpu.yield
    }) : () -> ()
    %add3A_15 = arith.constant 96 : i32
    %add3A_16 = arith.addi %mul3A_2, %add3A_15 : i32
    "tpu.region"() ({
      %run_scoped3A = tpu.sem_alloc : memref<!tpu.dma_semaphore, #tpu.memory_space<semaphore_mem>>
      %dma_start3A_156 = arith.constant 0 : i32
      %dma_start3A_157 = tpu.memref_slice %arg17[%add3A_16, %dma_start3A_156] : memref<10240x128xf32, #tpu.memory_space<vmem_shared>> -> memref<32x128xf32, #tpu.memory_space<vmem_shared>>
      %dma_start3A_158 = arith.constant 0 : i32
      %dma_start3A_159 = tpu.memref_slice %arg17[%add3A_16, %dma_start3A_158] : memref<10240x128xf32, #tpu.memory_space<vmem_shared>> -> memref<32x128xf32, #tpu.memory_space<vmem_shared>>
      tpu.enqueue_dma source(%arg16 : memref<32x128xf32, #tpu.memory_space<vmem>>) target(%dma_start3A_159 : memref<32x128xf32, #tpu.memory_space<vmem_shared>>) target_semaphore(%run_scoped3A : memref<!tpu.dma_semaphore, #tpu.memory_space<semaphore_mem>>)
      %dma_wait3A_160 = arith.constant 0 : i32
      %dma_wait3A_161 = tpu.memref_slice %arg17[%add3A_16, %dma_wait3A_160] : memref<10240x128xf32, #tpu.memory_space<vmem_shared>> -> memref<32x128xf32, #tpu.memory_space<vmem_shared>>
      %dma_wait3A_162 = arith.constant 0 : i32
      %dma_wait3A_163 = tpu.memref_slice %arg17[%add3A_16, %dma_wait3A_162] : memref<10240x128xf32, #tpu.memory_space<vmem_shared>> -> memref<32x128xf32, #tpu.memory_space<vmem_shared>>
      tpu.wait_dma2 semaphore(%run_scoped3A : memref<!tpu.dma_semaphore, #tpu.memory_space<semaphore_mem>>) src(%arg16 : memref<32x128xf32, #tpu.memory_space<vmem>>) dst(%dma_wait3A_163 : memref<32x128xf32, #tpu.memory_space<vmem_shared>>)
      tpu.yield
    }) : () -> ()
    %add3A_17 = arith.constant 128 : i32
    %add3A_18 = arith.addi %mul3A_2, %add3A_17 : i32
    "tpu.region"() ({
      %run_scoped3A = tpu.sem_alloc : memref<!tpu.dma_semaphore, #tpu.memory_space<semaphore_mem>>
      %dma_start3A_156 = arith.constant 0 : i32
      %dma_start3A_157 = tpu.memref_slice %arg17[%add3A_18, %dma_start3A_156] : memref<10240x128xf32, #tpu.memory_space<vmem_shared>> -> memref<32x128xf32, #tpu.memory_space<vmem_shared>>
      %dma_start3A_158 = arith.constant 0 : i32
      %dma_start3A_159 = tpu.memref_slice %arg17[%add3A_18, %dma_start3A_158] : memref<10240x128xf32, #tpu.memory_space<vmem_shared>> -> memref<32x128xf32, #tpu.memory_space<vmem_shared>>
      tpu.enqueue_dma source(%arg16 : memref<32x128xf32, #tpu.memory_space<vmem>>) target(%dma_start3A_159 : memref<32x128xf32, #tpu.memory_space<vmem_shared>>) target_semaphore(%run_scoped3A : memref<!tpu.dma_semaphore, #tpu.memory_space<semaphore_mem>>)
      %dma_wait3A_160 = arith.constant 0 : i32
      %dma_wait3A_161 = tpu.memref_slice %arg17[%add3A_18, %dma_wait3A_160] : memref<10240x128xf32, #tpu.memory_space<vmem_shared>> -> memref<32x128xf32, #tpu.memory_space<vmem_shared>>
      %dma_wait3A_162 = arith.constant 0 : i32
      %dma_wait3A_163 = tpu.memref_slice %arg17[%add3A_18, %dma_wait3A_162] : memref<10240x128xf32, #tpu.memory_space<vmem_shared>> -> memref<32x128xf32, #tpu.memory_space<vmem_shared>>
      tpu.wait_dma2 semaphore(%run_scoped3A : memref<!tpu.dma_semaphore, #tpu.memory_space<semaphore_mem>>) src(%arg16 : memref<32x128xf32, #tpu.memory_space<vmem>>) dst(%dma_wait3A_163 : memref<32x128xf32, #tpu.memory_space<vmem_shared>>)
      tpu.yield
    }) : () -> ()
    %add3A_19 = arith.constant 160 : i32
    %add3A_20 = arith.addi %mul3A_2, %add3A_19 : i32
    "tpu.region"() ({
      %run_scoped3A = tpu.sem_alloc : memref<!tpu.dma_semaphore, #tpu.memory_space<semaphore_mem>>
      %dma_start3A_156 = arith.constant 0 : i32
      %dma_start3A_157 = tpu.memref_slice %arg17[%add3A_20, %dma_start3A_156] : memref<10240x128xf32, #tpu.memory_space<vmem_shared>> -> memref<32x128xf32, #tpu.memory_space<vmem_shared>>
      %dma_start3A_158 = arith.constant 0 : i32
      %dma_start3A_159 = tpu.memref_slice %arg17[%add3A_20, %dma_start3A_158] : memref<10240x128xf32, #tpu.memory_space<vmem_shared>> -> memref<32x128xf32, #tpu.memory_space<vmem_shared>>
      tpu.enqueue_dma source(%arg16 : memref<32x128xf32, #tpu.memory_space<vmem>>) target(%dma_start3A_159 : memref<32x128xf32, #tpu.memory_space<vmem_shared>>) target_semaphore(%run_scoped3A : memref<!tpu.dma_semaphore, #tpu.memory_space<semaphore_mem>>)
      %dma_wait3A_160 = arith.constant 0 : i32
      %dma_wait3A_161 = tpu.memref_slice %arg17[%add3A_20, %dma_wait3A_160] : memref<10240x128xf32, #tpu.memory_space<vmem_shared>> -> memref<32x128xf32, #tpu.memory_space<vmem_shared>>
      %dma_wait3A_162 = arith.constant 0 : i32
      %dma_wait3A_163 = tpu.memref_slice %arg17[%add3A_20, %dma_wait3A_162] : memref<10240x128xf32, #tpu.memory_space<vmem_shared>> -> memref<32x128xf32, #tpu.memory_space<vmem_shared>>
      tpu.wait_dma2 semaphore(%run_scoped3A : memref<!tpu.dma_semaphore, #tpu.memory_space<semaphore_mem>>) src(%arg16 : memref<32x128xf32, #tpu.memory_space<vmem>>) dst(%dma_wait3A_163 : memref<32x128xf32, #tpu.memory_space<vmem_shared>>)
      tpu.yield
    }) : () -> ()
    %add3A_21 = arith.constant 192 : i32
    %add3A_22 = arith.addi %mul3A_2, %add3A_21 : i32
    "tpu.region"() ({
      %run_scoped3A = tpu.sem_alloc : memref<!tpu.dma_semaphore, #tpu.memory_space<semaphore_mem>>
      %dma_start3A_156 = arith.constant 0 : i32
      %dma_start3A_157 = tpu.memref_slice %arg17[%add3A_22, %dma_start3A_156] : memref<10240x128xf32, #tpu.memory_space<vmem_shared>> -> memref<32x128xf32, #tpu.memory_space<vmem_shared>>
      %dma_start3A_158 = arith.constant 0 : i32
      %dma_start3A_159 = tpu.memref_slice %arg17[%add3A_22, %dma_start3A_158] : memref<10240x128xf32, #tpu.memory_space<vmem_shared>> -> memref<32x128xf32, #tpu.memory_space<vmem_shared>>
      tpu.enqueue_dma source(%arg16 : memref<32x128xf32, #tpu.memory_space<vmem>>) target(%dma_start3A_159 : memref<32x128xf32, #tpu.memory_space<vmem_shared>>) target_semaphore(%run_scoped3A : memref<!tpu.dma_semaphore, #tpu.memory_space<semaphore_mem>>)
      %dma_wait3A_160 = arith.constant 0 : i32
      %dma_wait3A_161 = tpu.memref_slice %arg17[%add3A_22, %dma_wait3A_160] : memref<10240x128xf32, #tpu.memory_space<vmem_shared>> -> memref<32x128xf32, #tpu.memory_space<vmem_shared>>
      %dma_wait3A_162 = arith.constant 0 : i32
      %dma_wait3A_163 = tpu.memref_slice %arg17[%add3A_22, %dma_wait3A_162] : memref<10240x128xf32, #tpu.memory_space<vmem_shared>> -> memref<32x128xf32, #tpu.memory_space<vmem_shared>>
      tpu.wait_dma2 semaphore(%run_scoped3A : memref<!tpu.dma_semaphore, #tpu.memory_space<semaphore_mem>>) src(%arg16 : memref<32x128xf32, #tpu.memory_space<vmem>>) dst(%dma_wait3A_163 : memref<32x128xf32, #tpu.memory_space<vmem_shared>>)
      tpu.yield
    }) : () -> ()
    %add3A_23 = arith.constant 224 : i32
    %add3A_24 = arith.addi %mul3A_2, %add3A_23 : i32
    "tpu.region"() ({
      %run_scoped3A = tpu.sem_alloc : memref<!tpu.dma_semaphore, #tpu.memory_space<semaphore_mem>>
      %dma_start3A_156 = arith.constant 0 : i32
      %dma_start3A_157 = tpu.memref_slice %arg17[%add3A_24, %dma_start3A_156] : memref<10240x128xf32, #tpu.memory_space<vmem_shared>> -> memref<32x128xf32, #tpu.memory_space<vmem_shared>>
      %dma_start3A_158 = arith.constant 0 : i32
      %dma_start3A_159 = tpu.memref_slice %arg17[%add3A_24, %dma_start3A_158] : memref<10240x128xf32, #tpu.memory_space<vmem_shared>> -> memref<32x128xf32, #tpu.memory_space<vmem_shared>>
      tpu.enqueue_dma source(%arg16 : memref<32x128xf32, #tpu.memory_space<vmem>>) target(%dma_start3A_159 : memref<32x128xf32, #tpu.memory_space<vmem_shared>>) target_semaphore(%run_scoped3A : memref<!tpu.dma_semaphore, #tpu.memory_space<semaphore_mem>>)
      %dma_wait3A_160 = arith.constant 0 : i32
      %dma_wait3A_161 = tpu.memref_slice %arg17[%add3A_24, %dma_wait3A_160] : memref<10240x128xf32, #tpu.memory_space<vmem_shared>> -> memref<32x128xf32, #tpu.memory_space<vmem_shared>>
      %dma_wait3A_162 = arith.constant 0 : i32
      %dma_wait3A_163 = tpu.memref_slice %arg17[%add3A_24, %dma_wait3A_162] : memref<10240x128xf32, #tpu.memory_space<vmem_shared>> -> memref<32x128xf32, #tpu.memory_space<vmem_shared>>
      tpu.wait_dma2 semaphore(%run_scoped3A : memref<!tpu.dma_semaphore, #tpu.memory_space<semaphore_mem>>) src(%arg16 : memref<32x128xf32, #tpu.memory_space<vmem>>) dst(%dma_wait3A_163 : memref<32x128xf32, #tpu.memory_space<vmem_shared>>)
      tpu.yield
    }) : () -> ()
    %add3A_25 = arith.constant 256 : i32
    %add3A_26 = arith.addi %mul3A_2, %add3A_25 : i32
    "tpu.region"() ({
      %run_scoped3A = tpu.sem_alloc : memref<!tpu.dma_semaphore, #tpu.memory_space<semaphore_mem>>
      %dma_start3A_156 = arith.constant 0 : i32
      %dma_start3A_157 = tpu.memref_slice %arg17[%add3A_26, %dma_start3A_156] : memref<10240x128xf32, #tpu.memory_space<vmem_shared>> -> memref<32x128xf32, #tpu.memory_space<vmem_shared>>
      %dma_start3A_158 = arith.constant 0 : i32
      %dma_start3A_159 = tpu.memref_slice %arg17[%add3A_26, %dma_start3A_158] : memref<10240x128xf32, #tpu.memory_space<vmem_shared>> -> memref<32x128xf32, #tpu.memory_space<vmem_shared>>
      tpu.enqueue_dma source(%arg16 : memref<32x128xf32, #tpu.memory_space<vmem>>) target(%dma_start3A_159 : memref<32x128xf32, #tpu.memory_space<vmem_shared>>) target_semaphore(%run_scoped3A : memref<!tpu.dma_semaphore, #tpu.memory_space<semaphore_mem>>)
      %dma_wait3A_160 = arith.constant 0 : i32
      %dma_wait3A_161 = tpu.memref_slice %arg17[%add3A_26, %dma_wait3A_160] : memref<10240x128xf32, #tpu.memory_space<vmem_shared>> -> memref<32x128xf32, #tpu.memory_space<vmem_shared>>
      %dma_wait3A_162 = arith.constant 0 : i32
      %dma_wait3A_163 = tpu.memref_slice %arg17[%add3A_26, %dma_wait3A_162] : memref<10240x128xf32, #tpu.memory_space<vmem_shared>> -> memref<32x128xf32, #tpu.memory_space<vmem_shared>>
      tpu.wait_dma2 semaphore(%run_scoped3A : memref<!tpu.dma_semaphore, #tpu.memory_space<semaphore_mem>>) src(%arg16 : memref<32x128xf32, #tpu.memory_space<vmem>>) dst(%dma_wait3A_163 : memref<32x128xf32, #tpu.memory_space<vmem_shared>>)
      tpu.yield
    }) : () -> ()
    %add3A_27 = arith.constant 288 : i32
    %add3A_28 = arith.addi %mul3A_2, %add3A_27 : i32
    "tpu.region"() ({
      %run_scoped3A = tpu.sem_alloc : memref<!tpu.dma_semaphore, #tpu.memory_space<semaphore_mem>>
      %dma_start3A_156 = arith.constant 0 : i32
      %dma_start3A_157 = tpu.memref_slice %arg17[%add3A_28, %dma_start3A_156] : memref<10240x128xf32, #tpu.memory_space<vmem_shared>> -> memref<32x128xf32, #tpu.memory_space<vmem_shared>>
      %dma_start3A_158 = arith.constant 0 : i32
      %dma_start3A_159 = tpu.memref_slice %arg17[%add3A_28, %dma_start3A_158] : memref<10240x128xf32, #tpu.memory_space<vmem_shared>> -> memref<32x128xf32, #tpu.memory_space<vmem_shared>>
      tpu.enqueue_dma source(%arg16 : memref<32x128xf32, #tpu.memory_space<vmem>>) target(%dma_start3A_159 : memref<32x128xf32, #tpu.memory_space<vmem_shared>>) target_semaphore(%run_scoped3A : memref<!tpu.dma_semaphore, #tpu.memory_space<semaphore_mem>>)
      %dma_wait3A_160 = arith.constant 0 : i32
      %dma_wait3A_161 = tpu.memref_slice %arg17[%add3A_28, %dma_wait3A_160] : memref<10240x128xf32, #tpu.memory_space<vmem_shared>> -> memref<32x128xf32, #tpu.memory_space<vmem_shared>>
      %dma_wait3A_162 = arith.constant 0 : i32
      %dma_wait3A_163 = tpu.memref_slice %arg17[%add3A_28, %dma_wait3A_162] : memref<10240x128xf32, #tpu.memory_space<vmem_shared>> -> memref<32x128xf32, #tpu.memory_space<vmem_shared>>
      tpu.wait_dma2 semaphore(%run_scoped3A : memref<!tpu.dma_semaphore, #tpu.memory_space<semaphore_mem>>) src(%arg16 : memref<32x128xf32, #tpu.memory_space<vmem>>) dst(%dma_wait3A_163 : memref<32x128xf32, #tpu.memory_space<vmem_shared>>)
      tpu.yield
    }) : () -> ()
    %add3A_29 = arith.constant 320 : i32
    %add3A_30 = arith.addi %mul3A_2, %add3A_29 : i32
    "tpu.region"() ({
      %run_scoped3A = tpu.sem_alloc : memref<!tpu.dma_semaphore, #tpu.memory_space<semaphore_mem>>
      %dma_start3A_156 = arith.constant 0 : i32
      %dma_start3A_157 = tpu.memref_slice %arg17[%add3A_30, %dma_start3A_156] : memref<10240x128xf32, #tpu.memory_space<vmem_shared>> -> memref<32x128xf32, #tpu.memory_space<vmem_shared>>
      %dma_start3A_158 = arith.constant 0 : i32
      %dma_start3A_159 = tpu.memref_slice %arg17[%add3A_30, %dma_start3A_158] : memref<10240x128xf32, #tpu.memory_space<vmem_shared>> -> memref<32x128xf32, #tpu.memory_space<vmem_shared>>
      tpu.enqueue_dma source(%arg16 : memref<32x128xf32, #tpu.memory_space<vmem>>) target(%dma_start3A_159 : memref<32x128xf32, #tpu.memory_space<vmem_shared>>) target_semaphore(%run_scoped3A : memref<!tpu.dma_semaphore, #tpu.memory_space<semaphore_mem>>)
      %dma_wait3A_160 = arith.constant 0 : i32
      %dma_wait3A_161 = tpu.memref_slice %arg17[%add3A_30, %dma_wait3A_160] : memref<10240x128xf32, #tpu.memory_space<vmem_shared>> -> memref<32x128xf32, #tpu.memory_space<vmem_shared>>
      %dma_wait3A_162 = arith.constant 0 : i32
      %dma_wait3A_163 = tpu.memref_slice %arg17[%add3A_30, %dma_wait3A_162] : memref<10240x128xf32, #tpu.memory_space<vmem_shared>> -> memref<32x128xf32, #tpu.memory_space<vmem_shared>>
      tpu.wait_dma2 semaphore(%run_scoped3A : memref<!tpu.dma_semaphore, #tpu.memory_space<semaphore_mem>>) src(%arg16 : memref<32x128xf32, #tpu.memory_space<vmem>>) dst(%dma_wait3A_163 : memref<32x128xf32, #tpu.memory_space<vmem_shared>>)
      tpu.yield
    }) : () -> ()
    %add3A_31 = arith.constant 352 : i32
    %add3A_32 = arith.addi %mul3A_2, %add3A_31 : i32
    "tpu.region"() ({
      %run_scoped3A = tpu.sem_alloc : memref<!tpu.dma_semaphore, #tpu.memory_space<semaphore_mem>>
      %dma_start3A_156 = arith.constant 0 : i32
      %dma_start3A_157 = tpu.memref_slice %arg17[%add3A_32, %dma_start3A_156] : memref<10240x128xf32, #tpu.memory_space<vmem_shared>> -> memref<32x128xf32, #tpu.memory_space<vmem_shared>>
      %dma_start3A_158 = arith.constant 0 : i32
      %dma_start3A_159 = tpu.memref_slice %arg17[%add3A_32, %dma_start3A_158] : memref<10240x128xf32, #tpu.memory_space<vmem_shared>> -> memref<32x128xf32, #tpu.memory_space<vmem_shared>>
      tpu.enqueue_dma source(%arg16 : memref<32x128xf32, #tpu.memory_space<vmem>>) target(%dma_start3A_159 : memref<32x128xf32, #tpu.memory_space<vmem_shared>>) target_semaphore(%run_scoped3A : memref<!tpu.dma_semaphore, #tpu.memory_space<semaphore_mem>>)
      %dma_wait3A_160 = arith.constant 0 : i32
      %dma_wait3A_161 = tpu.memref_slice %arg17[%add3A_32, %dma_wait3A_160] : memref<10240x128xf32, #tpu.memory_space<vmem_shared>> -> memref<32x128xf32, #tpu.memory_space<vmem_shared>>
      %dma_wait3A_162 = arith.constant 0 : i32
      %dma_wait3A_163 = tpu.memref_slice %arg17[%add3A_32, %dma_wait3A_162] : memref<10240x128xf32, #tpu.memory_space<vmem_shared>> -> memref<32x128xf32, #tpu.memory_space<vmem_shared>>
      tpu.wait_dma2 semaphore(%run_scoped3A : memref<!tpu.dma_semaphore, #tpu.memory_space<semaphore_mem>>) src(%arg16 : memref<32x128xf32, #tpu.memory_space<vmem>>) dst(%dma_wait3A_163 : memref<32x128xf32, #tpu.memory_space<vmem_shared>>)
      tpu.yield
    }) : () -> ()
    %add3A_33 = arith.constant 384 : i32
    %add3A_34 = arith.addi %mul3A_2, %add3A_33 : i32
    "tpu.region"() ({
      %run_scoped3A = tpu.sem_alloc : memref<!tpu.dma_semaphore, #tpu.memory_space<semaphore_mem>>
      %dma_start3A_156 = arith.constant 0 : i32
      %dma_start3A_157 = tpu.memref_slice %arg17[%add3A_34, %dma_start3A_156] : memref<10240x128xf32, #tpu.memory_space<vmem_shared>> -> memref<32x128xf32, #tpu.memory_space<vmem_shared>>
      %dma_start3A_158 = arith.constant 0 : i32
      %dma_start3A_159 = tpu.memref_slice %arg17[%add3A_34, %dma_start3A_158] : memref<10240x128xf32, #tpu.memory_space<vmem_shared>> -> memref<32x128xf32, #tpu.memory_space<vmem_shared>>
      tpu.enqueue_dma source(%arg16 : memref<32x128xf32, #tpu.memory_space<vmem>>) target(%dma_start3A_159 : memref<32x128xf32, #tpu.memory_space<vmem_shared>>) target_semaphore(%run_scoped3A : memref<!tpu.dma_semaphore, #tpu.memory_space<semaphore_mem>>)
      %dma_wait3A_160 = arith.constant 0 : i32
      %dma_wait3A_161 = tpu.memref_slice %arg17[%add3A_34, %dma_wait3A_160] : memref<10240x128xf32, #tpu.memory_space<vmem_shared>> -> memref<32x128xf32, #tpu.memory_space<vmem_shared>>
      %dma_wait3A_162 = arith.constant 0 : i32
      %dma_wait3A_163 = tpu.memref_slice %arg17[%add3A_34, %dma_wait3A_162] : memref<10240x128xf32, #tpu.memory_space<vmem_shared>> -> memref<32x128xf32, #tpu.memory_space<vmem_shared>>
      tpu.wait_dma2 semaphore(%run_scoped3A : memref<!tpu.dma_semaphore, #tpu.memory_space<semaphore_mem>>) src(%arg16 : memref<32x128xf32, #tpu.memory_space<vmem>>) dst(%dma_wait3A_163 : memref<32x128xf32, #tpu.memory_space<vmem_shared>>)
      tpu.yield
    }) : () -> ()
    %add3A_35 = arith.constant 416 : i32
    %add3A_36 = arith.addi %mul3A_2, %add3A_35 : i32
    "tpu.region"() ({
      %run_scoped3A = tpu.sem_alloc : memref<!tpu.dma_semaphore, #tpu.memory_space<semaphore_mem>>
      %dma_start3A_156 = arith.constant 0 : i32
      %dma_start3A_157 = tpu.memref_slice %arg17[%add3A_36, %dma_start3A_156] : memref<10240x128xf32, #tpu.memory_space<vmem_shared>> -> memref<32x128xf32, #tpu.memory_space<vmem_shared>>
      %dma_start3A_158 = arith.constant 0 : i32
      %dma_start3A_159 = tpu.memref_slice %arg17[%add3A_36, %dma_start3A_158] : memref<10240x128xf32, #tpu.memory_space<vmem_shared>> -> memref<32x128xf32, #tpu.memory_space<vmem_shared>>
      tpu.enqueue_dma source(%arg16 : memref<32x128xf32, #tpu.memory_space<vmem>>) target(%dma_start3A_159 : memref<32x128xf32, #tpu.memory_space<vmem_shared>>) target_semaphore(%run_scoped3A : memref<!tpu.dma_semaphore, #tpu.memory_space<semaphore_mem>>)
      %dma_wait3A_160 = arith.constant 0 : i32
      %dma_wait3A_161 = tpu.memref_slice %arg17[%add3A_36, %dma_wait3A_160] : memref<10240x128xf32, #tpu.memory_space<vmem_shared>> -> memref<32x128xf32, #tpu.memory_space<vmem_shared>>
      %dma_wait3A_162 = arith.constant 0 : i32
      %dma_wait3A_163 = tpu.memref_slice %arg17[%add3A_36, %dma_wait3A_162] : memref<10240x128xf32, #tpu.memory_space<vmem_shared>> -> memref<32x128xf32, #tpu.memory_space<vmem_shared>>
      tpu.wait_dma2 semaphore(%run_scoped3A : memref<!tpu.dma_semaphore, #tpu.memory_space<semaphore_mem>>) src(%arg16 : memref<32x128xf32, #tpu.memory_space<vmem>>) dst(%dma_wait3A_163 : memref<32x128xf32, #tpu.memory_space<vmem_shared>>)
      tpu.yield
    }) : () -> ()
    %add3A_37 = arith.constant 448 : i32
    %add3A_38 = arith.addi %mul3A_2, %add3A_37 : i32
    "tpu.region"() ({
      %run_scoped3A = tpu.sem_alloc : memref<!tpu.dma_semaphore, #tpu.memory_space<semaphore_mem>>
      %dma_start3A_156 = arith.constant 0 : i32
      %dma_start3A_157 = tpu.memref_slice %arg17[%add3A_38, %dma_start3A_156] : memref<10240x128xf32, #tpu.memory_space<vmem_shared>> -> memref<32x128xf32, #tpu.memory_space<vmem_shared>>
      %dma_start3A_158 = arith.constant 0 : i32
      %dma_start3A_159 = tpu.memref_slice %arg17[%add3A_38, %dma_start3A_158] : memref<10240x128xf32, #tpu.memory_space<vmem_shared>> -> memref<32x128xf32, #tpu.memory_space<vmem_shared>>
      tpu.enqueue_dma source(%arg16 : memref<32x128xf32, #tpu.memory_space<vmem>>) target(%dma_start3A_159 : memref<32x128xf32, #tpu.memory_space<vmem_shared>>) target_semaphore(%run_scoped3A : memref<!tpu.dma_semaphore, #tpu.memory_space<semaphore_mem>>)
      %dma_wait3A_160 = arith.constant 0 : i32
      %dma_wait3A_161 = tpu.memref_slice %arg17[%add3A_38, %dma_wait3A_160] : memref<10240x128xf32, #tpu.memory_space<vmem_shared>> -> memref<32x128xf32, #tpu.memory_space<vmem_shared>>
      %dma_wait3A_162 = arith.constant 0 : i32
      %dma_wait3A_163 = tpu.memref_slice %arg17[%add3A_38, %dma_wait3A_162] : memref<10240x128xf32, #tpu.memory_space<vmem_shared>> -> memref<32x128xf32, #tpu.memory_space<vmem_shared>>
      tpu.wait_dma2 semaphore(%run_scoped3A : memref<!tpu.dma_semaphore, #tpu.memory_space<semaphore_mem>>) src(%arg16 : memref<32x128xf32, #tpu.memory_space<vmem>>) dst(%dma_wait3A_163 : memref<32x128xf32, #tpu.memory_space<vmem_shared>>)
      tpu.yield
    }) : () -> ()
    %add3A_39 = arith.constant 480 : i32
    %add3A_40 = arith.addi %mul3A_2, %add3A_39 : i32
    "tpu.region"() ({
      %run_scoped3A = tpu.sem_alloc : memref<!tpu.dma_semaphore, #tpu.memory_space<semaphore_mem>>
      %dma_start3A_156 = arith.constant 0 : i32
      %dma_start3A_157 = tpu.memref_slice %arg17[%add3A_40, %dma_start3A_156] : memref<10240x128xf32, #tpu.memory_space<vmem_shared>> -> memref<32x128xf32, #tpu.memory_space<vmem_shared>>
      %dma_start3A_158 = arith.constant 0 : i32
      %dma_start3A_159 = tpu.memref_slice %arg17[%add3A_40, %dma_start3A_158] : memref<10240x128xf32, #tpu.memory_space<vmem_shared>> -> memref<32x128xf32, #tpu.memory_space<vmem_shared>>
      tpu.enqueue_dma source(%arg16 : memref<32x128xf32, #tpu.memory_space<vmem>>) target(%dma_start3A_159 : memref<32x128xf32, #tpu.memory_space<vmem_shared>>) target_semaphore(%run_scoped3A : memref<!tpu.dma_semaphore, #tpu.memory_space<semaphore_mem>>)
      %dma_wait3A_160 = arith.constant 0 : i32
      %dma_wait3A_161 = tpu.memref_slice %arg17[%add3A_40, %dma_wait3A_160] : memref<10240x128xf32, #tpu.memory_space<vmem_shared>> -> memref<32x128xf32, #tpu.memory_space<vmem_shared>>
      %dma_wait3A_162 = arith.constant 0 : i32
      %dma_wait3A_163 = tpu.memref_slice %arg17[%add3A_40, %dma_wait3A_162] : memref<10240x128xf32, #tpu.memory_space<vmem_shared>> -> memref<32x128xf32, #tpu.memory_space<vmem_shared>>
      tpu.wait_dma2 semaphore(%run_scoped3A : memref<!tpu.dma_semaphore, #tpu.memory_space<semaphore_mem>>) src(%arg16 : memref<32x128xf32, #tpu.memory_space<vmem>>) dst(%dma_wait3A_163 : memref<32x128xf32, #tpu.memory_space<vmem_shared>>)
      tpu.yield
    }) : () -> ()
    %add3A_41 = arith.constant 512 : i32
    %add3A_42 = arith.addi %mul3A_2, %add3A_41 : i32
    "tpu.region"() ({
      %run_scoped3A = tpu.sem_alloc : memref<!tpu.dma_semaphore, #tpu.memory_space<semaphore_mem>>
      %dma_start3A_156 = arith.constant 0 : i32
      %dma_start3A_157 = tpu.memref_slice %arg17[%add3A_42, %dma_start3A_156] : memref<10240x128xf32, #tpu.memory_space<vmem_shared>> -> memref<32x128xf32, #tpu.memory_space<vmem_shared>>
      %dma_start3A_158 = arith.constant 0 : i32
      %dma_start3A_159 = tpu.memref_slice %arg17[%add3A_42, %dma_start3A_158] : memref<10240x128xf32, #tpu.memory_space<vmem_shared>> -> memref<32x128xf32, #tpu.memory_space<vmem_shared>>
      tpu.enqueue_dma source(%arg16 : memref<32x128xf32, #tpu.memory_space<vmem>>) target(%dma_start3A_159 : memref<32x128xf32, #tpu.memory_space<vmem_shared>>) target_semaphore(%run_scoped3A : memref<!tpu.dma_semaphore, #tpu.memory_space<semaphore_mem>>)
      %dma_wait3A_160 = arith.constant 0 : i32
      %dma_wait3A_161 = tpu.memref_slice %arg17[%add3A_42, %dma_wait3A_160] : memref<10240x128xf32, #tpu.memory_space<vmem_shared>> -> memref<32x128xf32, #tpu.memory_space<vmem_shared>>
      %dma_wait3A_162 = arith.constant 0 : i32
      %dma_wait3A_163 = tpu.memref_slice %arg17[%add3A_42, %dma_wait3A_162] : memref<10240x128xf32, #tpu.memory_space<vmem_shared>> -> memref<32x128xf32, #tpu.memory_space<vmem_shared>>
      tpu.wait_dma2 semaphore(%run_scoped3A : memref<!tpu.dma_semaphore, #tpu.memory_space<semaphore_mem>>) src(%arg16 : memref<32x128xf32, #tpu.memory_space<vmem>>) dst(%dma_wait3A_163 : memref<32x128xf32, #tpu.memory_space<vmem_shared>>)
      tpu.yield
    }) : () -> ()
    %add3A_43 = arith.constant 544 : i32
    %add3A_44 = arith.addi %mul3A_2, %add3A_43 : i32
    "tpu.region"() ({
      %run_scoped3A = tpu.sem_alloc : memref<!tpu.dma_semaphore, #tpu.memory_space<semaphore_mem>>
      %dma_start3A_156 = arith.constant 0 : i32
      %dma_start3A_157 = tpu.memref_slice %arg17[%add3A_44, %dma_start3A_156] : memref<10240x128xf32, #tpu.memory_space<vmem_shared>> -> memref<32x128xf32, #tpu.memory_space<vmem_shared>>
      %dma_start3A_158 = arith.constant 0 : i32
      %dma_start3A_159 = tpu.memref_slice %arg17[%add3A_44, %dma_start3A_158] : memref<10240x128xf32, #tpu.memory_space<vmem_shared>> -> memref<32x128xf32, #tpu.memory_space<vmem_shared>>
      tpu.enqueue_dma source(%arg16 : memref<32x128xf32, #tpu.memory_space<vmem>>) target(%dma_start3A_159 : memref<32x128xf32, #tpu.memory_space<vmem_shared>>) target_semaphore(%run_scoped3A : memref<!tpu.dma_semaphore, #tpu.memory_space<semaphore_mem>>)
      %dma_wait3A_160 = arith.constant 0 : i32
      %dma_wait3A_161 = tpu.memref_slice %arg17[%add3A_44, %dma_wait3A_160] : memref<10240x128xf32, #tpu.memory_space<vmem_shared>> -> memref<32x128xf32, #tpu.memory_space<vmem_shared>>
      %dma_wait3A_162 = arith.constant 0 : i32
      %dma_wait3A_163 = tpu.memref_slice %arg17[%add3A_44, %dma_wait3A_162] : memref<10240x128xf32, #tpu.memory_space<vmem_shared>> -> memref<32x128xf32, #tpu.memory_space<vmem_shared>>
      tpu.wait_dma2 semaphore(%run_scoped3A : memref<!tpu.dma_semaphore, #tpu.memory_space<semaphore_mem>>) src(%arg16 : memref<32x128xf32, #tpu.memory_space<vmem>>) dst(%dma_wait3A_163 : memref<32x128xf32, #tpu.memory_space<vmem_shared>>)
      tpu.yield
    }) : () -> ()
    %add3A_45 = arith.constant 576 : i32
    %add3A_46 = arith.addi %mul3A_2, %add3A_45 : i32
    "tpu.region"() ({
      %run_scoped3A = tpu.sem_alloc : memref<!tpu.dma_semaphore, #tpu.memory_space<semaphore_mem>>
      %dma_start3A_156 = arith.constant 0 : i32
      %dma_start3A_157 = tpu.memref_slice %arg17[%add3A_46, %dma_start3A_156] : memref<10240x128xf32, #tpu.memory_space<vmem_shared>> -> memref<32x128xf32, #tpu.memory_space<vmem_shared>>
      %dma_start3A_158 = arith.constant 0 : i32
      %dma_start3A_159 = tpu.memref_slice %arg17[%add3A_46, %dma_start3A_158] : memref<10240x128xf32, #tpu.memory_space<vmem_shared>> -> memref<32x128xf32, #tpu.memory_space<vmem_shared>>
      tpu.enqueue_dma source(%arg16 : memref<32x128xf32, #tpu.memory_space<vmem>>) target(%dma_start3A_159 : memref<32x128xf32, #tpu.memory_space<vmem_shared>>) target_semaphore(%run_scoped3A : memref<!tpu.dma_semaphore, #tpu.memory_space<semaphore_mem>>)
      %dma_wait3A_160 = arith.constant 0 : i32
      %dma_wait3A_161 = tpu.memref_slice %arg17[%add3A_46, %dma_wait3A_160] : memref<10240x128xf32, #tpu.memory_space<vmem_shared>> -> memref<32x128xf32, #tpu.memory_space<vmem_shared>>
      %dma_wait3A_162 = arith.constant 0 : i32
      %dma_wait3A_163 = tpu.memref_slice %arg17[%add3A_46, %dma_wait3A_162] : memref<10240x128xf32, #tpu.memory_space<vmem_shared>> -> memref<32x128xf32, #tpu.memory_space<vmem_shared>>
      tpu.wait_dma2 semaphore(%run_scoped3A : memref<!tpu.dma_semaphore, #tpu.memory_space<semaphore_mem>>) src(%arg16 : memref<32x128xf32, #tpu.memory_space<vmem>>) dst(%dma_wait3A_163 : memref<32x128xf32, #tpu.memory_space<vmem_shared>>)
      tpu.yield
    }) : () -> ()
    %add3A_47 = arith.constant 608 : i32
    %add3A_48 = arith.addi %mul3A_2, %add3A_47 : i32
    "tpu.region"() ({
      %run_scoped3A = tpu.sem_alloc : memref<!tpu.dma_semaphore, #tpu.memory_space<semaphore_mem>>
      %dma_start3A_156 = arith.constant 0 : i32
      %dma_start3A_157 = tpu.memref_slice %arg17[%add3A_48, %dma_start3A_156] : memref<10240x128xf32, #tpu.memory_space<vmem_shared>> -> memref<32x128xf32, #tpu.memory_space<vmem_shared>>
      %dma_start3A_158 = arith.constant 0 : i32
      %dma_start3A_159 = tpu.memref_slice %arg17[%add3A_48, %dma_start3A_158] : memref<10240x128xf32, #tpu.memory_space<vmem_shared>> -> memref<32x128xf32, #tpu.memory_space<vmem_shared>>
      tpu.enqueue_dma source(%arg16 : memref<32x128xf32, #tpu.memory_space<vmem>>) target(%dma_start3A_159 : memref<32x128xf32, #tpu.memory_space<vmem_shared>>) target_semaphore(%run_scoped3A : memref<!tpu.dma_semaphore, #tpu.memory_space<semaphore_mem>>)
      %dma_wait3A_160 = arith.constant 0 : i32
      %dma_wait3A_161 = tpu.memref_slice %arg17[%add3A_48, %dma_wait3A_160] : memref<10240x128xf32, #tpu.memory_space<vmem_shared>> -> memref<32x128xf32, #tpu.memory_space<vmem_shared>>
      %dma_wait3A_162 = arith.constant 0 : i32
      %dma_wait3A_163 = tpu.memref_slice %arg17[%add3A_48, %dma_wait3A_162] : memref<10240x128xf32, #tpu.memory_space<vmem_shared>> -> memref<32x128xf32, #tpu.memory_space<vmem_shared>>
      tpu.wait_dma2 semaphore(%run_scoped3A : memref<!tpu.dma_semaphore, #tpu.memory_space<semaphore_mem>>) src(%arg16 : memref<32x128xf32, #tpu.memory_space<vmem>>) dst(%dma_wait3A_163 : memref<32x128xf32, #tpu.memory_space<vmem_shared>>)
      tpu.yield
    }) : () -> ()
    %scan3A_49 = arith.constant 0 : i32
    %scan3A_50 = arith.constant 0 : i32
    %scan3A_51 = arith.constant 40 : i32
    %scan3A_52 = arith.addi %scan3A_50, %scan3A_51 : i32
    %scan3A_53 = arith.constant 1 : i32
    scf.for %scan3A_156 = %scan3A_50 to %scan3A_52 step %scan3A_53  : i32 {
      %mul3A_157 = arith.constant 16 : i32
      %mul3A_158 = arith.muli %scan3A_156, %mul3A_157 : i32
      %swap3A_159 = arith.index_cast %mul3A_158 : i32 to index
      %swap3A_160 = tpu.vector_load %arg19[%swap3A_159] {strides = array<i32>} : memref<640xf32, #tpu.memory_space<vmem>>, vector<16xf32>,
      %swap3A_161 = vector.shape_cast %swap3A_160 : vector<16xf32> to vector<16xf32>
      %swap3A_162 = vector.shape_cast %broadcast_in_dim3A_3 : vector<16xf32> to vector<16xf32>
      tpu.vector_store %arg19[%swap3A_159], %swap3A_162 {strides = array<i32>} : memref<640xf32, #tpu.memory_space<vmem>>, vector<16xf32>,
    }
    %scan3A_54 = arith.constant 40 : i32
    "tpu.region"() ({
      %run_scoped3A = tpu.sem_alloc : memref<!tpu.dma_semaphore, #tpu.memory_space<semaphore_mem>>
      %dma_start3A_156 = tpu.memref_slice %arg20[%mul3A_2] : memref<10240xf32, #tpu.memory_space<vmem_shared>> -> memref<640xf32, #tpu.memory_space<vmem_shared>>
      %dma_start3A_157 = tpu.memref_slice %arg20[%mul3A_2] : memref<10240xf32, #tpu.memory_space<vmem_shared>> -> memref<640xf32, #tpu.memory_space<vmem_shared>>
      tpu.enqueue_dma source(%arg19 : memref<640xf32, #tpu.memory_space<vmem>>) target(%dma_start3A_157 : memref<640xf32, #tpu.memory_space<vmem_shared>>) target_semaphore(%run_scoped3A : memref<!tpu.dma_semaphore, #tpu.memory_space<semaphore_mem>>)
      %dma_wait3A_158 = tpu.memref_slice %arg20[%mul3A_2] : memref<10240xf32, #tpu.memory_space<vmem_shared>> -> memref<640xf32, #tpu.memory_space<vmem_shared>>
      %dma_wait3A_159 = tpu.memref_slice %arg20[%mul3A_2] : memref<10240xf32, #tpu.memory_space<vmem_shared>> -> memref<640xf32, #tpu.memory_space<vmem_shared>>
      tpu.wait_dma2 semaphore(%run_scoped3A : memref<!tpu.dma_semaphore, #tpu.memory_space<semaphore_mem>>) src(%arg19 : memref<640xf32, #tpu.memory_space<vmem>>) dst(%dma_wait3A_159 : memref<640xf32, #tpu.memory_space<vmem_shared>>)
      tpu.yield
    }) : () -> ()
    %broadcast_in_dim3A_55 = arith.constant 1.000000e+00 : f32
    %broadcast_in_dim3A_56 = vector.broadcast %broadcast_in_dim3A_55 : f32 to vector<16xf32>
    %swap3A = arith.constant 0 : index
    %swap3A_57 = tpu.vector_load %arg18[%swap3A] {strides = array<i32>} : memref<80xf32, #tpu.memory_space<vmem>>, vector<16xf32>,
    %swap3A_58 = vector.shape_cast %swap3A_57 : vector<16xf32> to vector<16xf32>
    %swap3A_59 = vector.shape_cast %broadcast_in_dim3A_56 : vector<16xf32> to vector<16xf32>
    tpu.vector_store %arg18[%swap3A], %swap3A_59 {strides = array<i32>} : memref<80xf32, #tpu.memory_space<vmem>>, vector<16xf32>,
    %swap3A_60 = arith.constant 16 : index
    %swap3A_61 = tpu.vector_load %arg18[%swap3A_60] {strides = array<i32>} : memref<80xf32, #tpu.memory_space<vmem>>, vector<16xf32>,
    %swap3A_62 = vector.shape_cast %swap3A_61 : vector<16xf32> to vector<16xf32>
    %swap3A_63 = vector.shape_cast %broadcast_in_dim3A_56 : vector<16xf32> to vector<16xf32>
    tpu.vector_store %arg18[%swap3A_60], %swap3A_63 {strides = array<i32>} : memref<80xf32, #tpu.memory_space<vmem>>, vector<16xf32>,
    %swap3A_64 = arith.constant 32 : index
    %swap3A_65 = tpu.vector_load %arg18[%swap3A_64] {strides = array<i32>} : memref<80xf32, #tpu.memory_space<vmem>>, vector<16xf32>,
    %swap3A_66 = vector.shape_cast %swap3A_65 : vector<16xf32> to vector<16xf32>
    %swap3A_67 = vector.shape_cast %broadcast_in_dim3A_56 : vector<16xf32> to vector<16xf32>
    tpu.vector_store %arg18[%swap3A_64], %swap3A_67 {strides = array<i32>} : memref<80xf32, #tpu.memory_space<vmem>>, vector<16xf32>,
    %swap3A_68 = arith.constant 48 : index
    %swap3A_69 = tpu.vector_load %arg18[%swap3A_68] {strides = array<i32>} : memref<80xf32, #tpu.memory_space<vmem>>, vector<16xf32>,
    %swap3A_70 = vector.shape_cast %swap3A_69 : vector<16xf32> to vector<16xf32>
    %swap3A_71 = vector.shape_cast %broadcast_in_dim3A_56 : vector<16xf32> to vector<16xf32>
    tpu.vector_store %arg18[%swap3A_68], %swap3A_71 {strides = array<i32>} : memref<80xf32, #tpu.memory_space<vmem>>, vector<16xf32>,
    %swap3A_72 = arith.constant 64 : index
    %swap3A_73 = tpu.vector_load %arg18[%swap3A_72] {strides = array<i32>} : memref<80xf32, #tpu.memory_space<vmem>>, vector<16xf32>,
    %swap3A_74 = vector.shape_cast %swap3A_73 : vector<16xf32> to vector<16xf32>
    %swap3A_75 = vector.shape_cast %broadcast_in_dim3A_56 : vector<16xf32> to vector<16xf32>
    tpu.vector_store %arg18[%swap3A_72], %swap3A_75 {strides = array<i32>} : memref<80xf32, #tpu.memory_space<vmem>>, vector<16xf32>,
    %mul3A_76 = arith.constant 10000 : i32
    %mul3A_77 = arith.muli %add3A, %mul3A_76 : i32
    "tpu.region"() ({
      %run_scoped3A = tpu.sem_alloc : memref<!tpu.dma_semaphore, #tpu.memory_space<semaphore_mem>>
      %dma_start3A_156 = tpu.memref_slice %arg3[%mul3A_77] : memref<320000xi32, #tpu.memory_space<hbm>> -> memref<10000xi32, #tpu.memory_space<hbm>>
      %dma_start3A_157 = tpu.memref_slice %arg3[%mul3A_77] : memref<320000xi32, #tpu.memory_space<hbm>> -> memref<10000xi32, #tpu.memory_space<hbm>>
      tpu.enqueue_dma source(%dma_start3A_157 : memref<10000xi32, #tpu.memory_space<hbm>>) target(%arg9 : memref<10000xi32, #tpu.memory_space<vmem>>) target_semaphore(%run_scoped3A : memref<!tpu.dma_semaphore, #tpu.memory_space<semaphore_mem>>)
      %dma_wait3A_158 = tpu.memref_slice %arg3[%mul3A_77] : memref<320000xi32, #tpu.memory_space<hbm>> -> memref<10000xi32, #tpu.memory_space<hbm>>
      %dma_wait3A_159 = tpu.memref_slice %arg3[%mul3A_77] : memref<320000xi32, #tpu.memory_space<hbm>> -> memref<10000xi32, #tpu.memory_space<hbm>>
      tpu.wait_dma2 semaphore(%run_scoped3A : memref<!tpu.dma_semaphore, #tpu.memory_space<semaphore_mem>>) src(%dma_wait3A_159 : memref<10000xi32, #tpu.memory_space<hbm>>) dst(%arg9 : memref<10000xi32, #tpu.memory_space<vmem>>)
      tpu.yield
    }) : () -> ()
    %barrier3A = arith.constant 0 : index
    tpu.barrier barrier_id(%barrier3A)
    %mul3A_78 = arith.constant 10000 : i32
    %mul3A_79 = arith.muli %add3A, %mul3A_78 : i32
    %add3A_80 = arith.constant 0 : i32
    %add3A_81 = arith.addi %mul3A_79, %add3A_80 : i32
    %multiple_of3A = tpu.assume_multiple %add3A_81, 8 : i32
    %dma_start3A = tpu.memref_slice %arg4[%multiple_of3A] : memref<320000xi32, #tpu.memory_space<hbm>> -> memref<80xi32, #tpu.memory_space<hbm>>
    %dma_start3A_82 = tpu.memref_slice %arg4[%multiple_of3A] : memref<320000xi32, #tpu.memory_space<hbm>> -> memref<80xi32, #tpu.memory_space<hbm>>
    tpu.enqueue_dma source(%dma_start3A_82 : memref<80xi32, #tpu.memory_space<hbm>>) target(%arg10 : memref<80xi32, #tpu.memory_space<vmem>>) target_semaphore(%arg21 : memref<!tpu.dma_semaphore, #tpu.memory_space<semaphore_mem>>)
    %multiple_of3A_83 = arith.constant 0 : i32
    %multiple_of3A_84 = tpu.assume_multiple %multiple_of3A_83, 8 : i32
    %dma_start3A_85 = tpu.memref_slice %arg9[%multiple_of3A_84] : memref<10000xi32, #tpu.memory_space<vmem>> -> memref<80xi32, #tpu.memory_space<vmem>>
    %dma_start3A_86 = arith.constant 0 : i32
    %dma_start3A_87 = arith.constant 0 : i32
    %dma_start3A_88 = tpu.memref_slice %arg2[%dma_start3A_86, %dma_start3A_87] : memref<10000x128xf32, #tpu.memory_space<hbm>> -> memref<10000x128xf32, #tpu.memory_space<hbm>>
    tpu.enqueue_indirect_dma source(%dma_start3A_88 : memref<10000x128xf32, #tpu.memory_space<hbm>>) target(%arg13 : memref<80x128xf32, #tpu.memory_space<vmem>>) offsets(%dma_start3A_85 : memref<80xi32, #tpu.memory_space<vmem>>) semaphore(%arg24 : memref<!tpu.dma_semaphore, #tpu.memory_space<semaphore_mem>>)
    %mul3A_89 = arith.constant 10000 : i32
    %mul3A_90 = arith.muli %add3A, %mul3A_89 : i32
    %add3A_91 = arith.constant 80 : i32
    %add3A_92 = arith.addi %mul3A_90, %add3A_91 : i32
    %multiple_of3A_93 = tpu.assume_multiple %add3A_92, 8 : i32
    %dma_start3A_94 = tpu.memref_slice %arg4[%multiple_of3A_93] : memref<320000xi32, #tpu.memory_space<hbm>> -> memref<80xi32, #tpu.memory_space<hbm>>
    %dma_start3A_95 = tpu.memref_slice %arg4[%multiple_of3A_93] : memref<320000xi32, #tpu.memory_space<hbm>> -> memref<80xi32, #tpu.memory_space<hbm>>
    tpu.enqueue_dma source(%dma_start3A_95 : memref<80xi32, #tpu.memory_space<hbm>>) target(%arg11 : memref<80xi32, #tpu.memory_space<vmem>>) target_semaphore(%arg22 : memref<!tpu.dma_semaphore, #tpu.memory_space<semaphore_mem>>)
    %multiple_of3A_96 = arith.constant 80 : i32
    %multiple_of3A_97 = tpu.assume_multiple %multiple_of3A_96, 8 : i32
    %dma_start3A_98 = tpu.memref_slice %arg9[%multiple_of3A_97] : memref<10000xi32, #tpu.memory_space<vmem>> -> memref<80xi32, #tpu.memory_space<vmem>>
    %dma_start3A_99 = arith.constant 0 : i32
    %dma_start3A_100 = arith.constant 0 : i32
    %dma_start3A_101 = tpu.memref_slice %arg2[%dma_start3A_99, %dma_start3A_100] : memref<10000x128xf32, #tpu.memory_space<hbm>> -> memref<10000x128xf32, #tpu.memory_space<hbm>>
    tpu.enqueue_indirect_dma source(%dma_start3A_101 : memref<10000x128xf32, #tpu.memory_space<hbm>>) target(%arg14 : memref<80x128xf32, #tpu.memory_space<vmem>>) offsets(%dma_start3A_98 : memref<80xi32, #tpu.memory_space<vmem>>) semaphore(%arg25 : memref<!tpu.dma_semaphore, #tpu.memory_space<semaphore_mem>>)
    %mul3A_102 = arith.constant 10000 : i32
    %mul3A_103 = arith.muli %add3A, %mul3A_102 : i32
    %add3A_104 = arith.constant 160 : i32
    %add3A_105 = arith.addi %mul3A_103, %add3A_104 : i32
    %multiple_of3A_106 = tpu.assume_multiple %add3A_105, 8 : i32
    %dma_start3A_107 = tpu.memref_slice %arg4[%multiple_of3A_106] : memref<320000xi32, #tpu.memory_space<hbm>> -> memref<80xi32, #tpu.memory_space<hbm>>
    %dma_start3A_108 = tpu.memref_slice %arg4[%multiple_of3A_106] : memref<320000xi32, #tpu.memory_space<hbm>> -> memref<80xi32, #tpu.memory_space<hbm>>
    tpu.enqueue_dma source(%dma_start3A_108 : memref<80xi32, #tpu.memory_space<hbm>>) target(%arg12 : memref<80xi32, #tpu.memory_space<vmem>>) target_semaphore(%arg23 : memref<!tpu.dma_semaphore, #tpu.memory_space<semaphore_mem>>)
    %multiple_of3A_109 = arith.constant 160 : i32
    %multiple_of3A_110 = tpu.assume_multiple %multiple_of3A_109, 8 : i32
    %dma_start3A_111 = tpu.memref_slice %arg9[%multiple_of3A_110] : memref<10000xi32, #tpu.memory_space<vmem>> -> memref<80xi32, #tpu.memory_space<vmem>>
    %dma_start3A_112 = arith.constant 0 : i32
    %dma_start3A_113 = arith.constant 0 : i32
    %dma_start3A_114 = tpu.memref_slice %arg2[%dma_start3A_112, %dma_start3A_113] : memref<10000x128xf32, #tpu.memory_space<hbm>> -> memref<10000x128xf32, #tpu.memory_space<hbm>>
    tpu.enqueue_indirect_dma source(%dma_start3A_114 : memref<10000x128xf32, #tpu.memory_space<hbm>>) target(%arg15 : memref<80x128xf32, #tpu.memory_space<vmem>>) offsets(%dma_start3A_111 : memref<80xi32, #tpu.memory_space<vmem>>) semaphore(%arg26 : memref<!tpu.dma_semaphore, #tpu.memory_space<semaphore_mem>>)
    %scan3A_115 = arith.constant 0 : i32
    %scan3A_116 = arith.constant 0 : i32
    %scan3A_117 = arith.constant 41 : i32
    %scan3A_118 = arith.addi %scan3A_116, %scan3A_117 : i32
    %scan3A_119 = arith.constant 1 : i32
    scf.for %scan3A_156 = %scan3A_116 to %scan3A_118 step %scan3A_119  : i32 {
      %mul3A_157 = arith.constant 3 : i32
      %mul3A_158 = arith.muli %mul3A_157, %scan3A_156 : i32
      %dma_wait3A_159 = arith.constant 0 : i32
      %dma_wait3A_160 = tpu.memref_slice %arg4[%dma_wait3A_159] : memref<320000xi32, #tpu.memory_space<hbm>> -> memref<80xi32, #tpu.memory_space<hbm>>
      %dma_wait3A_161 = arith.constant 0 : i32
      %dma_wait3A_162 = tpu.memref_slice %arg4[%dma_wait3A_161] : memref<320000xi32, #tpu.memory_space<hbm>> -> memref<80xi32, #tpu.memory_space<hbm>>
      tpu.wait_dma2 semaphore(%arg21 : memref<!tpu.dma_semaphore, #tpu.memory_space<semaphore_mem>>) src(%dma_wait3A_162 : memref<80xi32, #tpu.memory_space<hbm>>) dst(%arg10 : memref<80xi32, #tpu.memory_space<vmem>>)
      %dma_wait3A_163 = arith.constant 0 : i32
      %dma_wait3A_164 = tpu.memref_slice %arg9[%dma_wait3A_163] : memref<10000xi32, #tpu.memory_space<vmem>> -> memref<80xi32, #tpu.memory_space<vmem>>
      %dma_wait3A_165 = arith.constant 0 : i32
      %dma_wait3A_166 = arith.constant 0 : i32
      %dma_wait3A_167 = tpu.memref_slice %arg2[%dma_wait3A_165, %dma_wait3A_166] : memref<10000x128xf32, #tpu.memory_space<hbm>> -> memref<10000x128xf32, #tpu.memory_space<hbm>>
      tpu.wait_indirect_dma semaphore(%arg24 : memref<!tpu.dma_semaphore, #tpu.memory_space<semaphore_mem>>) src(%dma_wait3A_167 : memref<10000x128xf32, #tpu.memory_space<hbm>>) dst(%arg13 : memref<80x128xf32, #tpu.memory_space<vmem>>)
      "tpu.region"() ({
        %run_scoped3A = tpu.sem_alloc : memref<!tpu.dma_semaphore, #tpu.memory_space<semaphore_mem>>
        %dma_start3A_212 = arith.constant 0 : i32
        %dma_start3A_213 = arith.constant 0 : i32
        %dma_start3A_214 = tpu.memref_slice %arg17[%dma_start3A_212, %dma_start3A_213] : memref<10240x128xf32, #tpu.memory_space<vmem_shared>> -> memref<10240x128xf32, #tpu.memory_space<vmem_shared>>
        tpu.enqueue_indirect_dma source(%arg13 : memref<80x128xf32, #tpu.memory_space<vmem>>) target(%dma_start3A_214 : memref<10240x128xf32, #tpu.memory_space<vmem_shared>>) offsets(%arg10 : memref<80xi32, #tpu.memory_space<vmem>>) semaphore(%run_scoped3A : memref<!tpu.dma_semaphore, #tpu.memory_space<semaphore_mem>>) {add = true}
        %dma_wait3A_215 = arith.constant 0 : i32
        %dma_wait3A_216 = arith.constant 0 : i32
        %dma_wait3A_217 = tpu.memref_slice %arg17[%dma_wait3A_215, %dma_wait3A_216] : memref<10240x128xf32, #tpu.memory_space<vmem_shared>> -> memref<10240x128xf32, #tpu.memory_space<vmem_shared>>
        tpu.wait_indirect_dma semaphore(%run_scoped3A : memref<!tpu.dma_semaphore, #tpu.memory_space<semaphore_mem>>) src(%arg13 : memref<80x128xf32, #tpu.memory_space<vmem>>) dst(%dma_wait3A_217 : memref<10240x128xf32, #tpu.memory_space<vmem_shared>>)
        tpu.yield
      }) : () -> ()
      "tpu.region"() ({
        %run_scoped3A = tpu.sem_alloc : memref<!tpu.dma_semaphore, #tpu.memory_space<semaphore_mem>>
        %dma_start3A_212 = arith.constant 0 : i32
        %dma_start3A_213 = tpu.memref_slice %arg20[%dma_start3A_212] : memref<10240xf32, #tpu.memory_space<vmem_shared>> -> memref<10240xf32, #tpu.memory_space<vmem_shared>>
        tpu.enqueue_indirect_dma source(%arg18 : memref<80xf32, #tpu.memory_space<vmem>>) target(%dma_start3A_213 : memref<10240xf32, #tpu.memory_space<vmem_shared>>) offsets(%arg10 : memref<80xi32, #tpu.memory_space<vmem>>) semaphore(%run_scoped3A : memref<!tpu.dma_semaphore, #tpu.memory_space<semaphore_mem>>) {add = true}
        %dma_wait3A_214 = arith.constant 0 : i32
        %dma_wait3A_215 = tpu.memref_slice %arg20[%dma_wait3A_214] : memref<10240xf32, #tpu.memory_space<vmem_shared>> -> memref<10240xf32, #tpu.memory_space<vmem_shared>>
        tpu.wait_indirect_dma semaphore(%run_scoped3A : memref<!tpu.dma_semaphore, #tpu.memory_space<semaphore_mem>>) src(%arg18 : memref<80xf32, #tpu.memory_space<vmem>>) dst(%dma_wait3A_215 : memref<10240xf32, #tpu.memory_space<vmem_shared>>)
        tpu.yield
      }) : () -> ()
      %add3A_168 = arith.constant 0 : i32
      %add3A_169 = arith.addi %mul3A_158, %add3A_168 : i32
      %add3A_170 = arith.constant 3 : i32
      %add3A_171 = arith.addi %add3A_169, %add3A_170 : i32
      %lt3A = arith.constant 125 : i32
      %lt3A_172 = arith.cmpi slt, %add3A_171, %lt3A : i32
      %convert_element_type3A_173 = arith.extui %lt3A_172 : i1 to i32
      %cond3A_174 = arith.constant 0 : i32
      %cond3A_175 = arith.cmpi ne, %convert_element_type3A_173, %cond3A_174 : i32
      scf.if %cond3A_175 {
        %add3A_212 = arith.constant 0 : i32
        %add3A_213 = arith.addi %mul3A_158, %add3A_212 : i32
        %add3A_214 = arith.constant 3 : i32
        %add3A_215 = arith.addi %add3A_213, %add3A_214 : i32
        %mul3A_216 = arith.constant 10000 : i32
        %mul3A_217 = arith.muli %add3A, %mul3A_216 : i32
        %mul3A_218 = arith.constant 80 : i32
        %mul3A_219 = arith.muli %add3A_215, %mul3A_218 : i32
        %add3A_220 = arith.addi %mul3A_217, %mul3A_219 : i32
        %multiple_of3A_221 = tpu.assume_multiple %add3A_220, 8 : i32
        %dma_start3A_222 = tpu.memref_slice %arg4[%multiple_of3A_221] : memref<320000xi32, #tpu.memory_space<hbm>> -> memref<80xi32, #tpu.memory_space<hbm>>
        %dma_start3A_223 = tpu.memref_slice %arg4[%multiple_of3A_221] : memref<320000xi32, #tpu.memory_space<hbm>> -> memref<80xi32, #tpu.memory_space<hbm>>
        tpu.enqueue_dma source(%dma_start3A_223 : memref<80xi32, #tpu.memory_space<hbm>>) target(%arg10 : memref<80xi32, #tpu.memory_space<vmem>>) target_semaphore(%arg21 : memref<!tpu.dma_semaphore, #tpu.memory_space<semaphore_mem>>)
        %mul3A_224 = arith.constant 80 : i32
        %mul3A_225 = arith.muli %add3A_215, %mul3A_224 : i32
        %multiple_of3A_226 = tpu.assume_multiple %mul3A_225, 8 : i32
        %dma_start3A_227 = tpu.memref_slice %arg9[%multiple_of3A_226] : memref<10000xi32, #tpu.memory_space<vmem>> -> memref<80xi32, #tpu.memory_space<vmem>>
        %dma_start3A_228 = arith.constant 0 : i32
        %dma_start3A_229 = arith.constant 0 : i32
        %dma_start3A_230 = tpu.memref_slice %arg2[%dma_start3A_228, %dma_start3A_229] : memref<10000x128xf32, #tpu.memory_space<hbm>> -> memref<10000x128xf32, #tpu.memory_space<hbm>>
        tpu.enqueue_indirect_dma source(%dma_start3A_230 : memref<10000x128xf32, #tpu.memory_space<hbm>>) target(%arg13 : memref<80x128xf32, #tpu.memory_space<vmem>>) offsets(%dma_start3A_227 : memref<80xi32, #tpu.memory_space<vmem>>) semaphore(%arg24 : memref<!tpu.dma_semaphore, #tpu.memory_space<semaphore_mem>>)
      } else {
      }
      %dma_wait3A_176 = arith.constant 0 : i32
      %dma_wait3A_177 = tpu.memref_slice %arg4[%dma_wait3A_176] : memref<320000xi32, #tpu.memory_space<hbm>> -> memref<80xi32, #tpu.memory_space<hbm>>
      %dma_wait3A_178 = arith.constant 0 : i32
      %dma_wait3A_179 = tpu.memref_slice %arg4[%dma_wait3A_178] : memref<320000xi32, #tpu.memory_space<hbm>> -> memref<80xi32, #tpu.memory_space<hbm>>
      tpu.wait_dma2 semaphore(%arg22 : memref<!tpu.dma_semaphore, #tpu.memory_space<semaphore_mem>>) src(%dma_wait3A_179 : memref<80xi32, #tpu.memory_space<hbm>>) dst(%arg11 : memref<80xi32, #tpu.memory_space<vmem>>)
      %dma_wait3A_180 = arith.constant 0 : i32
      %dma_wait3A_181 = tpu.memref_slice %arg9[%dma_wait3A_180] : memref<10000xi32, #tpu.memory_space<vmem>> -> memref<80xi32, #tpu.memory_space<vmem>>
      %dma_wait3A_182 = arith.constant 0 : i32
      %dma_wait3A_183 = arith.constant 0 : i32
      %dma_wait3A_184 = tpu.memref_slice %arg2[%dma_wait3A_182, %dma_wait3A_183] : memref<10000x128xf32, #tpu.memory_space<hbm>> -> memref<10000x128xf32, #tpu.memory_space<hbm>>
      tpu.wait_indirect_dma semaphore(%arg25 : memref<!tpu.dma_semaphore, #tpu.memory_space<semaphore_mem>>) src(%dma_wait3A_184 : memref<10000x128xf32, #tpu.memory_space<hbm>>) dst(%arg14 : memref<80x128xf32, #tpu.memory_space<vmem>>)
      "tpu.region"() ({
        %run_scoped3A = tpu.sem_alloc : memref<!tpu.dma_semaphore, #tpu.memory_space<semaphore_mem>>
        %dma_start3A_212 = arith.constant 0 : i32
        %dma_start3A_213 = arith.constant 0 : i32
        %dma_start3A_214 = tpu.memref_slice %arg17[%dma_start3A_212, %dma_start3A_213] : memref<10240x128xf32, #tpu.memory_space<vmem_shared>> -> memref<10240x128xf32, #tpu.memory_space<vmem_shared>>
        tpu.enqueue_indirect_dma source(%arg14 : memref<80x128xf32, #tpu.memory_space<vmem>>) target(%dma_start3A_214 : memref<10240x128xf32, #tpu.memory_space<vmem_shared>>) offsets(%arg11 : memref<80xi32, #tpu.memory_space<vmem>>) semaphore(%run_scoped3A : memref<!tpu.dma_semaphore, #tpu.memory_space<semaphore_mem>>) {add = true}
        %dma_wait3A_215 = arith.constant 0 : i32
        %dma_wait3A_216 = arith.constant 0 : i32
        %dma_wait3A_217 = tpu.memref_slice %arg17[%dma_wait3A_215, %dma_wait3A_216] : memref<10240x128xf32, #tpu.memory_space<vmem_shared>> -> memref<10240x128xf32, #tpu.memory_space<vmem_shared>>
        tpu.wait_indirect_dma semaphore(%run_scoped3A : memref<!tpu.dma_semaphore, #tpu.memory_space<semaphore_mem>>) src(%arg14 : memref<80x128xf32, #tpu.memory_space<vmem>>) dst(%dma_wait3A_217 : memref<10240x128xf32, #tpu.memory_space<vmem_shared>>)
        tpu.yield
      }) : () -> ()
      "tpu.region"() ({
        %run_scoped3A = tpu.sem_alloc : memref<!tpu.dma_semaphore, #tpu.memory_space<semaphore_mem>>
        %dma_start3A_212 = arith.constant 0 : i32
        %dma_start3A_213 = tpu.memref_slice %arg20[%dma_start3A_212] : memref<10240xf32, #tpu.memory_space<vmem_shared>> -> memref<10240xf32, #tpu.memory_space<vmem_shared>>
        tpu.enqueue_indirect_dma source(%arg18 : memref<80xf32, #tpu.memory_space<vmem>>) target(%dma_start3A_213 : memref<10240xf32, #tpu.memory_space<vmem_shared>>) offsets(%arg11 : memref<80xi32, #tpu.memory_space<vmem>>) semaphore(%run_scoped3A : memref<!tpu.dma_semaphore, #tpu.memory_space<semaphore_mem>>) {add = true}
        %dma_wait3A_214 = arith.constant 0 : i32
        %dma_wait3A_215 = tpu.memref_slice %arg20[%dma_wait3A_214] : memref<10240xf32, #tpu.memory_space<vmem_shared>> -> memref<10240xf32, #tpu.memory_space<vmem_shared>>
        tpu.wait_indirect_dma semaphore(%run_scoped3A : memref<!tpu.dma_semaphore, #tpu.memory_space<semaphore_mem>>) src(%arg18 : memref<80xf32, #tpu.memory_space<vmem>>) dst(%dma_wait3A_215 : memref<10240xf32, #tpu.memory_space<vmem_shared>>)
        tpu.yield
      }) : () -> ()
      %add3A_185 = arith.constant 1 : i32
      %add3A_186 = arith.addi %mul3A_158, %add3A_185 : i32
      %add3A_187 = arith.constant 3 : i32
      %add3A_188 = arith.addi %add3A_186, %add3A_187 : i32
      %lt3A_189 = arith.constant 125 : i32
      %lt3A_190 = arith.cmpi slt, %add3A_188, %lt3A_189 : i32
      %convert_element_type3A_191 = arith.extui %lt3A_190 : i1 to i32
      %cond3A_192 = arith.constant 0 : i32
      %cond3A_193 = arith.cmpi ne, %convert_element_type3A_191, %cond3A_192 : i32
      scf.if %cond3A_193 {
        %add3A_212 = arith.constant 1 : i32
        %add3A_213 = arith.addi %mul3A_158, %add3A_212 : i32
        %add3A_214 = arith.constant 3 : i32
        %add3A_215 = arith.addi %add3A_213, %add3A_214 : i32
        %mul3A_216 = arith.constant 10000 : i32
        %mul3A_217 = arith.muli %add3A, %mul3A_216 : i32
        %mul3A_218 = arith.constant 80 : i32
        %mul3A_219 = arith.muli %add3A_215, %mul3A_218 : i32
        %add3A_220 = arith.addi %mul3A_217, %mul3A_219 : i32
        %multiple_of3A_221 = tpu.assume_multiple %add3A_220, 8 : i32
        %dma_start3A_222 = tpu.memref_slice %arg4[%multiple_of3A_221] : memref<320000xi32, #tpu.memory_space<hbm>> -> memref<80xi32, #tpu.memory_space<hbm>>
        %dma_start3A_223 = tpu.memref_slice %arg4[%multiple_of3A_221] : memref<320000xi32, #tpu.memory_space<hbm>> -> memref<80xi32, #tpu.memory_space<hbm>>
        tpu.enqueue_dma source(%dma_start3A_223 : memref<80xi32, #tpu.memory_space<hbm>>) target(%arg11 : memref<80xi32, #tpu.memory_space<vmem>>) target_semaphore(%arg22 : memref<!tpu.dma_semaphore, #tpu.memory_space<semaphore_mem>>)
        %mul3A_224 = arith.constant 80 : i32
        %mul3A_225 = arith.muli %add3A_215, %mul3A_224 : i32
        %multiple_of3A_226 = tpu.assume_multiple %mul3A_225, 8 : i32
        %dma_start3A_227 = tpu.memref_slice %arg9[%multiple_of3A_226] : memref<10000xi32, #tpu.memory_space<vmem>> -> memref<80xi32, #tpu.memory_space<vmem>>
        %dma_start3A_228 = arith.constant 0 : i32
        %dma_start3A_229 = arith.constant 0 : i32
        %dma_start3A_230 = tpu.memref_slice %arg2[%dma_start3A_228, %dma_start3A_229] : memref<10000x128xf32, #tpu.memory_space<hbm>> -> memref<10000x128xf32, #tpu.memory_space<hbm>>
        tpu.enqueue_indirect_dma source(%dma_start3A_230 : memref<10000x128xf32, #tpu.memory_space<hbm>>) target(%arg14 : memref<80x128xf32, #tpu.memory_space<vmem>>) offsets(%dma_start3A_227 : memref<80xi32, #tpu.memory_space<vmem>>) semaphore(%arg25 : memref<!tpu.dma_semaphore, #tpu.memory_space<semaphore_mem>>)
      } else {
      }
      %dma_wait3A_194 = arith.constant 0 : i32
      %dma_wait3A_195 = tpu.memref_slice %arg4[%dma_wait3A_194] : memref<320000xi32, #tpu.memory_space<hbm>> -> memref<80xi32, #tpu.memory_space<hbm>>
      %dma_wait3A_196 = arith.constant 0 : i32
      %dma_wait3A_197 = tpu.memref_slice %arg4[%dma_wait3A_196] : memref<320000xi32, #tpu.memory_space<hbm>> -> memref<80xi32, #tpu.memory_space<hbm>>
      tpu.wait_dma2 semaphore(%arg23 : memref<!tpu.dma_semaphore, #tpu.memory_space<semaphore_mem>>) src(%dma_wait3A_197 : memref<80xi32, #tpu.memory_space<hbm>>) dst(%arg12 : memref<80xi32, #tpu.memory_space<vmem>>)
      %dma_wait3A_198 = arith.constant 0 : i32
      %dma_wait3A_199 = tpu.memref_slice %arg9[%dma_wait3A_198] : memref<10000xi32, #tpu.memory_space<vmem>> -> memref<80xi32, #tpu.memory_space<vmem>>
      %dma_wait3A_200 = arith.constant 0 : i32
      %dma_wait3A_201 = arith.constant 0 : i32
      %dma_wait3A_202 = tpu.memref_slice %arg2[%dma_wait3A_200, %dma_wait3A_201] : memref<10000x128xf32, #tpu.memory_space<hbm>> -> memref<10000x128xf32, #tpu.memory_space<hbm>>
      tpu.wait_indirect_dma semaphore(%arg26 : memref<!tpu.dma_semaphore, #tpu.memory_space<semaphore_mem>>) src(%dma_wait3A_202 : memref<10000x128xf32, #tpu.memory_space<hbm>>) dst(%arg15 : memref<80x128xf32, #tpu.memory_space<vmem>>)
      "tpu.region"() ({
        %run_scoped3A = tpu.sem_alloc : memref<!tpu.dma_semaphore, #tpu.memory_space<semaphore_mem>>
        %dma_start3A_212 = arith.constant 0 : i32
        %dma_start3A_213 = arith.constant 0 : i32
        %dma_start3A_214 = tpu.memref_slice %arg17[%dma_start3A_212, %dma_start3A_213] : memref<10240x128xf32, #tpu.memory_space<vmem_shared>> -> memref<10240x128xf32, #tpu.memory_space<vmem_shared>>
        tpu.enqueue_indirect_dma source(%arg15 : memref<80x128xf32, #tpu.memory_space<vmem>>) target(%dma_start3A_214 : memref<10240x128xf32, #tpu.memory_space<vmem_shared>>) offsets(%arg12 : memref<80xi32, #tpu.memory_space<vmem>>) semaphore(%run_scoped3A : memref<!tpu.dma_semaphore, #tpu.memory_space<semaphore_mem>>) {add = true}
        %dma_wait3A_215 = arith.constant 0 : i32
        %dma_wait3A_216 = arith.constant 0 : i32
        %dma_wait3A_217 = tpu.memref_slice %arg17[%dma_wait3A_215, %dma_wait3A_216] : memref<10240x128xf32, #tpu.memory_space<vmem_shared>> -> memref<10240x128xf32, #tpu.memory_space<vmem_shared>>
        tpu.wait_indirect_dma semaphore(%run_scoped3A : memref<!tpu.dma_semaphore, #tpu.memory_space<semaphore_mem>>) src(%arg15 : memref<80x128xf32, #tpu.memory_space<vmem>>) dst(%dma_wait3A_217 : memref<10240x128xf32, #tpu.memory_space<vmem_shared>>)
        tpu.yield
      }) : () -> ()
      "tpu.region"() ({
        %run_scoped3A = tpu.sem_alloc : memref<!tpu.dma_semaphore, #tpu.memory_space<semaphore_mem>>
        %dma_start3A_212 = arith.constant 0 : i32
        %dma_start3A_213 = tpu.memref_slice %arg20[%dma_start3A_212] : memref<10240xf32, #tpu.memory_space<vmem_shared>> -> memref<10240xf32, #tpu.memory_space<vmem_shared>>
        tpu.enqueue_indirect_dma source(%arg18 : memref<80xf32, #tpu.memory_space<vmem>>) target(%dma_start3A_213 : memref<10240xf32, #tpu.memory_space<vmem_shared>>) offsets(%arg12 : memref<80xi32, #tpu.memory_space<vmem>>) semaphore(%run_scoped3A : memref<!tpu.dma_semaphore, #tpu.memory_space<semaphore_mem>>) {add = true}
        %dma_wait3A_214 = arith.constant 0 : i32
        %dma_wait3A_215 = tpu.memref_slice %arg20[%dma_wait3A_214] : memref<10240xf32, #tpu.memory_space<vmem_shared>> -> memref<10240xf32, #tpu.memory_space<vmem_shared>>
        tpu.wait_indirect_dma semaphore(%run_scoped3A : memref<!tpu.dma_semaphore, #tpu.memory_space<semaphore_mem>>) src(%arg18 : memref<80xf32, #tpu.memory_space<vmem>>) dst(%dma_wait3A_215 : memref<10240xf32, #tpu.memory_space<vmem_shared>>)
        tpu.yield
      }) : () -> ()
      %add3A_203 = arith.constant 2 : i32
      %add3A_204 = arith.addi %mul3A_158, %add3A_203 : i32
      %add3A_205 = arith.constant 3 : i32
      %add3A_206 = arith.addi %add3A_204, %add3A_205 : i32
      %lt3A_207 = arith.constant 125 : i32
      %lt3A_208 = arith.cmpi slt, %add3A_206, %lt3A_207 : i32
      %convert_element_type3A_209 = arith.extui %lt3A_208 : i1 to i32
      %cond3A_210 = arith.constant 0 : i32
      %cond3A_211 = arith.cmpi ne, %convert_element_type3A_209, %cond3A_210 : i32
      scf.if %cond3A_211 {
        %add3A_212 = arith.constant 2 : i32
        %add3A_213 = arith.addi %mul3A_158, %add3A_212 : i32
        %add3A_214 = arith.constant 3 : i32
        %add3A_215 = arith.addi %add3A_213, %add3A_214 : i32
        %mul3A_216 = arith.constant 10000 : i32
        %mul3A_217 = arith.muli %add3A, %mul3A_216 : i32
        %mul3A_218 = arith.constant 80 : i32
        %mul3A_219 = arith.muli %add3A_215, %mul3A_218 : i32
        %add3A_220 = arith.addi %mul3A_217, %mul3A_219 : i32
        %multiple_of3A_221 = tpu.assume_multiple %add3A_220, 8 : i32
        %dma_start3A_222 = tpu.memref_slice %arg4[%multiple_of3A_221] : memref<320000xi32, #tpu.memory_space<hbm>> -> memref<80xi32, #tpu.memory_space<hbm>>
        %dma_start3A_223 = tpu.memref_slice %arg4[%multiple_of3A_221] : memref<320000xi32, #tpu.memory_space<hbm>> -> memref<80xi32, #tpu.memory_space<hbm>>
        tpu.enqueue_dma source(%dma_start3A_223 : memref<80xi32, #tpu.memory_space<hbm>>) target(%arg12 : memref<80xi32, #tpu.memory_space<vmem>>) target_semaphore(%arg23 : memref<!tpu.dma_semaphore, #tpu.memory_space<semaphore_mem>>)
        %mul3A_224 = arith.constant 80 : i32
        %mul3A_225 = arith.muli %add3A_215, %mul3A_224 : i32
        %multiple_of3A_226 = tpu.assume_multiple %mul3A_225, 8 : i32
        %dma_start3A_227 = tpu.memref_slice %arg9[%multiple_of3A_226] : memref<10000xi32, #tpu.memory_space<vmem>> -> memref<80xi32, #tpu.memory_space<vmem>>
        %dma_start3A_228 = arith.constant 0 : i32
        %dma_start3A_229 = arith.constant 0 : i32
        %dma_start3A_230 = tpu.memref_slice %arg2[%dma_start3A_228, %dma_start3A_229] : memref<10000x128xf32, #tpu.memory_space<hbm>> -> memref<10000x128xf32, #tpu.memory_space<hbm>>
        tpu.enqueue_indirect_dma source(%dma_start3A_230 : memref<10000x128xf32, #tpu.memory_space<hbm>>) target(%arg15 : memref<80x128xf32, #tpu.memory_space<vmem>>) offsets(%dma_start3A_227 : memref<80xi32, #tpu.memory_space<vmem>>) semaphore(%arg26 : memref<!tpu.dma_semaphore, #tpu.memory_space<semaphore_mem>>)
      } else {
      }
    }
    %scan3A_120 = arith.constant 41 : i32
    %dma_wait3A = arith.constant 0 : i32
    %dma_wait3A_121 = tpu.memref_slice %arg4[%dma_wait3A] : memref<320000xi32, #tpu.memory_space<hbm>> -> memref<80xi32, #tpu.memory_space<hbm>>
    %dma_wait3A_122 = arith.constant 0 : i32
    %dma_wait3A_123 = tpu.memref_slice %arg4[%dma_wait3A_122] : memref<320000xi32, #tpu.memory_space<hbm>> -> memref<80xi32, #tpu.memory_space<hbm>>
    tpu.wait_dma2 semaphore(%arg21 : memref<!tpu.dma_semaphore, #tpu.memory_space<semaphore_mem>>) src(%dma_wait3A_123 : memref<80xi32, #tpu.memory_space<hbm>>) dst(%arg10 : memref<80xi32, #tpu.memory_space<vmem>>)
    %dma_wait3A_124 = arith.constant 0 : i32
    %dma_wait3A_125 = tpu.memref_slice %arg9[%dma_wait3A_124] : memref<10000xi32, #tpu.memory_space<vmem>> -> memref<80xi32, #tpu.memory_space<vmem>>
    %dma_wait3A_126 = arith.constant 0 : i32
    %dma_wait3A_127 = arith.constant 0 : i32
    %dma_wait3A_128 = tpu.memref_slice %arg2[%dma_wait3A_126, %dma_wait3A_127] : memref<10000x128xf32, #tpu.memory_space<hbm>> -> memref<10000x128xf32, #tpu.memory_space<hbm>>
    tpu.wait_indirect_dma semaphore(%arg24 : memref<!tpu.dma_semaphore, #tpu.memory_space<semaphore_mem>>) src(%dma_wait3A_128 : memref<10000x128xf32, #tpu.memory_space<hbm>>) dst(%arg13 : memref<80x128xf32, #tpu.memory_space<vmem>>)
    "tpu.region"() ({
      %run_scoped3A = tpu.sem_alloc : memref<!tpu.dma_semaphore, #tpu.memory_space<semaphore_mem>>
      %dma_start3A_156 = arith.constant 0 : i32
      %dma_start3A_157 = arith.constant 0 : i32
      %dma_start3A_158 = tpu.memref_slice %arg17[%dma_start3A_156, %dma_start3A_157] : memref<10240x128xf32, #tpu.memory_space<vmem_shared>> -> memref<10240x128xf32, #tpu.memory_space<vmem_shared>>
      tpu.enqueue_indirect_dma source(%arg13 : memref<80x128xf32, #tpu.memory_space<vmem>>) target(%dma_start3A_158 : memref<10240x128xf32, #tpu.memory_space<vmem_shared>>) offsets(%arg10 : memref<80xi32, #tpu.memory_space<vmem>>) semaphore(%run_scoped3A : memref<!tpu.dma_semaphore, #tpu.memory_space<semaphore_mem>>) {add = true}
      %dma_wait3A_159 = arith.constant 0 : i32
      %dma_wait3A_160 = arith.constant 0 : i32
      %dma_wait3A_161 = tpu.memref_slice %arg17[%dma_wait3A_159, %dma_wait3A_160] : memref<10240x128xf32, #tpu.memory_space<vmem_shared>> -> memref<10240x128xf32, #tpu.memory_space<vmem_shared>>
      tpu.wait_indirect_dma semaphore(%run_scoped3A : memref<!tpu.dma_semaphore, #tpu.memory_space<semaphore_mem>>) src(%arg13 : memref<80x128xf32, #tpu.memory_space<vmem>>) dst(%dma_wait3A_161 : memref<10240x128xf32, #tpu.memory_space<vmem_shared>>)
      tpu.yield
    }) : () -> ()
    "tpu.region"() ({
      %run_scoped3A = tpu.sem_alloc : memref<!tpu.dma_semaphore, #tpu.memory_space<semaphore_mem>>
      %dma_start3A_156 = arith.constant 0 : i32
      %dma_start3A_157 = tpu.memref_slice %arg20[%dma_start3A_156] : memref<10240xf32, #tpu.memory_space<vmem_shared>> -> memref<10240xf32, #tpu.memory_space<vmem_shared>>
      tpu.enqueue_indirect_dma source(%arg18 : memref<80xf32, #tpu.memory_space<vmem>>) target(%dma_start3A_157 : memref<10240xf32, #tpu.memory_space<vmem_shared>>) offsets(%arg10 : memref<80xi32, #tpu.memory_space<vmem>>) semaphore(%run_scoped3A : memref<!tpu.dma_semaphore, #tpu.memory_space<semaphore_mem>>) {add = true}
      %dma_wait3A_158 = arith.constant 0 : i32
      %dma_wait3A_159 = tpu.memref_slice %arg20[%dma_wait3A_158] : memref<10240xf32, #tpu.memory_space<vmem_shared>> -> memref<10240xf32, #tpu.memory_space<vmem_shared>>
      tpu.wait_indirect_dma semaphore(%run_scoped3A : memref<!tpu.dma_semaphore, #tpu.memory_space<semaphore_mem>>) src(%arg18 : memref<80xf32, #tpu.memory_space<vmem>>) dst(%dma_wait3A_159 : memref<10240xf32, #tpu.memory_space<vmem_shared>>)
      tpu.yield
    }) : () -> ()
    %dma_wait3A_129 = arith.constant 0 : i32
    %dma_wait3A_130 = tpu.memref_slice %arg4[%dma_wait3A_129] : memref<320000xi32, #tpu.memory_space<hbm>> -> memref<80xi32, #tpu.memory_space<hbm>>
    %dma_wait3A_131 = arith.constant 0 : i32
    %dma_wait3A_132 = tpu.memref_slice %arg4[%dma_wait3A_131] : memref<320000xi32, #tpu.memory_space<hbm>> -> memref<80xi32, #tpu.memory_space<hbm>>
    tpu.wait_dma2 semaphore(%arg22 : memref<!tpu.dma_semaphore, #tpu.memory_space<semaphore_mem>>) src(%dma_wait3A_132 : memref<80xi32, #tpu.memory_space<hbm>>) dst(%arg11 : memref<80xi32, #tpu.memory_space<vmem>>)
    %dma_wait3A_133 = arith.constant 0 : i32
    %dma_wait3A_134 = tpu.memref_slice %arg9[%dma_wait3A_133] : memref<10000xi32, #tpu.memory_space<vmem>> -> memref<80xi32, #tpu.memory_space<vmem>>
    %dma_wait3A_135 = arith.constant 0 : i32
    %dma_wait3A_136 = arith.constant 0 : i32
    %dma_wait3A_137 = tpu.memref_slice %arg2[%dma_wait3A_135, %dma_wait3A_136] : memref<10000x128xf32, #tpu.memory_space<hbm>> -> memref<10000x128xf32, #tpu.memory_space<hbm>>
    tpu.wait_indirect_dma semaphore(%arg25 : memref<!tpu.dma_semaphore, #tpu.memory_space<semaphore_mem>>) src(%dma_wait3A_137 : memref<10000x128xf32, #tpu.memory_space<hbm>>) dst(%arg14 : memref<80x128xf32, #tpu.memory_space<vmem>>)
    "tpu.region"() ({
      %run_scoped3A = tpu.sem_alloc : memref<!tpu.dma_semaphore, #tpu.memory_space<semaphore_mem>>
      %dma_start3A_156 = arith.constant 0 : i32
      %dma_start3A_157 = arith.constant 0 : i32
      %dma_start3A_158 = tpu.memref_slice %arg17[%dma_start3A_156, %dma_start3A_157] : memref<10240x128xf32, #tpu.memory_space<vmem_shared>> -> memref<10240x128xf32, #tpu.memory_space<vmem_shared>>
      tpu.enqueue_indirect_dma source(%arg14 : memref<80x128xf32, #tpu.memory_space<vmem>>) target(%dma_start3A_158 : memref<10240x128xf32, #tpu.memory_space<vmem_shared>>) offsets(%arg11 : memref<80xi32, #tpu.memory_space<vmem>>) semaphore(%run_scoped3A : memref<!tpu.dma_semaphore, #tpu.memory_space<semaphore_mem>>) {add = true}
      %dma_wait3A_159 = arith.constant 0 : i32
      %dma_wait3A_160 = arith.constant 0 : i32
      %dma_wait3A_161 = tpu.memref_slice %arg17[%dma_wait3A_159, %dma_wait3A_160] : memref<10240x128xf32, #tpu.memory_space<vmem_shared>> -> memref<10240x128xf32, #tpu.memory_space<vmem_shared>>
      tpu.wait_indirect_dma semaphore(%run_scoped3A : memref<!tpu.dma_semaphore, #tpu.memory_space<semaphore_mem>>) src(%arg14 : memref<80x128xf32, #tpu.memory_space<vmem>>) dst(%dma_wait3A_161 : memref<10240x128xf32, #tpu.memory_space<vmem_shared>>)
      tpu.yield
    }) : () -> ()
    "tpu.region"() ({
      %run_scoped3A = tpu.sem_alloc : memref<!tpu.dma_semaphore, #tpu.memory_space<semaphore_mem>>
      %dma_start3A_156 = arith.constant 0 : i32
      %dma_start3A_157 = tpu.memref_slice %arg20[%dma_start3A_156] : memref<10240xf32, #tpu.memory_space<vmem_shared>> -> memref<10240xf32, #tpu.memory_space<vmem_shared>>
      tpu.enqueue_indirect_dma source(%arg18 : memref<80xf32, #tpu.memory_space<vmem>>) target(%dma_start3A_157 : memref<10240xf32, #tpu.memory_space<vmem_shared>>) offsets(%arg11 : memref<80xi32, #tpu.memory_space<vmem>>) semaphore(%run_scoped3A : memref<!tpu.dma_semaphore, #tpu.memory_space<semaphore_mem>>) {add = true}
      %dma_wait3A_158 = arith.constant 0 : i32
      %dma_wait3A_159 = tpu.memref_slice %arg20[%dma_wait3A_158] : memref<10240xf32, #tpu.memory_space<vmem_shared>> -> memref<10240xf32, #tpu.memory_space<vmem_shared>>
      tpu.wait_indirect_dma semaphore(%run_scoped3A : memref<!tpu.dma_semaphore, #tpu.memory_space<semaphore_mem>>) src(%arg18 : memref<80xf32, #tpu.memory_space<vmem>>) dst(%dma_wait3A_159 : memref<10240xf32, #tpu.memory_space<vmem_shared>>)
      tpu.yield
    }) : () -> ()
    %barrier3A_138 = arith.constant 0 : index
    tpu.barrier barrier_id(%barrier3A_138)
    %eq3A = arith.constant 0 : i32
    %eq3A_139 = arith.cmpi eq, %arg0, %eq3A : i32
    %convert_element_type3A = arith.extui %eq3A_139 : i1 to i32
    %cond3A = arith.constant 0 : i32
    %cond3A_140 = arith.cmpi ne, %convert_element_type3A, %cond3A : i32
    scf.if %cond3A_140 {
      "tpu.region"() ({
        %run_scoped3A = tpu.sem_alloc : memref<!tpu.dma_semaphore, #tpu.memory_space<semaphore_mem>>
        %dma_start3A_156 = arith.constant 0 : i32
        %dma_start3A_157 = tpu.memref_slice %arg5[%mul3A_2, %dma_start3A_156] : memref<10240x128xf32, #tpu.memory_space<hbm>> -> memref<640x128xf32, #tpu.memory_space<hbm>>
        %dma_start3A_158 = arith.constant 0 : i32
        %dma_start3A_159 = tpu.memref_slice %arg17[%mul3A_2, %dma_start3A_158] : memref<10240x128xf32, #tpu.memory_space<vmem_shared>> -> memref<640x128xf32, #tpu.memory_space<vmem_shared>>
        tpu.enqueue_dma source(%dma_start3A_159 : memref<640x128xf32, #tpu.memory_space<vmem_shared>>) target(%dma_start3A_157 : memref<640x128xf32, #tpu.memory_space<hbm>>) target_semaphore(%run_scoped3A : memref<!tpu.dma_semaphore, #tpu.memory_space<semaphore_mem>>)
        %dma_wait3A_160 = arith.constant 0 : i32
        %dma_wait3A_161 = tpu.memref_slice %arg5[%mul3A_2, %dma_wait3A_160] : memref<10240x128xf32, #tpu.memory_space<hbm>> -> memref<640x128xf32, #tpu.memory_space<hbm>>
        %dma_wait3A_162 = arith.constant 0 : i32
        %dma_wait3A_163 = tpu.memref_slice %arg17[%mul3A_2, %dma_wait3A_162] : memref<10240x128xf32, #tpu.memory_space<vmem_shared>> -> memref<640x128xf32, #tpu.memory_space<vmem_shared>>
        tpu.wait_dma2 semaphore(%run_scoped3A : memref<!tpu.dma_semaphore, #tpu.memory_space<semaphore_mem>>) src(%dma_wait3A_163 : memref<640x128xf32, #tpu.memory_space<vmem_shared>>) dst(%dma_wait3A_161 : memref<640x128xf32, #tpu.memory_space<hbm>>)
        tpu.yield
      }) : () -> ()
    } else {
    }
    %eq3A_141 = arith.constant 1 : i32
    %eq3A_142 = arith.cmpi eq, %arg0, %eq3A_141 : i32
    %convert_element_type3A_143 = arith.extui %eq3A_142 : i1 to i32
    %cond3A_144 = arith.constant 0 : i32
    %cond3A_145 = arith.cmpi ne, %convert_element_type3A_143, %cond3A_144 : i32
    scf.if %cond3A_145 {
      "tpu.region"() ({
        %run_scoped3A = tpu.sem_alloc : memref<!tpu.dma_semaphore, #tpu.memory_space<semaphore_mem>>
        %dma_start3A_156 = arith.constant 0 : i32
        %dma_start3A_157 = tpu.memref_slice %arg6[%mul3A_2, %dma_start3A_156] : memref<10240x128xf32, #tpu.memory_space<hbm>> -> memref<640x128xf32, #tpu.memory_space<hbm>>
        %dma_start3A_158 = arith.constant 0 : i32
        %dma_start3A_159 = tpu.memref_slice %arg17[%mul3A_2, %dma_start3A_158] : memref<10240x128xf32, #tpu.memory_space<vmem_shared>> -> memref<640x128xf32, #tpu.memory_space<vmem_shared>>
        tpu.enqueue_dma source(%dma_start3A_159 : memref<640x128xf32, #tpu.memory_space<vmem_shared>>) target(%dma_start3A_157 : memref<640x128xf32, #tpu.memory_space<hbm>>) target_semaphore(%run_scoped3A : memref<!tpu.dma_semaphore, #tpu.memory_space<semaphore_mem>>)
        %dma_wait3A_160 = arith.constant 0 : i32
        %dma_wait3A_161 = tpu.memref_slice %arg6[%mul3A_2, %dma_wait3A_160] : memref<10240x128xf32, #tpu.memory_space<hbm>> -> memref<640x128xf32, #tpu.memory_space<hbm>>
        %dma_wait3A_162 = arith.constant 0 : i32
        %dma_wait3A_163 = tpu.memref_slice %arg17[%mul3A_2, %dma_wait3A_162] : memref<10240x128xf32, #tpu.memory_space<vmem_shared>> -> memref<640x128xf32, #tpu.memory_space<vmem_shared>>
        tpu.wait_dma2 semaphore(%run_scoped3A : memref<!tpu.dma_semaphore, #tpu.memory_space<semaphore_mem>>) src(%dma_wait3A_163 : memref<640x128xf32, #tpu.memory_space<vmem_shared>>) dst(%dma_wait3A_161 : memref<640x128xf32, #tpu.memory_space<hbm>>)
        tpu.yield
      }) : () -> ()
    } else {
    }
    %eq3A_146 = arith.constant 0 : i32
    %eq3A_147 = arith.cmpi eq, %arg0, %eq3A_146 : i32
    %convert_element_type3A_148 = arith.extui %eq3A_147 : i1 to i32
    %cond3A_149 = arith.constant 0 : i32
    %cond3A_150 = arith.cmpi ne, %convert_element_type3A_148, %cond3A_149 : i32
    scf.if %cond3A_150 {
      "tpu.region"() ({
        %run_scoped3A = tpu.sem_alloc : memref<!tpu.dma_semaphore, #tpu.memory_space<semaphore_mem>>
        %dma_start3A_156 = tpu.memref_slice %arg7[%mul3A_2] : memref<10240xf32, #tpu.memory_space<hbm>> -> memref<640xf32, #tpu.memory_space<hbm>>
        %dma_start3A_157 = tpu.memref_slice %arg20[%mul3A_2] : memref<10240xf32, #tpu.memory_space<vmem_shared>> -> memref<640xf32, #tpu.memory_space<vmem_shared>>
        tpu.enqueue_dma source(%dma_start3A_157 : memref<640xf32, #tpu.memory_space<vmem_shared>>) target(%dma_start3A_156 : memref<640xf32, #tpu.memory_space<hbm>>) target_semaphore(%run_scoped3A : memref<!tpu.dma_semaphore, #tpu.memory_space<semaphore_mem>>)
        %dma_wait3A_158 = tpu.memref_slice %arg7[%mul3A_2] : memref<10240xf32, #tpu.memory_space<hbm>> -> memref<640xf32, #tpu.memory_space<hbm>>
        %dma_wait3A_159 = tpu.memref_slice %arg20[%mul3A_2] : memref<10240xf32, #tpu.memory_space<vmem_shared>> -> memref<640xf32, #tpu.memory_space<vmem_shared>>
        tpu.wait_dma2 semaphore(%run_scoped3A : memref<!tpu.dma_semaphore, #tpu.memory_space<semaphore_mem>>) src(%dma_wait3A_159 : memref<640xf32, #tpu.memory_space<vmem_shared>>) dst(%dma_wait3A_158 : memref<640xf32, #tpu.memory_space<hbm>>)
        tpu.yield
      }) : () -> ()
    } else {
    }
    %eq3A_151 = arith.constant 1 : i32
    %eq3A_152 = arith.cmpi eq, %arg0, %eq3A_151 : i32
    %convert_element_type3A_153 = arith.extui %eq3A_152 : i1 to i32
    %cond3A_154 = arith.constant 0 : i32
    %cond3A_155 = arith.cmpi ne, %convert_element_type3A_153, %cond3A_154 : i32
    scf.if %cond3A_155 {
      "tpu.region"() ({
        %run_scoped3A = tpu.sem_alloc : memref<!tpu.dma_semaphore, #tpu.memory_space<semaphore_mem>>
        %dma_start3A_156 = tpu.memref_slice %arg8[%mul3A_2] : memref<10240xf32, #tpu.memory_space<hbm>> -> memref<640xf32, #tpu.memory_space<hbm>>
        %dma_start3A_157 = tpu.memref_slice %arg20[%mul3A_2] : memref<10240xf32, #tpu.memory_space<vmem_shared>> -> memref<640xf32, #tpu.memory_space<vmem_shared>>
        tpu.enqueue_dma source(%dma_start3A_157 : memref<640xf32, #tpu.memory_space<vmem_shared>>) target(%dma_start3A_156 : memref<640xf32, #tpu.memory_space<hbm>>) target_semaphore(%run_scoped3A : memref<!tpu.dma_semaphore, #tpu.memory_space<semaphore_mem>>)
        %dma_wait3A_158 = tpu.memref_slice %arg8[%mul3A_2] : memref<10240xf32, #tpu.memory_space<hbm>> -> memref<640xf32, #tpu.memory_space<hbm>>
        %dma_wait3A_159 = tpu.memref_slice %arg20[%mul3A_2] : memref<10240xf32, #tpu.memory_space<vmem_shared>> -> memref<640xf32, #tpu.memory_space<vmem_shared>>
        tpu.wait_dma2 semaphore(%run_scoped3A : memref<!tpu.dma_semaphore, #tpu.memory_space<semaphore_mem>>) src(%dma_wait3A_159 : memref<640xf32, #tpu.memory_space<vmem_shared>>) dst(%dma_wait3A_158 : memref<640xf32, #tpu.memory_space<hbm>>)
        tpu.yield
      }) : () -> ()
    } else {
    }
    return
  }
}

#map = affine_map<(d0, d1) -> (0, 0)>
#map1 = affine_map<(d0, d1) -> (0)>
module attributes {stable_mosaic.version = 14 : i64} {
  func.func @_seg_body(%arg0: i32, %arg1: i32, %arg2: memref<10000x128xf32, #tpu.memory_space<hbm>>, %arg3: memref<320000xi32, #tpu.memory_space<hbm>>, %arg4: memref<320000xi32, #tpu.memory_space<hbm>>, %arg5: memref<10240x128xf32, #tpu.memory_space<hbm>>, %arg6: memref<10240x128xf32, #tpu.memory_space<hbm>>, %arg7: memref<10000xi32, #tpu.memory_space<vmem>>, %arg8: memref<80xi32, #tpu.memory_space<vmem>>, %arg9: memref<80xi32, #tpu.memory_space<vmem>>, %arg10: memref<80xi32, #tpu.memory_space<vmem>>, %arg11: memref<80x128xf32, #tpu.memory_space<vmem>>, %arg12: memref<80x128xf32, #tpu.memory_space<vmem>>, %arg13: memref<80x128xf32, #tpu.memory_space<vmem>>, %arg14: memref<32x128xf32, #tpu.memory_space<vmem>>, %arg15: memref<10240x128xf32, #tpu.memory_space<vmem_shared>>, %arg16: memref<!tpu.dma_semaphore, #tpu.memory_space<semaphore_mem>>, %arg17: memref<!tpu.dma_semaphore, #tpu.memory_space<semaphore_mem>>, %arg18: memref<!tpu.dma_semaphore, #tpu.memory_space<semaphore_mem>>, %arg19: memref<!tpu.dma_semaphore, #tpu.memory_space<semaphore_mem>>, %arg20: memref<!tpu.dma_semaphore, #tpu.memory_space<semaphore_mem>>, %arg21: memref<!tpu.dma_semaphore, #tpu.memory_space<semaphore_mem>>) attributes {dimension_semantics = [#tpu.dimension_semantics<core_parallel>, #tpu.dimension_semantics<subcore_parallel>], iteration_bounds = array<i64: 2, 16>, scalar_prefetch = 0 : i64, scratch_operands = 15 : i64, tpu.core_type = #tpu.core_type<sc_vector_subcore>, window_params = [{transform_indices = #map}, {transform_indices = #map1}, {transform_indices = #map1}, {transform_indices = #map}, {transform_indices = #map}]} {
    %mul3A = arith.constant 2 : i32
    %mul3A_0 = arith.muli %arg1, %mul3A : i32
    %add3A = arith.addi %mul3A_0, %arg0 : i32
    %mul3A_1 = arith.constant 640 : i32
    %mul3A_2 = arith.muli %arg1, %mul3A_1 : i32
    %broadcast_in_dim3A = arith.constant 0.000000e+00 : f32
    %broadcast_in_dim3A_3 = vector.broadcast %broadcast_in_dim3A : f32 to vector<16xf32>
    %scan3A = arith.constant 0 : i32
    %scan3A_4 = arith.constant 0 : i32
    %scan3A_5 = arith.constant 32 : i32
    %scan3A_6 = arith.addi %scan3A_4, %scan3A_5 : i32
    %scan3A_7 = arith.constant 1 : i32
    scf.for %scan3A_119 = %scan3A_4 to %scan3A_6 step %scan3A_7  : i32 {
      %swap3A = arith.index_cast %scan3A_119 : i32 to index
      %swap3A_120 = arith.constant 0 : index
      %swap3A_121 = tpu.vector_load %arg14[%swap3A, %swap3A_120] {strides = array<i32>} : memref<32x128xf32, #tpu.memory_space<vmem>>, vector<1x16xf32>,
      %swap3A_122 = vector.shape_cast %swap3A_121 : vector<1x16xf32> to vector<16xf32>
      %swap3A_123 = vector.shape_cast %broadcast_in_dim3A_3 : vector<16xf32> to vector<1x16xf32>
      tpu.vector_store %arg14[%swap3A, %swap3A_120], %swap3A_123 {strides = array<i32>} : memref<32x128xf32, #tpu.memory_space<vmem>>, vector<1x16xf32>,
      %swap3A_124 = arith.index_cast %scan3A_119 : i32 to index
      %swap3A_125 = arith.constant 16 : index
      %swap3A_126 = tpu.vector_load %arg14[%swap3A_124, %swap3A_125] {strides = array<i32>} : memref<32x128xf32, #tpu.memory_space<vmem>>, vector<1x16xf32>,
      %swap3A_127 = vector.shape_cast %swap3A_126 : vector<1x16xf32> to vector<16xf32>
      %swap3A_128 = vector.shape_cast %broadcast_in_dim3A_3 : vector<16xf32> to vector<1x16xf32>
      tpu.vector_store %arg14[%swap3A_124, %swap3A_125], %swap3A_128 {strides = array<i32>} : memref<32x128xf32, #tpu.memory_space<vmem>>, vector<1x16xf32>,
      %swap3A_129 = arith.index_cast %scan3A_119 : i32 to index
      %swap3A_130 = arith.constant 32 : index
      %swap3A_131 = tpu.vector_load %arg14[%swap3A_129, %swap3A_130] {strides = array<i32>} : memref<32x128xf32, #tpu.memory_space<vmem>>, vector<1x16xf32>,
      %swap3A_132 = vector.shape_cast %swap3A_131 : vector<1x16xf32> to vector<16xf32>
      %swap3A_133 = vector.shape_cast %broadcast_in_dim3A_3 : vector<16xf32> to vector<1x16xf32>
      tpu.vector_store %arg14[%swap3A_129, %swap3A_130], %swap3A_133 {strides = array<i32>} : memref<32x128xf32, #tpu.memory_space<vmem>>, vector<1x16xf32>,
      %swap3A_134 = arith.index_cast %scan3A_119 : i32 to index
      %swap3A_135 = arith.constant 48 : index
      %swap3A_136 = tpu.vector_load %arg14[%swap3A_134, %swap3A_135] {strides = array<i32>} : memref<32x128xf32, #tpu.memory_space<vmem>>, vector<1x16xf32>,
      %swap3A_137 = vector.shape_cast %swap3A_136 : vector<1x16xf32> to vector<16xf32>
      %swap3A_138 = vector.shape_cast %broadcast_in_dim3A_3 : vector<16xf32> to vector<1x16xf32>
      tpu.vector_store %arg14[%swap3A_134, %swap3A_135], %swap3A_138 {strides = array<i32>} : memref<32x128xf32, #tpu.memory_space<vmem>>, vector<1x16xf32>,
      %swap3A_139 = arith.index_cast %scan3A_119 : i32 to index
      %swap3A_140 = arith.constant 64 : index
      %swap3A_141 = tpu.vector_load %arg14[%swap3A_139, %swap3A_140] {strides = array<i32>} : memref<32x128xf32, #tpu.memory_space<vmem>>, vector<1x16xf32>,
      %swap3A_142 = vector.shape_cast %swap3A_141 : vector<1x16xf32> to vector<16xf32>
      %swap3A_143 = vector.shape_cast %broadcast_in_dim3A_3 : vector<16xf32> to vector<1x16xf32>
      tpu.vector_store %arg14[%swap3A_139, %swap3A_140], %swap3A_143 {strides = array<i32>} : memref<32x128xf32, #tpu.memory_space<vmem>>, vector<1x16xf32>,
      %swap3A_144 = arith.index_cast %scan3A_119 : i32 to index
      %swap3A_145 = arith.constant 80 : index
      %swap3A_146 = tpu.vector_load %arg14[%swap3A_144, %swap3A_145] {strides = array<i32>} : memref<32x128xf32, #tpu.memory_space<vmem>>, vector<1x16xf32>,
      %swap3A_147 = vector.shape_cast %swap3A_146 : vector<1x16xf32> to vector<16xf32>
      %swap3A_148 = vector.shape_cast %broadcast_in_dim3A_3 : vector<16xf32> to vector<1x16xf32>
      tpu.vector_store %arg14[%swap3A_144, %swap3A_145], %swap3A_148 {strides = array<i32>} : memref<32x128xf32, #tpu.memory_space<vmem>>, vector<1x16xf32>,
      %swap3A_149 = arith.index_cast %scan3A_119 : i32 to index
      %swap3A_150 = arith.constant 96 : index
      %swap3A_151 = tpu.vector_load %arg14[%swap3A_149, %swap3A_150] {strides = array<i32>} : memref<32x128xf32, #tpu.memory_space<vmem>>, vector<1x16xf32>,
      %swap3A_152 = vector.shape_cast %swap3A_151 : vector<1x16xf32> to vector<16xf32>
      %swap3A_153 = vector.shape_cast %broadcast_in_dim3A_3 : vector<16xf32> to vector<1x16xf32>
      tpu.vector_store %arg14[%swap3A_149, %swap3A_150], %swap3A_153 {strides = array<i32>} : memref<32x128xf32, #tpu.memory_space<vmem>>, vector<1x16xf32>,
      %swap3A_154 = arith.index_cast %scan3A_119 : i32 to index
      %swap3A_155 = arith.constant 112 : index
      %swap3A_156 = tpu.vector_load %arg14[%swap3A_154, %swap3A_155] {strides = array<i32>} : memref<32x128xf32, #tpu.memory_space<vmem>>, vector<1x16xf32>,
      %swap3A_157 = vector.shape_cast %swap3A_156 : vector<1x16xf32> to vector<16xf32>
      %swap3A_158 = vector.shape_cast %broadcast_in_dim3A_3 : vector<16xf32> to vector<1x16xf32>
      tpu.vector_store %arg14[%swap3A_154, %swap3A_155], %swap3A_158 {strides = array<i32>} : memref<32x128xf32, #tpu.memory_space<vmem>>, vector<1x16xf32>,
    }
    %scan3A_8 = arith.constant 32 : i32
    %add3A_9 = arith.constant 0 : i32
    %add3A_10 = arith.addi %mul3A_2, %add3A_9 : i32
    "tpu.region"() ({
      %run_scoped3A = tpu.sem_alloc : memref<!tpu.dma_semaphore, #tpu.memory_space<semaphore_mem>>
      %dma_start3A_119 = arith.constant 0 : i32
      %dma_start3A_120 = tpu.memref_slice %arg15[%add3A_10, %dma_start3A_119] : memref<10240x128xf32, #tpu.memory_space<vmem_shared>> -> memref<32x128xf32, #tpu.memory_space<vmem_shared>>
      %dma_start3A_121 = arith.constant 0 : i32
      %dma_start3A_122 = tpu.memref_slice %arg15[%add3A_10, %dma_start3A_121] : memref<10240x128xf32, #tpu.memory_space<vmem_shared>> -> memref<32x128xf32, #tpu.memory_space<vmem_shared>>
      tpu.enqueue_dma source(%arg14 : memref<32x128xf32, #tpu.memory_space<vmem>>) target(%dma_start3A_122 : memref<32x128xf32, #tpu.memory_space<vmem_shared>>) target_semaphore(%run_scoped3A : memref<!tpu.dma_semaphore, #tpu.memory_space<semaphore_mem>>)
      %dma_wait3A_123 = arith.constant 0 : i32
      %dma_wait3A_124 = tpu.memref_slice %arg15[%add3A_10, %dma_wait3A_123] : memref<10240x128xf32, #tpu.memory_space<vmem_shared>> -> memref<32x128xf32, #tpu.memory_space<vmem_shared>>
      %dma_wait3A_125 = arith.constant 0 : i32
      %dma_wait3A_126 = tpu.memref_slice %arg15[%add3A_10, %dma_wait3A_125] : memref<10240x128xf32, #tpu.memory_space<vmem_shared>> -> memref<32x128xf32, #tpu.memory_space<vmem_shared>>
      tpu.wait_dma2 semaphore(%run_scoped3A : memref<!tpu.dma_semaphore, #tpu.memory_space<semaphore_mem>>) src(%arg14 : memref<32x128xf32, #tpu.memory_space<vmem>>) dst(%dma_wait3A_126 : memref<32x128xf32, #tpu.memory_space<vmem_shared>>)
      tpu.yield
    }) : () -> ()
    %add3A_11 = arith.constant 32 : i32
    %add3A_12 = arith.addi %mul3A_2, %add3A_11 : i32
    "tpu.region"() ({
      %run_scoped3A = tpu.sem_alloc : memref<!tpu.dma_semaphore, #tpu.memory_space<semaphore_mem>>
      %dma_start3A_119 = arith.constant 0 : i32
      %dma_start3A_120 = tpu.memref_slice %arg15[%add3A_12, %dma_start3A_119] : memref<10240x128xf32, #tpu.memory_space<vmem_shared>> -> memref<32x128xf32, #tpu.memory_space<vmem_shared>>
      %dma_start3A_121 = arith.constant 0 : i32
      %dma_start3A_122 = tpu.memref_slice %arg15[%add3A_12, %dma_start3A_121] : memref<10240x128xf32, #tpu.memory_space<vmem_shared>> -> memref<32x128xf32, #tpu.memory_space<vmem_shared>>
      tpu.enqueue_dma source(%arg14 : memref<32x128xf32, #tpu.memory_space<vmem>>) target(%dma_start3A_122 : memref<32x128xf32, #tpu.memory_space<vmem_shared>>) target_semaphore(%run_scoped3A : memref<!tpu.dma_semaphore, #tpu.memory_space<semaphore_mem>>)
      %dma_wait3A_123 = arith.constant 0 : i32
      %dma_wait3A_124 = tpu.memref_slice %arg15[%add3A_12, %dma_wait3A_123] : memref<10240x128xf32, #tpu.memory_space<vmem_shared>> -> memref<32x128xf32, #tpu.memory_space<vmem_shared>>
      %dma_wait3A_125 = arith.constant 0 : i32
      %dma_wait3A_126 = tpu.memref_slice %arg15[%add3A_12, %dma_wait3A_125] : memref<10240x128xf32, #tpu.memory_space<vmem_shared>> -> memref<32x128xf32, #tpu.memory_space<vmem_shared>>
      tpu.wait_dma2 semaphore(%run_scoped3A : memref<!tpu.dma_semaphore, #tpu.memory_space<semaphore_mem>>) src(%arg14 : memref<32x128xf32, #tpu.memory_space<vmem>>) dst(%dma_wait3A_126 : memref<32x128xf32, #tpu.memory_space<vmem_shared>>)
      tpu.yield
    }) : () -> ()
    %add3A_13 = arith.constant 64 : i32
    %add3A_14 = arith.addi %mul3A_2, %add3A_13 : i32
    "tpu.region"() ({
      %run_scoped3A = tpu.sem_alloc : memref<!tpu.dma_semaphore, #tpu.memory_space<semaphore_mem>>
      %dma_start3A_119 = arith.constant 0 : i32
      %dma_start3A_120 = tpu.memref_slice %arg15[%add3A_14, %dma_start3A_119] : memref<10240x128xf32, #tpu.memory_space<vmem_shared>> -> memref<32x128xf32, #tpu.memory_space<vmem_shared>>
      %dma_start3A_121 = arith.constant 0 : i32
      %dma_start3A_122 = tpu.memref_slice %arg15[%add3A_14, %dma_start3A_121] : memref<10240x128xf32, #tpu.memory_space<vmem_shared>> -> memref<32x128xf32, #tpu.memory_space<vmem_shared>>
      tpu.enqueue_dma source(%arg14 : memref<32x128xf32, #tpu.memory_space<vmem>>) target(%dma_start3A_122 : memref<32x128xf32, #tpu.memory_space<vmem_shared>>) target_semaphore(%run_scoped3A : memref<!tpu.dma_semaphore, #tpu.memory_space<semaphore_mem>>)
      %dma_wait3A_123 = arith.constant 0 : i32
      %dma_wait3A_124 = tpu.memref_slice %arg15[%add3A_14, %dma_wait3A_123] : memref<10240x128xf32, #tpu.memory_space<vmem_shared>> -> memref<32x128xf32, #tpu.memory_space<vmem_shared>>
      %dma_wait3A_125 = arith.constant 0 : i32
      %dma_wait3A_126 = tpu.memref_slice %arg15[%add3A_14, %dma_wait3A_125] : memref<10240x128xf32, #tpu.memory_space<vmem_shared>> -> memref<32x128xf32, #tpu.memory_space<vmem_shared>>
      tpu.wait_dma2 semaphore(%run_scoped3A : memref<!tpu.dma_semaphore, #tpu.memory_space<semaphore_mem>>) src(%arg14 : memref<32x128xf32, #tpu.memory_space<vmem>>) dst(%dma_wait3A_126 : memref<32x128xf32, #tpu.memory_space<vmem_shared>>)
      tpu.yield
    }) : () -> ()
    %add3A_15 = arith.constant 96 : i32
    %add3A_16 = arith.addi %mul3A_2, %add3A_15 : i32
    "tpu.region"() ({
      %run_scoped3A = tpu.sem_alloc : memref<!tpu.dma_semaphore, #tpu.memory_space<semaphore_mem>>
      %dma_start3A_119 = arith.constant 0 : i32
      %dma_start3A_120 = tpu.memref_slice %arg15[%add3A_16, %dma_start3A_119] : memref<10240x128xf32, #tpu.memory_space<vmem_shared>> -> memref<32x128xf32, #tpu.memory_space<vmem_shared>>
      %dma_start3A_121 = arith.constant 0 : i32
      %dma_start3A_122 = tpu.memref_slice %arg15[%add3A_16, %dma_start3A_121] : memref<10240x128xf32, #tpu.memory_space<vmem_shared>> -> memref<32x128xf32, #tpu.memory_space<vmem_shared>>
      tpu.enqueue_dma source(%arg14 : memref<32x128xf32, #tpu.memory_space<vmem>>) target(%dma_start3A_122 : memref<32x128xf32, #tpu.memory_space<vmem_shared>>) target_semaphore(%run_scoped3A : memref<!tpu.dma_semaphore, #tpu.memory_space<semaphore_mem>>)
      %dma_wait3A_123 = arith.constant 0 : i32
      %dma_wait3A_124 = tpu.memref_slice %arg15[%add3A_16, %dma_wait3A_123] : memref<10240x128xf32, #tpu.memory_space<vmem_shared>> -> memref<32x128xf32, #tpu.memory_space<vmem_shared>>
      %dma_wait3A_125 = arith.constant 0 : i32
      %dma_wait3A_126 = tpu.memref_slice %arg15[%add3A_16, %dma_wait3A_125] : memref<10240x128xf32, #tpu.memory_space<vmem_shared>> -> memref<32x128xf32, #tpu.memory_space<vmem_shared>>
      tpu.wait_dma2 semaphore(%run_scoped3A : memref<!tpu.dma_semaphore, #tpu.memory_space<semaphore_mem>>) src(%arg14 : memref<32x128xf32, #tpu.memory_space<vmem>>) dst(%dma_wait3A_126 : memref<32x128xf32, #tpu.memory_space<vmem_shared>>)
      tpu.yield
    }) : () -> ()
    %add3A_17 = arith.constant 128 : i32
    %add3A_18 = arith.addi %mul3A_2, %add3A_17 : i32
    "tpu.region"() ({
      %run_scoped3A = tpu.sem_alloc : memref<!tpu.dma_semaphore, #tpu.memory_space<semaphore_mem>>
      %dma_start3A_119 = arith.constant 0 : i32
      %dma_start3A_120 = tpu.memref_slice %arg15[%add3A_18, %dma_start3A_119] : memref<10240x128xf32, #tpu.memory_space<vmem_shared>> -> memref<32x128xf32, #tpu.memory_space<vmem_shared>>
      %dma_start3A_121 = arith.constant 0 : i32
      %dma_start3A_122 = tpu.memref_slice %arg15[%add3A_18, %dma_start3A_121] : memref<10240x128xf32, #tpu.memory_space<vmem_shared>> -> memref<32x128xf32, #tpu.memory_space<vmem_shared>>
      tpu.enqueue_dma source(%arg14 : memref<32x128xf32, #tpu.memory_space<vmem>>) target(%dma_start3A_122 : memref<32x128xf32, #tpu.memory_space<vmem_shared>>) target_semaphore(%run_scoped3A : memref<!tpu.dma_semaphore, #tpu.memory_space<semaphore_mem>>)
      %dma_wait3A_123 = arith.constant 0 : i32
      %dma_wait3A_124 = tpu.memref_slice %arg15[%add3A_18, %dma_wait3A_123] : memref<10240x128xf32, #tpu.memory_space<vmem_shared>> -> memref<32x128xf32, #tpu.memory_space<vmem_shared>>
      %dma_wait3A_125 = arith.constant 0 : i32
      %dma_wait3A_126 = tpu.memref_slice %arg15[%add3A_18, %dma_wait3A_125] : memref<10240x128xf32, #tpu.memory_space<vmem_shared>> -> memref<32x128xf32, #tpu.memory_space<vmem_shared>>
      tpu.wait_dma2 semaphore(%run_scoped3A : memref<!tpu.dma_semaphore, #tpu.memory_space<semaphore_mem>>) src(%arg14 : memref<32x128xf32, #tpu.memory_space<vmem>>) dst(%dma_wait3A_126 : memref<32x128xf32, #tpu.memory_space<vmem_shared>>)
      tpu.yield
    }) : () -> ()
    %add3A_19 = arith.constant 160 : i32
    %add3A_20 = arith.addi %mul3A_2, %add3A_19 : i32
    "tpu.region"() ({
      %run_scoped3A = tpu.sem_alloc : memref<!tpu.dma_semaphore, #tpu.memory_space<semaphore_mem>>
      %dma_start3A_119 = arith.constant 0 : i32
      %dma_start3A_120 = tpu.memref_slice %arg15[%add3A_20, %dma_start3A_119] : memref<10240x128xf32, #tpu.memory_space<vmem_shared>> -> memref<32x128xf32, #tpu.memory_space<vmem_shared>>
      %dma_start3A_121 = arith.constant 0 : i32
      %dma_start3A_122 = tpu.memref_slice %arg15[%add3A_20, %dma_start3A_121] : memref<10240x128xf32, #tpu.memory_space<vmem_shared>> -> memref<32x128xf32, #tpu.memory_space<vmem_shared>>
      tpu.enqueue_dma source(%arg14 : memref<32x128xf32, #tpu.memory_space<vmem>>) target(%dma_start3A_122 : memref<32x128xf32, #tpu.memory_space<vmem_shared>>) target_semaphore(%run_scoped3A : memref<!tpu.dma_semaphore, #tpu.memory_space<semaphore_mem>>)
      %dma_wait3A_123 = arith.constant 0 : i32
      %dma_wait3A_124 = tpu.memref_slice %arg15[%add3A_20, %dma_wait3A_123] : memref<10240x128xf32, #tpu.memory_space<vmem_shared>> -> memref<32x128xf32, #tpu.memory_space<vmem_shared>>
      %dma_wait3A_125 = arith.constant 0 : i32
      %dma_wait3A_126 = tpu.memref_slice %arg15[%add3A_20, %dma_wait3A_125] : memref<10240x128xf32, #tpu.memory_space<vmem_shared>> -> memref<32x128xf32, #tpu.memory_space<vmem_shared>>
      tpu.wait_dma2 semaphore(%run_scoped3A : memref<!tpu.dma_semaphore, #tpu.memory_space<semaphore_mem>>) src(%arg14 : memref<32x128xf32, #tpu.memory_space<vmem>>) dst(%dma_wait3A_126 : memref<32x128xf32, #tpu.memory_space<vmem_shared>>)
      tpu.yield
    }) : () -> ()
    %add3A_21 = arith.constant 192 : i32
    %add3A_22 = arith.addi %mul3A_2, %add3A_21 : i32
    "tpu.region"() ({
      %run_scoped3A = tpu.sem_alloc : memref<!tpu.dma_semaphore, #tpu.memory_space<semaphore_mem>>
      %dma_start3A_119 = arith.constant 0 : i32
      %dma_start3A_120 = tpu.memref_slice %arg15[%add3A_22, %dma_start3A_119] : memref<10240x128xf32, #tpu.memory_space<vmem_shared>> -> memref<32x128xf32, #tpu.memory_space<vmem_shared>>
      %dma_start3A_121 = arith.constant 0 : i32
      %dma_start3A_122 = tpu.memref_slice %arg15[%add3A_22, %dma_start3A_121] : memref<10240x128xf32, #tpu.memory_space<vmem_shared>> -> memref<32x128xf32, #tpu.memory_space<vmem_shared>>
      tpu.enqueue_dma source(%arg14 : memref<32x128xf32, #tpu.memory_space<vmem>>) target(%dma_start3A_122 : memref<32x128xf32, #tpu.memory_space<vmem_shared>>) target_semaphore(%run_scoped3A : memref<!tpu.dma_semaphore, #tpu.memory_space<semaphore_mem>>)
      %dma_wait3A_123 = arith.constant 0 : i32
      %dma_wait3A_124 = tpu.memref_slice %arg15[%add3A_22, %dma_wait3A_123] : memref<10240x128xf32, #tpu.memory_space<vmem_shared>> -> memref<32x128xf32, #tpu.memory_space<vmem_shared>>
      %dma_wait3A_125 = arith.constant 0 : i32
      %dma_wait3A_126 = tpu.memref_slice %arg15[%add3A_22, %dma_wait3A_125] : memref<10240x128xf32, #tpu.memory_space<vmem_shared>> -> memref<32x128xf32, #tpu.memory_space<vmem_shared>>
      tpu.wait_dma2 semaphore(%run_scoped3A : memref<!tpu.dma_semaphore, #tpu.memory_space<semaphore_mem>>) src(%arg14 : memref<32x128xf32, #tpu.memory_space<vmem>>) dst(%dma_wait3A_126 : memref<32x128xf32, #tpu.memory_space<vmem_shared>>)
      tpu.yield
    }) : () -> ()
    %add3A_23 = arith.constant 224 : i32
    %add3A_24 = arith.addi %mul3A_2, %add3A_23 : i32
    "tpu.region"() ({
      %run_scoped3A = tpu.sem_alloc : memref<!tpu.dma_semaphore, #tpu.memory_space<semaphore_mem>>
      %dma_start3A_119 = arith.constant 0 : i32
      %dma_start3A_120 = tpu.memref_slice %arg15[%add3A_24, %dma_start3A_119] : memref<10240x128xf32, #tpu.memory_space<vmem_shared>> -> memref<32x128xf32, #tpu.memory_space<vmem_shared>>
      %dma_start3A_121 = arith.constant 0 : i32
      %dma_start3A_122 = tpu.memref_slice %arg15[%add3A_24, %dma_start3A_121] : memref<10240x128xf32, #tpu.memory_space<vmem_shared>> -> memref<32x128xf32, #tpu.memory_space<vmem_shared>>
      tpu.enqueue_dma source(%arg14 : memref<32x128xf32, #tpu.memory_space<vmem>>) target(%dma_start3A_122 : memref<32x128xf32, #tpu.memory_space<vmem_shared>>) target_semaphore(%run_scoped3A : memref<!tpu.dma_semaphore, #tpu.memory_space<semaphore_mem>>)
      %dma_wait3A_123 = arith.constant 0 : i32
      %dma_wait3A_124 = tpu.memref_slice %arg15[%add3A_24, %dma_wait3A_123] : memref<10240x128xf32, #tpu.memory_space<vmem_shared>> -> memref<32x128xf32, #tpu.memory_space<vmem_shared>>
      %dma_wait3A_125 = arith.constant 0 : i32
      %dma_wait3A_126 = tpu.memref_slice %arg15[%add3A_24, %dma_wait3A_125] : memref<10240x128xf32, #tpu.memory_space<vmem_shared>> -> memref<32x128xf32, #tpu.memory_space<vmem_shared>>
      tpu.wait_dma2 semaphore(%run_scoped3A : memref<!tpu.dma_semaphore, #tpu.memory_space<semaphore_mem>>) src(%arg14 : memref<32x128xf32, #tpu.memory_space<vmem>>) dst(%dma_wait3A_126 : memref<32x128xf32, #tpu.memory_space<vmem_shared>>)
      tpu.yield
    }) : () -> ()
    %add3A_25 = arith.constant 256 : i32
    %add3A_26 = arith.addi %mul3A_2, %add3A_25 : i32
    "tpu.region"() ({
      %run_scoped3A = tpu.sem_alloc : memref<!tpu.dma_semaphore, #tpu.memory_space<semaphore_mem>>
      %dma_start3A_119 = arith.constant 0 : i32
      %dma_start3A_120 = tpu.memref_slice %arg15[%add3A_26, %dma_start3A_119] : memref<10240x128xf32, #tpu.memory_space<vmem_shared>> -> memref<32x128xf32, #tpu.memory_space<vmem_shared>>
      %dma_start3A_121 = arith.constant 0 : i32
      %dma_start3A_122 = tpu.memref_slice %arg15[%add3A_26, %dma_start3A_121] : memref<10240x128xf32, #tpu.memory_space<vmem_shared>> -> memref<32x128xf32, #tpu.memory_space<vmem_shared>>
      tpu.enqueue_dma source(%arg14 : memref<32x128xf32, #tpu.memory_space<vmem>>) target(%dma_start3A_122 : memref<32x128xf32, #tpu.memory_space<vmem_shared>>) target_semaphore(%run_scoped3A : memref<!tpu.dma_semaphore, #tpu.memory_space<semaphore_mem>>)
      %dma_wait3A_123 = arith.constant 0 : i32
      %dma_wait3A_124 = tpu.memref_slice %arg15[%add3A_26, %dma_wait3A_123] : memref<10240x128xf32, #tpu.memory_space<vmem_shared>> -> memref<32x128xf32, #tpu.memory_space<vmem_shared>>
      %dma_wait3A_125 = arith.constant 0 : i32
      %dma_wait3A_126 = tpu.memref_slice %arg15[%add3A_26, %dma_wait3A_125] : memref<10240x128xf32, #tpu.memory_space<vmem_shared>> -> memref<32x128xf32, #tpu.memory_space<vmem_shared>>
      tpu.wait_dma2 semaphore(%run_scoped3A : memref<!tpu.dma_semaphore, #tpu.memory_space<semaphore_mem>>) src(%arg14 : memref<32x128xf32, #tpu.memory_space<vmem>>) dst(%dma_wait3A_126 : memref<32x128xf32, #tpu.memory_space<vmem_shared>>)
      tpu.yield
    }) : () -> ()
    %add3A_27 = arith.constant 288 : i32
    %add3A_28 = arith.addi %mul3A_2, %add3A_27 : i32
    "tpu.region"() ({
      %run_scoped3A = tpu.sem_alloc : memref<!tpu.dma_semaphore, #tpu.memory_space<semaphore_mem>>
      %dma_start3A_119 = arith.constant 0 : i32
      %dma_start3A_120 = tpu.memref_slice %arg15[%add3A_28, %dma_start3A_119] : memref<10240x128xf32, #tpu.memory_space<vmem_shared>> -> memref<32x128xf32, #tpu.memory_space<vmem_shared>>
      %dma_start3A_121 = arith.constant 0 : i32
      %dma_start3A_122 = tpu.memref_slice %arg15[%add3A_28, %dma_start3A_121] : memref<10240x128xf32, #tpu.memory_space<vmem_shared>> -> memref<32x128xf32, #tpu.memory_space<vmem_shared>>
      tpu.enqueue_dma source(%arg14 : memref<32x128xf32, #tpu.memory_space<vmem>>) target(%dma_start3A_122 : memref<32x128xf32, #tpu.memory_space<vmem_shared>>) target_semaphore(%run_scoped3A : memref<!tpu.dma_semaphore, #tpu.memory_space<semaphore_mem>>)
      %dma_wait3A_123 = arith.constant 0 : i32
      %dma_wait3A_124 = tpu.memref_slice %arg15[%add3A_28, %dma_wait3A_123] : memref<10240x128xf32, #tpu.memory_space<vmem_shared>> -> memref<32x128xf32, #tpu.memory_space<vmem_shared>>
      %dma_wait3A_125 = arith.constant 0 : i32
      %dma_wait3A_126 = tpu.memref_slice %arg15[%add3A_28, %dma_wait3A_125] : memref<10240x128xf32, #tpu.memory_space<vmem_shared>> -> memref<32x128xf32, #tpu.memory_space<vmem_shared>>
      tpu.wait_dma2 semaphore(%run_scoped3A : memref<!tpu.dma_semaphore, #tpu.memory_space<semaphore_mem>>) src(%arg14 : memref<32x128xf32, #tpu.memory_space<vmem>>) dst(%dma_wait3A_126 : memref<32x128xf32, #tpu.memory_space<vmem_shared>>)
      tpu.yield
    }) : () -> ()
    %add3A_29 = arith.constant 320 : i32
    %add3A_30 = arith.addi %mul3A_2, %add3A_29 : i32
    "tpu.region"() ({
      %run_scoped3A = tpu.sem_alloc : memref<!tpu.dma_semaphore, #tpu.memory_space<semaphore_mem>>
      %dma_start3A_119 = arith.constant 0 : i32
      %dma_start3A_120 = tpu.memref_slice %arg15[%add3A_30, %dma_start3A_119] : memref<10240x128xf32, #tpu.memory_space<vmem_shared>> -> memref<32x128xf32, #tpu.memory_space<vmem_shared>>
      %dma_start3A_121 = arith.constant 0 : i32
      %dma_start3A_122 = tpu.memref_slice %arg15[%add3A_30, %dma_start3A_121] : memref<10240x128xf32, #tpu.memory_space<vmem_shared>> -> memref<32x128xf32, #tpu.memory_space<vmem_shared>>
      tpu.enqueue_dma source(%arg14 : memref<32x128xf32, #tpu.memory_space<vmem>>) target(%dma_start3A_122 : memref<32x128xf32, #tpu.memory_space<vmem_shared>>) target_semaphore(%run_scoped3A : memref<!tpu.dma_semaphore, #tpu.memory_space<semaphore_mem>>)
      %dma_wait3A_123 = arith.constant 0 : i32
      %dma_wait3A_124 = tpu.memref_slice %arg15[%add3A_30, %dma_wait3A_123] : memref<10240x128xf32, #tpu.memory_space<vmem_shared>> -> memref<32x128xf32, #tpu.memory_space<vmem_shared>>
      %dma_wait3A_125 = arith.constant 0 : i32
      %dma_wait3A_126 = tpu.memref_slice %arg15[%add3A_30, %dma_wait3A_125] : memref<10240x128xf32, #tpu.memory_space<vmem_shared>> -> memref<32x128xf32, #tpu.memory_space<vmem_shared>>
      tpu.wait_dma2 semaphore(%run_scoped3A : memref<!tpu.dma_semaphore, #tpu.memory_space<semaphore_mem>>) src(%arg14 : memref<32x128xf32, #tpu.memory_space<vmem>>) dst(%dma_wait3A_126 : memref<32x128xf32, #tpu.memory_space<vmem_shared>>)
      tpu.yield
    }) : () -> ()
    %add3A_31 = arith.constant 352 : i32
    %add3A_32 = arith.addi %mul3A_2, %add3A_31 : i32
    "tpu.region"() ({
      %run_scoped3A = tpu.sem_alloc : memref<!tpu.dma_semaphore, #tpu.memory_space<semaphore_mem>>
      %dma_start3A_119 = arith.constant 0 : i32
      %dma_start3A_120 = tpu.memref_slice %arg15[%add3A_32, %dma_start3A_119] : memref<10240x128xf32, #tpu.memory_space<vmem_shared>> -> memref<32x128xf32, #tpu.memory_space<vmem_shared>>
      %dma_start3A_121 = arith.constant 0 : i32
      %dma_start3A_122 = tpu.memref_slice %arg15[%add3A_32, %dma_start3A_121] : memref<10240x128xf32, #tpu.memory_space<vmem_shared>> -> memref<32x128xf32, #tpu.memory_space<vmem_shared>>
      tpu.enqueue_dma source(%arg14 : memref<32x128xf32, #tpu.memory_space<vmem>>) target(%dma_start3A_122 : memref<32x128xf32, #tpu.memory_space<vmem_shared>>) target_semaphore(%run_scoped3A : memref<!tpu.dma_semaphore, #tpu.memory_space<semaphore_mem>>)
      %dma_wait3A_123 = arith.constant 0 : i32
      %dma_wait3A_124 = tpu.memref_slice %arg15[%add3A_32, %dma_wait3A_123] : memref<10240x128xf32, #tpu.memory_space<vmem_shared>> -> memref<32x128xf32, #tpu.memory_space<vmem_shared>>
      %dma_wait3A_125 = arith.constant 0 : i32
      %dma_wait3A_126 = tpu.memref_slice %arg15[%add3A_32, %dma_wait3A_125] : memref<10240x128xf32, #tpu.memory_space<vmem_shared>> -> memref<32x128xf32, #tpu.memory_space<vmem_shared>>
      tpu.wait_dma2 semaphore(%run_scoped3A : memref<!tpu.dma_semaphore, #tpu.memory_space<semaphore_mem>>) src(%arg14 : memref<32x128xf32, #tpu.memory_space<vmem>>) dst(%dma_wait3A_126 : memref<32x128xf32, #tpu.memory_space<vmem_shared>>)
      tpu.yield
    }) : () -> ()
    %add3A_33 = arith.constant 384 : i32
    %add3A_34 = arith.addi %mul3A_2, %add3A_33 : i32
    "tpu.region"() ({
      %run_scoped3A = tpu.sem_alloc : memref<!tpu.dma_semaphore, #tpu.memory_space<semaphore_mem>>
      %dma_start3A_119 = arith.constant 0 : i32
      %dma_start3A_120 = tpu.memref_slice %arg15[%add3A_34, %dma_start3A_119] : memref<10240x128xf32, #tpu.memory_space<vmem_shared>> -> memref<32x128xf32, #tpu.memory_space<vmem_shared>>
      %dma_start3A_121 = arith.constant 0 : i32
      %dma_start3A_122 = tpu.memref_slice %arg15[%add3A_34, %dma_start3A_121] : memref<10240x128xf32, #tpu.memory_space<vmem_shared>> -> memref<32x128xf32, #tpu.memory_space<vmem_shared>>
      tpu.enqueue_dma source(%arg14 : memref<32x128xf32, #tpu.memory_space<vmem>>) target(%dma_start3A_122 : memref<32x128xf32, #tpu.memory_space<vmem_shared>>) target_semaphore(%run_scoped3A : memref<!tpu.dma_semaphore, #tpu.memory_space<semaphore_mem>>)
      %dma_wait3A_123 = arith.constant 0 : i32
      %dma_wait3A_124 = tpu.memref_slice %arg15[%add3A_34, %dma_wait3A_123] : memref<10240x128xf32, #tpu.memory_space<vmem_shared>> -> memref<32x128xf32, #tpu.memory_space<vmem_shared>>
      %dma_wait3A_125 = arith.constant 0 : i32
      %dma_wait3A_126 = tpu.memref_slice %arg15[%add3A_34, %dma_wait3A_125] : memref<10240x128xf32, #tpu.memory_space<vmem_shared>> -> memref<32x128xf32, #tpu.memory_space<vmem_shared>>
      tpu.wait_dma2 semaphore(%run_scoped3A : memref<!tpu.dma_semaphore, #tpu.memory_space<semaphore_mem>>) src(%arg14 : memref<32x128xf32, #tpu.memory_space<vmem>>) dst(%dma_wait3A_126 : memref<32x128xf32, #tpu.memory_space<vmem_shared>>)
      tpu.yield
    }) : () -> ()
    %add3A_35 = arith.constant 416 : i32
    %add3A_36 = arith.addi %mul3A_2, %add3A_35 : i32
    "tpu.region"() ({
      %run_scoped3A = tpu.sem_alloc : memref<!tpu.dma_semaphore, #tpu.memory_space<semaphore_mem>>
      %dma_start3A_119 = arith.constant 0 : i32
      %dma_start3A_120 = tpu.memref_slice %arg15[%add3A_36, %dma_start3A_119] : memref<10240x128xf32, #tpu.memory_space<vmem_shared>> -> memref<32x128xf32, #tpu.memory_space<vmem_shared>>
      %dma_start3A_121 = arith.constant 0 : i32
      %dma_start3A_122 = tpu.memref_slice %arg15[%add3A_36, %dma_start3A_121] : memref<10240x128xf32, #tpu.memory_space<vmem_shared>> -> memref<32x128xf32, #tpu.memory_space<vmem_shared>>
      tpu.enqueue_dma source(%arg14 : memref<32x128xf32, #tpu.memory_space<vmem>>) target(%dma_start3A_122 : memref<32x128xf32, #tpu.memory_space<vmem_shared>>) target_semaphore(%run_scoped3A : memref<!tpu.dma_semaphore, #tpu.memory_space<semaphore_mem>>)
      %dma_wait3A_123 = arith.constant 0 : i32
      %dma_wait3A_124 = tpu.memref_slice %arg15[%add3A_36, %dma_wait3A_123] : memref<10240x128xf32, #tpu.memory_space<vmem_shared>> -> memref<32x128xf32, #tpu.memory_space<vmem_shared>>
      %dma_wait3A_125 = arith.constant 0 : i32
      %dma_wait3A_126 = tpu.memref_slice %arg15[%add3A_36, %dma_wait3A_125] : memref<10240x128xf32, #tpu.memory_space<vmem_shared>> -> memref<32x128xf32, #tpu.memory_space<vmem_shared>>
      tpu.wait_dma2 semaphore(%run_scoped3A : memref<!tpu.dma_semaphore, #tpu.memory_space<semaphore_mem>>) src(%arg14 : memref<32x128xf32, #tpu.memory_space<vmem>>) dst(%dma_wait3A_126 : memref<32x128xf32, #tpu.memory_space<vmem_shared>>)
      tpu.yield
    }) : () -> ()
    %add3A_37 = arith.constant 448 : i32
    %add3A_38 = arith.addi %mul3A_2, %add3A_37 : i32
    "tpu.region"() ({
      %run_scoped3A = tpu.sem_alloc : memref<!tpu.dma_semaphore, #tpu.memory_space<semaphore_mem>>
      %dma_start3A_119 = arith.constant 0 : i32
      %dma_start3A_120 = tpu.memref_slice %arg15[%add3A_38, %dma_start3A_119] : memref<10240x128xf32, #tpu.memory_space<vmem_shared>> -> memref<32x128xf32, #tpu.memory_space<vmem_shared>>
      %dma_start3A_121 = arith.constant 0 : i32
      %dma_start3A_122 = tpu.memref_slice %arg15[%add3A_38, %dma_start3A_121] : memref<10240x128xf32, #tpu.memory_space<vmem_shared>> -> memref<32x128xf32, #tpu.memory_space<vmem_shared>>
      tpu.enqueue_dma source(%arg14 : memref<32x128xf32, #tpu.memory_space<vmem>>) target(%dma_start3A_122 : memref<32x128xf32, #tpu.memory_space<vmem_shared>>) target_semaphore(%run_scoped3A : memref<!tpu.dma_semaphore, #tpu.memory_space<semaphore_mem>>)
      %dma_wait3A_123 = arith.constant 0 : i32
      %dma_wait3A_124 = tpu.memref_slice %arg15[%add3A_38, %dma_wait3A_123] : memref<10240x128xf32, #tpu.memory_space<vmem_shared>> -> memref<32x128xf32, #tpu.memory_space<vmem_shared>>
      %dma_wait3A_125 = arith.constant 0 : i32
      %dma_wait3A_126 = tpu.memref_slice %arg15[%add3A_38, %dma_wait3A_125] : memref<10240x128xf32, #tpu.memory_space<vmem_shared>> -> memref<32x128xf32, #tpu.memory_space<vmem_shared>>
      tpu.wait_dma2 semaphore(%run_scoped3A : memref<!tpu.dma_semaphore, #tpu.memory_space<semaphore_mem>>) src(%arg14 : memref<32x128xf32, #tpu.memory_space<vmem>>) dst(%dma_wait3A_126 : memref<32x128xf32, #tpu.memory_space<vmem_shared>>)
      tpu.yield
    }) : () -> ()
    %add3A_39 = arith.constant 480 : i32
    %add3A_40 = arith.addi %mul3A_2, %add3A_39 : i32
    "tpu.region"() ({
      %run_scoped3A = tpu.sem_alloc : memref<!tpu.dma_semaphore, #tpu.memory_space<semaphore_mem>>
      %dma_start3A_119 = arith.constant 0 : i32
      %dma_start3A_120 = tpu.memref_slice %arg15[%add3A_40, %dma_start3A_119] : memref<10240x128xf32, #tpu.memory_space<vmem_shared>> -> memref<32x128xf32, #tpu.memory_space<vmem_shared>>
      %dma_start3A_121 = arith.constant 0 : i32
      %dma_start3A_122 = tpu.memref_slice %arg15[%add3A_40, %dma_start3A_121] : memref<10240x128xf32, #tpu.memory_space<vmem_shared>> -> memref<32x128xf32, #tpu.memory_space<vmem_shared>>
      tpu.enqueue_dma source(%arg14 : memref<32x128xf32, #tpu.memory_space<vmem>>) target(%dma_start3A_122 : memref<32x128xf32, #tpu.memory_space<vmem_shared>>) target_semaphore(%run_scoped3A : memref<!tpu.dma_semaphore, #tpu.memory_space<semaphore_mem>>)
      %dma_wait3A_123 = arith.constant 0 : i32
      %dma_wait3A_124 = tpu.memref_slice %arg15[%add3A_40, %dma_wait3A_123] : memref<10240x128xf32, #tpu.memory_space<vmem_shared>> -> memref<32x128xf32, #tpu.memory_space<vmem_shared>>
      %dma_wait3A_125 = arith.constant 0 : i32
      %dma_wait3A_126 = tpu.memref_slice %arg15[%add3A_40, %dma_wait3A_125] : memref<10240x128xf32, #tpu.memory_space<vmem_shared>> -> memref<32x128xf32, #tpu.memory_space<vmem_shared>>
      tpu.wait_dma2 semaphore(%run_scoped3A : memref<!tpu.dma_semaphore, #tpu.memory_space<semaphore_mem>>) src(%arg14 : memref<32x128xf32, #tpu.memory_space<vmem>>) dst(%dma_wait3A_126 : memref<32x128xf32, #tpu.memory_space<vmem_shared>>)
      tpu.yield
    }) : () -> ()
    %add3A_41 = arith.constant 512 : i32
    %add3A_42 = arith.addi %mul3A_2, %add3A_41 : i32
    "tpu.region"() ({
      %run_scoped3A = tpu.sem_alloc : memref<!tpu.dma_semaphore, #tpu.memory_space<semaphore_mem>>
      %dma_start3A_119 = arith.constant 0 : i32
      %dma_start3A_120 = tpu.memref_slice %arg15[%add3A_42, %dma_start3A_119] : memref<10240x128xf32, #tpu.memory_space<vmem_shared>> -> memref<32x128xf32, #tpu.memory_space<vmem_shared>>
      %dma_start3A_121 = arith.constant 0 : i32
      %dma_start3A_122 = tpu.memref_slice %arg15[%add3A_42, %dma_start3A_121] : memref<10240x128xf32, #tpu.memory_space<vmem_shared>> -> memref<32x128xf32, #tpu.memory_space<vmem_shared>>
      tpu.enqueue_dma source(%arg14 : memref<32x128xf32, #tpu.memory_space<vmem>>) target(%dma_start3A_122 : memref<32x128xf32, #tpu.memory_space<vmem_shared>>) target_semaphore(%run_scoped3A : memref<!tpu.dma_semaphore, #tpu.memory_space<semaphore_mem>>)
      %dma_wait3A_123 = arith.constant 0 : i32
      %dma_wait3A_124 = tpu.memref_slice %arg15[%add3A_42, %dma_wait3A_123] : memref<10240x128xf32, #tpu.memory_space<vmem_shared>> -> memref<32x128xf32, #tpu.memory_space<vmem_shared>>
      %dma_wait3A_125 = arith.constant 0 : i32
      %dma_wait3A_126 = tpu.memref_slice %arg15[%add3A_42, %dma_wait3A_125] : memref<10240x128xf32, #tpu.memory_space<vmem_shared>> -> memref<32x128xf32, #tpu.memory_space<vmem_shared>>
      tpu.wait_dma2 semaphore(%run_scoped3A : memref<!tpu.dma_semaphore, #tpu.memory_space<semaphore_mem>>) src(%arg14 : memref<32x128xf32, #tpu.memory_space<vmem>>) dst(%dma_wait3A_126 : memref<32x128xf32, #tpu.memory_space<vmem_shared>>)
      tpu.yield
    }) : () -> ()
    %add3A_43 = arith.constant 544 : i32
    %add3A_44 = arith.addi %mul3A_2, %add3A_43 : i32
    "tpu.region"() ({
      %run_scoped3A = tpu.sem_alloc : memref<!tpu.dma_semaphore, #tpu.memory_space<semaphore_mem>>
      %dma_start3A_119 = arith.constant 0 : i32
      %dma_start3A_120 = tpu.memref_slice %arg15[%add3A_44, %dma_start3A_119] : memref<10240x128xf32, #tpu.memory_space<vmem_shared>> -> memref<32x128xf32, #tpu.memory_space<vmem_shared>>
      %dma_start3A_121 = arith.constant 0 : i32
      %dma_start3A_122 = tpu.memref_slice %arg15[%add3A_44, %dma_start3A_121] : memref<10240x128xf32, #tpu.memory_space<vmem_shared>> -> memref<32x128xf32, #tpu.memory_space<vmem_shared>>
      tpu.enqueue_dma source(%arg14 : memref<32x128xf32, #tpu.memory_space<vmem>>) target(%dma_start3A_122 : memref<32x128xf32, #tpu.memory_space<vmem_shared>>) target_semaphore(%run_scoped3A : memref<!tpu.dma_semaphore, #tpu.memory_space<semaphore_mem>>)
      %dma_wait3A_123 = arith.constant 0 : i32
      %dma_wait3A_124 = tpu.memref_slice %arg15[%add3A_44, %dma_wait3A_123] : memref<10240x128xf32, #tpu.memory_space<vmem_shared>> -> memref<32x128xf32, #tpu.memory_space<vmem_shared>>
      %dma_wait3A_125 = arith.constant 0 : i32
      %dma_wait3A_126 = tpu.memref_slice %arg15[%add3A_44, %dma_wait3A_125] : memref<10240x128xf32, #tpu.memory_space<vmem_shared>> -> memref<32x128xf32, #tpu.memory_space<vmem_shared>>
      tpu.wait_dma2 semaphore(%run_scoped3A : memref<!tpu.dma_semaphore, #tpu.memory_space<semaphore_mem>>) src(%arg14 : memref<32x128xf32, #tpu.memory_space<vmem>>) dst(%dma_wait3A_126 : memref<32x128xf32, #tpu.memory_space<vmem_shared>>)
      tpu.yield
    }) : () -> ()
    %add3A_45 = arith.constant 576 : i32
    %add3A_46 = arith.addi %mul3A_2, %add3A_45 : i32
    "tpu.region"() ({
      %run_scoped3A = tpu.sem_alloc : memref<!tpu.dma_semaphore, #tpu.memory_space<semaphore_mem>>
      %dma_start3A_119 = arith.constant 0 : i32
      %dma_start3A_120 = tpu.memref_slice %arg15[%add3A_46, %dma_start3A_119] : memref<10240x128xf32, #tpu.memory_space<vmem_shared>> -> memref<32x128xf32, #tpu.memory_space<vmem_shared>>
      %dma_start3A_121 = arith.constant 0 : i32
      %dma_start3A_122 = tpu.memref_slice %arg15[%add3A_46, %dma_start3A_121] : memref<10240x128xf32, #tpu.memory_space<vmem_shared>> -> memref<32x128xf32, #tpu.memory_space<vmem_shared>>
      tpu.enqueue_dma source(%arg14 : memref<32x128xf32, #tpu.memory_space<vmem>>) target(%dma_start3A_122 : memref<32x128xf32, #tpu.memory_space<vmem_shared>>) target_semaphore(%run_scoped3A : memref<!tpu.dma_semaphore, #tpu.memory_space<semaphore_mem>>)
      %dma_wait3A_123 = arith.constant 0 : i32
      %dma_wait3A_124 = tpu.memref_slice %arg15[%add3A_46, %dma_wait3A_123] : memref<10240x128xf32, #tpu.memory_space<vmem_shared>> -> memref<32x128xf32, #tpu.memory_space<vmem_shared>>
      %dma_wait3A_125 = arith.constant 0 : i32
      %dma_wait3A_126 = tpu.memref_slice %arg15[%add3A_46, %dma_wait3A_125] : memref<10240x128xf32, #tpu.memory_space<vmem_shared>> -> memref<32x128xf32, #tpu.memory_space<vmem_shared>>
      tpu.wait_dma2 semaphore(%run_scoped3A : memref<!tpu.dma_semaphore, #tpu.memory_space<semaphore_mem>>) src(%arg14 : memref<32x128xf32, #tpu.memory_space<vmem>>) dst(%dma_wait3A_126 : memref<32x128xf32, #tpu.memory_space<vmem_shared>>)
      tpu.yield
    }) : () -> ()
    %add3A_47 = arith.constant 608 : i32
    %add3A_48 = arith.addi %mul3A_2, %add3A_47 : i32
    "tpu.region"() ({
      %run_scoped3A = tpu.sem_alloc : memref<!tpu.dma_semaphore, #tpu.memory_space<semaphore_mem>>
      %dma_start3A_119 = arith.constant 0 : i32
      %dma_start3A_120 = tpu.memref_slice %arg15[%add3A_48, %dma_start3A_119] : memref<10240x128xf32, #tpu.memory_space<vmem_shared>> -> memref<32x128xf32, #tpu.memory_space<vmem_shared>>
      %dma_start3A_121 = arith.constant 0 : i32
      %dma_start3A_122 = tpu.memref_slice %arg15[%add3A_48, %dma_start3A_121] : memref<10240x128xf32, #tpu.memory_space<vmem_shared>> -> memref<32x128xf32, #tpu.memory_space<vmem_shared>>
      tpu.enqueue_dma source(%arg14 : memref<32x128xf32, #tpu.memory_space<vmem>>) target(%dma_start3A_122 : memref<32x128xf32, #tpu.memory_space<vmem_shared>>) target_semaphore(%run_scoped3A : memref<!tpu.dma_semaphore, #tpu.memory_space<semaphore_mem>>)
      %dma_wait3A_123 = arith.constant 0 : i32
      %dma_wait3A_124 = tpu.memref_slice %arg15[%add3A_48, %dma_wait3A_123] : memref<10240x128xf32, #tpu.memory_space<vmem_shared>> -> memref<32x128xf32, #tpu.memory_space<vmem_shared>>
      %dma_wait3A_125 = arith.constant 0 : i32
      %dma_wait3A_126 = tpu.memref_slice %arg15[%add3A_48, %dma_wait3A_125] : memref<10240x128xf32, #tpu.memory_space<vmem_shared>> -> memref<32x128xf32, #tpu.memory_space<vmem_shared>>
      tpu.wait_dma2 semaphore(%run_scoped3A : memref<!tpu.dma_semaphore, #tpu.memory_space<semaphore_mem>>) src(%arg14 : memref<32x128xf32, #tpu.memory_space<vmem>>) dst(%dma_wait3A_126 : memref<32x128xf32, #tpu.memory_space<vmem_shared>>)
      tpu.yield
    }) : () -> ()
    %mul3A_49 = arith.constant 10000 : i32
    %mul3A_50 = arith.muli %add3A, %mul3A_49 : i32
    "tpu.region"() ({
      %run_scoped3A = tpu.sem_alloc : memref<!tpu.dma_semaphore, #tpu.memory_space<semaphore_mem>>
      %dma_start3A_119 = tpu.memref_slice %arg3[%mul3A_50] : memref<320000xi32, #tpu.memory_space<hbm>> -> memref<10000xi32, #tpu.memory_space<hbm>>
      %dma_start3A_120 = tpu.memref_slice %arg3[%mul3A_50] : memref<320000xi32, #tpu.memory_space<hbm>> -> memref<10000xi32, #tpu.memory_space<hbm>>
      tpu.enqueue_dma source(%dma_start3A_120 : memref<10000xi32, #tpu.memory_space<hbm>>) target(%arg7 : memref<10000xi32, #tpu.memory_space<vmem>>) target_semaphore(%run_scoped3A : memref<!tpu.dma_semaphore, #tpu.memory_space<semaphore_mem>>)
      %dma_wait3A_121 = tpu.memref_slice %arg3[%mul3A_50] : memref<320000xi32, #tpu.memory_space<hbm>> -> memref<10000xi32, #tpu.memory_space<hbm>>
      %dma_wait3A_122 = tpu.memref_slice %arg3[%mul3A_50] : memref<320000xi32, #tpu.memory_space<hbm>> -> memref<10000xi32, #tpu.memory_space<hbm>>
      tpu.wait_dma2 semaphore(%run_scoped3A : memref<!tpu.dma_semaphore, #tpu.memory_space<semaphore_mem>>) src(%dma_wait3A_122 : memref<10000xi32, #tpu.memory_space<hbm>>) dst(%arg7 : memref<10000xi32, #tpu.memory_space<vmem>>)
      tpu.yield
    }) : () -> ()
    %barrier3A = arith.constant 0 : index
    tpu.barrier barrier_id(%barrier3A)
    %mul3A_51 = arith.constant 10000 : i32
    %mul3A_52 = arith.muli %add3A, %mul3A_51 : i32
    %add3A_53 = arith.constant 0 : i32
    %add3A_54 = arith.addi %mul3A_52, %add3A_53 : i32
    %multiple_of3A = tpu.assume_multiple %add3A_54, 8 : i32
    %dma_start3A = tpu.memref_slice %arg4[%multiple_of3A] : memref<320000xi32, #tpu.memory_space<hbm>> -> memref<80xi32, #tpu.memory_space<hbm>>
    %dma_start3A_55 = tpu.memref_slice %arg4[%multiple_of3A] : memref<320000xi32, #tpu.memory_space<hbm>> -> memref<80xi32, #tpu.memory_space<hbm>>
    tpu.enqueue_dma source(%dma_start3A_55 : memref<80xi32, #tpu.memory_space<hbm>>) target(%arg8 : memref<80xi32, #tpu.memory_space<vmem>>) target_semaphore(%arg16 : memref<!tpu.dma_semaphore, #tpu.memory_space<semaphore_mem>>)
    %multiple_of3A_56 = arith.constant 0 : i32
    %multiple_of3A_57 = tpu.assume_multiple %multiple_of3A_56, 8 : i32
    %dma_start3A_58 = tpu.memref_slice %arg7[%multiple_of3A_57] : memref<10000xi32, #tpu.memory_space<vmem>> -> memref<80xi32, #tpu.memory_space<vmem>>
    %dma_start3A_59 = arith.constant 0 : i32
    %dma_start3A_60 = arith.constant 0 : i32
    %dma_start3A_61 = tpu.memref_slice %arg2[%dma_start3A_59, %dma_start3A_60] : memref<10000x128xf32, #tpu.memory_space<hbm>> -> memref<10000x128xf32, #tpu.memory_space<hbm>>
    tpu.enqueue_indirect_dma source(%dma_start3A_61 : memref<10000x128xf32, #tpu.memory_space<hbm>>) target(%arg11 : memref<80x128xf32, #tpu.memory_space<vmem>>) offsets(%dma_start3A_58 : memref<80xi32, #tpu.memory_space<vmem>>) semaphore(%arg19 : memref<!tpu.dma_semaphore, #tpu.memory_space<semaphore_mem>>)
    %mul3A_62 = arith.constant 10000 : i32
    %mul3A_63 = arith.muli %add3A, %mul3A_62 : i32
    %add3A_64 = arith.constant 80 : i32
    %add3A_65 = arith.addi %mul3A_63, %add3A_64 : i32
    %multiple_of3A_66 = tpu.assume_multiple %add3A_65, 8 : i32
    %dma_start3A_67 = tpu.memref_slice %arg4[%multiple_of3A_66] : memref<320000xi32, #tpu.memory_space<hbm>> -> memref<80xi32, #tpu.memory_space<hbm>>
    %dma_start3A_68 = tpu.memref_slice %arg4[%multiple_of3A_66] : memref<320000xi32, #tpu.memory_space<hbm>> -> memref<80xi32, #tpu.memory_space<hbm>>
    tpu.enqueue_dma source(%dma_start3A_68 : memref<80xi32, #tpu.memory_space<hbm>>) target(%arg9 : memref<80xi32, #tpu.memory_space<vmem>>) target_semaphore(%arg17 : memref<!tpu.dma_semaphore, #tpu.memory_space<semaphore_mem>>)
    %multiple_of3A_69 = arith.constant 80 : i32
    %multiple_of3A_70 = tpu.assume_multiple %multiple_of3A_69, 8 : i32
    %dma_start3A_71 = tpu.memref_slice %arg7[%multiple_of3A_70] : memref<10000xi32, #tpu.memory_space<vmem>> -> memref<80xi32, #tpu.memory_space<vmem>>
    %dma_start3A_72 = arith.constant 0 : i32
    %dma_start3A_73 = arith.constant 0 : i32
    %dma_start3A_74 = tpu.memref_slice %arg2[%dma_start3A_72, %dma_start3A_73] : memref<10000x128xf32, #tpu.memory_space<hbm>> -> memref<10000x128xf32, #tpu.memory_space<hbm>>
    tpu.enqueue_indirect_dma source(%dma_start3A_74 : memref<10000x128xf32, #tpu.memory_space<hbm>>) target(%arg12 : memref<80x128xf32, #tpu.memory_space<vmem>>) offsets(%dma_start3A_71 : memref<80xi32, #tpu.memory_space<vmem>>) semaphore(%arg20 : memref<!tpu.dma_semaphore, #tpu.memory_space<semaphore_mem>>)
    %mul3A_75 = arith.constant 10000 : i32
    %mul3A_76 = arith.muli %add3A, %mul3A_75 : i32
    %add3A_77 = arith.constant 160 : i32
    %add3A_78 = arith.addi %mul3A_76, %add3A_77 : i32
    %multiple_of3A_79 = tpu.assume_multiple %add3A_78, 8 : i32
    %dma_start3A_80 = tpu.memref_slice %arg4[%multiple_of3A_79] : memref<320000xi32, #tpu.memory_space<hbm>> -> memref<80xi32, #tpu.memory_space<hbm>>
    %dma_start3A_81 = tpu.memref_slice %arg4[%multiple_of3A_79] : memref<320000xi32, #tpu.memory_space<hbm>> -> memref<80xi32, #tpu.memory_space<hbm>>
    tpu.enqueue_dma source(%dma_start3A_81 : memref<80xi32, #tpu.memory_space<hbm>>) target(%arg10 : memref<80xi32, #tpu.memory_space<vmem>>) target_semaphore(%arg18 : memref<!tpu.dma_semaphore, #tpu.memory_space<semaphore_mem>>)
    %multiple_of3A_82 = arith.constant 160 : i32
    %multiple_of3A_83 = tpu.assume_multiple %multiple_of3A_82, 8 : i32
    %dma_start3A_84 = tpu.memref_slice %arg7[%multiple_of3A_83] : memref<10000xi32, #tpu.memory_space<vmem>> -> memref<80xi32, #tpu.memory_space<vmem>>
    %dma_start3A_85 = arith.constant 0 : i32
    %dma_start3A_86 = arith.constant 0 : i32
    %dma_start3A_87 = tpu.memref_slice %arg2[%dma_start3A_85, %dma_start3A_86] : memref<10000x128xf32, #tpu.memory_space<hbm>> -> memref<10000x128xf32, #tpu.memory_space<hbm>>
    tpu.enqueue_indirect_dma source(%dma_start3A_87 : memref<10000x128xf32, #tpu.memory_space<hbm>>) target(%arg13 : memref<80x128xf32, #tpu.memory_space<vmem>>) offsets(%dma_start3A_84 : memref<80xi32, #tpu.memory_space<vmem>>) semaphore(%arg21 : memref<!tpu.dma_semaphore, #tpu.memory_space<semaphore_mem>>)
    %scan3A_88 = arith.constant 0 : i32
    %scan3A_89 = arith.constant 0 : i32
    %scan3A_90 = arith.constant 41 : i32
    %scan3A_91 = arith.addi %scan3A_89, %scan3A_90 : i32
    %scan3A_92 = arith.constant 1 : i32
    scf.for %scan3A_119 = %scan3A_89 to %scan3A_91 step %scan3A_92  : i32 {
      %mul3A_120 = arith.constant 3 : i32
      %mul3A_121 = arith.muli %mul3A_120, %scan3A_119 : i32
      %dma_wait3A_122 = arith.constant 0 : i32
      %dma_wait3A_123 = tpu.memref_slice %arg4[%dma_wait3A_122] : memref<320000xi32, #tpu.memory_space<hbm>> -> memref<80xi32, #tpu.memory_space<hbm>>
      %dma_wait3A_124 = arith.constant 0 : i32
      %dma_wait3A_125 = tpu.memref_slice %arg4[%dma_wait3A_124] : memref<320000xi32, #tpu.memory_space<hbm>> -> memref<80xi32, #tpu.memory_space<hbm>>
      tpu.wait_dma2 semaphore(%arg16 : memref<!tpu.dma_semaphore, #tpu.memory_space<semaphore_mem>>) src(%dma_wait3A_125 : memref<80xi32, #tpu.memory_space<hbm>>) dst(%arg8 : memref<80xi32, #tpu.memory_space<vmem>>)
      %dma_wait3A_126 = arith.constant 0 : i32
      %dma_wait3A_127 = tpu.memref_slice %arg7[%dma_wait3A_126] : memref<10000xi32, #tpu.memory_space<vmem>> -> memref<80xi32, #tpu.memory_space<vmem>>
      %dma_wait3A_128 = arith.constant 0 : i32
      %dma_wait3A_129 = arith.constant 0 : i32
      %dma_wait3A_130 = tpu.memref_slice %arg2[%dma_wait3A_128, %dma_wait3A_129] : memref<10000x128xf32, #tpu.memory_space<hbm>> -> memref<10000x128xf32, #tpu.memory_space<hbm>>
      tpu.wait_indirect_dma semaphore(%arg19 : memref<!tpu.dma_semaphore, #tpu.memory_space<semaphore_mem>>) src(%dma_wait3A_130 : memref<10000x128xf32, #tpu.memory_space<hbm>>) dst(%arg11 : memref<80x128xf32, #tpu.memory_space<vmem>>)
      "tpu.region"() ({
        %run_scoped3A = tpu.sem_alloc : memref<!tpu.dma_semaphore, #tpu.memory_space<semaphore_mem>>
        %dma_start3A_175 = arith.constant 0 : i32
        %dma_start3A_176 = arith.constant 0 : i32
        %dma_start3A_177 = tpu.memref_slice %arg15[%dma_start3A_175, %dma_start3A_176] : memref<10240x128xf32, #tpu.memory_space<vmem_shared>> -> memref<10240x128xf32, #tpu.memory_space<vmem_shared>>
        tpu.enqueue_indirect_dma source(%arg11 : memref<80x128xf32, #tpu.memory_space<vmem>>) target(%dma_start3A_177 : memref<10240x128xf32, #tpu.memory_space<vmem_shared>>) offsets(%arg8 : memref<80xi32, #tpu.memory_space<vmem>>) semaphore(%run_scoped3A : memref<!tpu.dma_semaphore, #tpu.memory_space<semaphore_mem>>) {add = true}
        %dma_wait3A_178 = arith.constant 0 : i32
        %dma_wait3A_179 = arith.constant 0 : i32
        %dma_wait3A_180 = tpu.memref_slice %arg15[%dma_wait3A_178, %dma_wait3A_179] : memref<10240x128xf32, #tpu.memory_space<vmem_shared>> -> memref<10240x128xf32, #tpu.memory_space<vmem_shared>>
        tpu.wait_indirect_dma semaphore(%run_scoped3A : memref<!tpu.dma_semaphore, #tpu.memory_space<semaphore_mem>>) src(%arg11 : memref<80x128xf32, #tpu.memory_space<vmem>>) dst(%dma_wait3A_180 : memref<10240x128xf32, #tpu.memory_space<vmem_shared>>)
        tpu.yield
      }) : () -> ()
      %add3A_131 = arith.constant 0 : i32
      %add3A_132 = arith.addi %mul3A_121, %add3A_131 : i32
      %add3A_133 = arith.constant 3 : i32
      %add3A_134 = arith.addi %add3A_132, %add3A_133 : i32
      %lt3A = arith.constant 125 : i32
      %lt3A_135 = arith.cmpi slt, %add3A_134, %lt3A : i32
      %convert_element_type3A_136 = arith.extui %lt3A_135 : i1 to i32
      %cond3A_137 = arith.constant 0 : i32
      %cond3A_138 = arith.cmpi ne, %convert_element_type3A_136, %cond3A_137 : i32
      scf.if %cond3A_138 {
        %add3A_175 = arith.constant 0 : i32
        %add3A_176 = arith.addi %mul3A_121, %add3A_175 : i32
        %add3A_177 = arith.constant 3 : i32
        %add3A_178 = arith.addi %add3A_176, %add3A_177 : i32
        %mul3A_179 = arith.constant 10000 : i32
        %mul3A_180 = arith.muli %add3A, %mul3A_179 : i32
        %mul3A_181 = arith.constant 80 : i32
        %mul3A_182 = arith.muli %add3A_178, %mul3A_181 : i32
        %add3A_183 = arith.addi %mul3A_180, %mul3A_182 : i32
        %multiple_of3A_184 = tpu.assume_multiple %add3A_183, 8 : i32
        %dma_start3A_185 = tpu.memref_slice %arg4[%multiple_of3A_184] : memref<320000xi32, #tpu.memory_space<hbm>> -> memref<80xi32, #tpu.memory_space<hbm>>
        %dma_start3A_186 = tpu.memref_slice %arg4[%multiple_of3A_184] : memref<320000xi32, #tpu.memory_space<hbm>> -> memref<80xi32, #tpu.memory_space<hbm>>
        tpu.enqueue_dma source(%dma_start3A_186 : memref<80xi32, #tpu.memory_space<hbm>>) target(%arg8 : memref<80xi32, #tpu.memory_space<vmem>>) target_semaphore(%arg16 : memref<!tpu.dma_semaphore, #tpu.memory_space<semaphore_mem>>)
        %mul3A_187 = arith.constant 80 : i32
        %mul3A_188 = arith.muli %add3A_178, %mul3A_187 : i32
        %multiple_of3A_189 = tpu.assume_multiple %mul3A_188, 8 : i32
        %dma_start3A_190 = tpu.memref_slice %arg7[%multiple_of3A_189] : memref<10000xi32, #tpu.memory_space<vmem>> -> memref<80xi32, #tpu.memory_space<vmem>>
        %dma_start3A_191 = arith.constant 0 : i32
        %dma_start3A_192 = arith.constant 0 : i32
        %dma_start3A_193 = tpu.memref_slice %arg2[%dma_start3A_191, %dma_start3A_192] : memref<10000x128xf32, #tpu.memory_space<hbm>> -> memref<10000x128xf32, #tpu.memory_space<hbm>>
        tpu.enqueue_indirect_dma source(%dma_start3A_193 : memref<10000x128xf32, #tpu.memory_space<hbm>>) target(%arg11 : memref<80x128xf32, #tpu.memory_space<vmem>>) offsets(%dma_start3A_190 : memref<80xi32, #tpu.memory_space<vmem>>) semaphore(%arg19 : memref<!tpu.dma_semaphore, #tpu.memory_space<semaphore_mem>>)
      } else {
      }
      %dma_wait3A_139 = arith.constant 0 : i32
      %dma_wait3A_140 = tpu.memref_slice %arg4[%dma_wait3A_139] : memref<320000xi32, #tpu.memory_space<hbm>> -> memref<80xi32, #tpu.memory_space<hbm>>
      %dma_wait3A_141 = arith.constant 0 : i32
      %dma_wait3A_142 = tpu.memref_slice %arg4[%dma_wait3A_141] : memref<320000xi32, #tpu.memory_space<hbm>> -> memref<80xi32, #tpu.memory_space<hbm>>
      tpu.wait_dma2 semaphore(%arg17 : memref<!tpu.dma_semaphore, #tpu.memory_space<semaphore_mem>>) src(%dma_wait3A_142 : memref<80xi32, #tpu.memory_space<hbm>>) dst(%arg9 : memref<80xi32, #tpu.memory_space<vmem>>)
      %dma_wait3A_143 = arith.constant 0 : i32
      %dma_wait3A_144 = tpu.memref_slice %arg7[%dma_wait3A_143] : memref<10000xi32, #tpu.memory_space<vmem>> -> memref<80xi32, #tpu.memory_space<vmem>>
      %dma_wait3A_145 = arith.constant 0 : i32
      %dma_wait3A_146 = arith.constant 0 : i32
      %dma_wait3A_147 = tpu.memref_slice %arg2[%dma_wait3A_145, %dma_wait3A_146] : memref<10000x128xf32, #tpu.memory_space<hbm>> -> memref<10000x128xf32, #tpu.memory_space<hbm>>
      tpu.wait_indirect_dma semaphore(%arg20 : memref<!tpu.dma_semaphore, #tpu.memory_space<semaphore_mem>>) src(%dma_wait3A_147 : memref<10000x128xf32, #tpu.memory_space<hbm>>) dst(%arg12 : memref<80x128xf32, #tpu.memory_space<vmem>>)
      "tpu.region"() ({
        %run_scoped3A = tpu.sem_alloc : memref<!tpu.dma_semaphore, #tpu.memory_space<semaphore_mem>>
        %dma_start3A_175 = arith.constant 0 : i32
        %dma_start3A_176 = arith.constant 0 : i32
        %dma_start3A_177 = tpu.memref_slice %arg15[%dma_start3A_175, %dma_start3A_176] : memref<10240x128xf32, #tpu.memory_space<vmem_shared>> -> memref<10240x128xf32, #tpu.memory_space<vmem_shared>>
        tpu.enqueue_indirect_dma source(%arg12 : memref<80x128xf32, #tpu.memory_space<vmem>>) target(%dma_start3A_177 : memref<10240x128xf32, #tpu.memory_space<vmem_shared>>) offsets(%arg9 : memref<80xi32, #tpu.memory_space<vmem>>) semaphore(%run_scoped3A : memref<!tpu.dma_semaphore, #tpu.memory_space<semaphore_mem>>) {add = true}
        %dma_wait3A_178 = arith.constant 0 : i32
        %dma_wait3A_179 = arith.constant 0 : i32
        %dma_wait3A_180 = tpu.memref_slice %arg15[%dma_wait3A_178, %dma_wait3A_179] : memref<10240x128xf32, #tpu.memory_space<vmem_shared>> -> memref<10240x128xf32, #tpu.memory_space<vmem_shared>>
        tpu.wait_indirect_dma semaphore(%run_scoped3A : memref<!tpu.dma_semaphore, #tpu.memory_space<semaphore_mem>>) src(%arg12 : memref<80x128xf32, #tpu.memory_space<vmem>>) dst(%dma_wait3A_180 : memref<10240x128xf32, #tpu.memory_space<vmem_shared>>)
        tpu.yield
      }) : () -> ()
      %add3A_148 = arith.constant 1 : i32
      %add3A_149 = arith.addi %mul3A_121, %add3A_148 : i32
      %add3A_150 = arith.constant 3 : i32
      %add3A_151 = arith.addi %add3A_149, %add3A_150 : i32
      %lt3A_152 = arith.constant 125 : i32
      %lt3A_153 = arith.cmpi slt, %add3A_151, %lt3A_152 : i32
      %convert_element_type3A_154 = arith.extui %lt3A_153 : i1 to i32
      %cond3A_155 = arith.constant 0 : i32
      %cond3A_156 = arith.cmpi ne, %convert_element_type3A_154, %cond3A_155 : i32
      scf.if %cond3A_156 {
        %add3A_175 = arith.constant 1 : i32
        %add3A_176 = arith.addi %mul3A_121, %add3A_175 : i32
        %add3A_177 = arith.constant 3 : i32
        %add3A_178 = arith.addi %add3A_176, %add3A_177 : i32
        %mul3A_179 = arith.constant 10000 : i32
        %mul3A_180 = arith.muli %add3A, %mul3A_179 : i32
        %mul3A_181 = arith.constant 80 : i32
        %mul3A_182 = arith.muli %add3A_178, %mul3A_181 : i32
        %add3A_183 = arith.addi %mul3A_180, %mul3A_182 : i32
        %multiple_of3A_184 = tpu.assume_multiple %add3A_183, 8 : i32
        %dma_start3A_185 = tpu.memref_slice %arg4[%multiple_of3A_184] : memref<320000xi32, #tpu.memory_space<hbm>> -> memref<80xi32, #tpu.memory_space<hbm>>
        %dma_start3A_186 = tpu.memref_slice %arg4[%multiple_of3A_184] : memref<320000xi32, #tpu.memory_space<hbm>> -> memref<80xi32, #tpu.memory_space<hbm>>
        tpu.enqueue_dma source(%dma_start3A_186 : memref<80xi32, #tpu.memory_space<hbm>>) target(%arg9 : memref<80xi32, #tpu.memory_space<vmem>>) target_semaphore(%arg17 : memref<!tpu.dma_semaphore, #tpu.memory_space<semaphore_mem>>)
        %mul3A_187 = arith.constant 80 : i32
        %mul3A_188 = arith.muli %add3A_178, %mul3A_187 : i32
        %multiple_of3A_189 = tpu.assume_multiple %mul3A_188, 8 : i32
        %dma_start3A_190 = tpu.memref_slice %arg7[%multiple_of3A_189] : memref<10000xi32, #tpu.memory_space<vmem>> -> memref<80xi32, #tpu.memory_space<vmem>>
        %dma_start3A_191 = arith.constant 0 : i32
        %dma_start3A_192 = arith.constant 0 : i32
        %dma_start3A_193 = tpu.memref_slice %arg2[%dma_start3A_191, %dma_start3A_192] : memref<10000x128xf32, #tpu.memory_space<hbm>> -> memref<10000x128xf32, #tpu.memory_space<hbm>>
        tpu.enqueue_indirect_dma source(%dma_start3A_193 : memref<10000x128xf32, #tpu.memory_space<hbm>>) target(%arg12 : memref<80x128xf32, #tpu.memory_space<vmem>>) offsets(%dma_start3A_190 : memref<80xi32, #tpu.memory_space<vmem>>) semaphore(%arg20 : memref<!tpu.dma_semaphore, #tpu.memory_space<semaphore_mem>>)
      } else {
      }
      %dma_wait3A_157 = arith.constant 0 : i32
      %dma_wait3A_158 = tpu.memref_slice %arg4[%dma_wait3A_157] : memref<320000xi32, #tpu.memory_space<hbm>> -> memref<80xi32, #tpu.memory_space<hbm>>
      %dma_wait3A_159 = arith.constant 0 : i32
      %dma_wait3A_160 = tpu.memref_slice %arg4[%dma_wait3A_159] : memref<320000xi32, #tpu.memory_space<hbm>> -> memref<80xi32, #tpu.memory_space<hbm>>
      tpu.wait_dma2 semaphore(%arg18 : memref<!tpu.dma_semaphore, #tpu.memory_space<semaphore_mem>>) src(%dma_wait3A_160 : memref<80xi32, #tpu.memory_space<hbm>>) dst(%arg10 : memref<80xi32, #tpu.memory_space<vmem>>)
      %dma_wait3A_161 = arith.constant 0 : i32
      %dma_wait3A_162 = tpu.memref_slice %arg7[%dma_wait3A_161] : memref<10000xi32, #tpu.memory_space<vmem>> -> memref<80xi32, #tpu.memory_space<vmem>>
      %dma_wait3A_163 = arith.constant 0 : i32
      %dma_wait3A_164 = arith.constant 0 : i32
      %dma_wait3A_165 = tpu.memref_slice %arg2[%dma_wait3A_163, %dma_wait3A_164] : memref<10000x128xf32, #tpu.memory_space<hbm>> -> memref<10000x128xf32, #tpu.memory_space<hbm>>
      tpu.wait_indirect_dma semaphore(%arg21 : memref<!tpu.dma_semaphore, #tpu.memory_space<semaphore_mem>>) src(%dma_wait3A_165 : memref<10000x128xf32, #tpu.memory_space<hbm>>) dst(%arg13 : memref<80x128xf32, #tpu.memory_space<vmem>>)
      "tpu.region"() ({
        %run_scoped3A = tpu.sem_alloc : memref<!tpu.dma_semaphore, #tpu.memory_space<semaphore_mem>>
        %dma_start3A_175 = arith.constant 0 : i32
        %dma_start3A_176 = arith.constant 0 : i32
        %dma_start3A_177 = tpu.memref_slice %arg15[%dma_start3A_175, %dma_start3A_176] : memref<10240x128xf32, #tpu.memory_space<vmem_shared>> -> memref<10240x128xf32, #tpu.memory_space<vmem_shared>>
        tpu.enqueue_indirect_dma source(%arg13 : memref<80x128xf32, #tpu.memory_space<vmem>>) target(%dma_start3A_177 : memref<10240x128xf32, #tpu.memory_space<vmem_shared>>) offsets(%arg10 : memref<80xi32, #tpu.memory_space<vmem>>) semaphore(%run_scoped3A : memref<!tpu.dma_semaphore, #tpu.memory_space<semaphore_mem>>) {add = true}
        %dma_wait3A_178 = arith.constant 0 : i32
        %dma_wait3A_179 = arith.constant 0 : i32
        %dma_wait3A_180 = tpu.memref_slice %arg15[%dma_wait3A_178, %dma_wait3A_179] : memref<10240x128xf32, #tpu.memory_space<vmem_shared>> -> memref<10240x128xf32, #tpu.memory_space<vmem_shared>>
        tpu.wait_indirect_dma semaphore(%run_scoped3A : memref<!tpu.dma_semaphore, #tpu.memory_space<semaphore_mem>>) src(%arg13 : memref<80x128xf32, #tpu.memory_space<vmem>>) dst(%dma_wait3A_180 : memref<10240x128xf32, #tpu.memory_space<vmem_shared>>)
        tpu.yield
      }) : () -> ()
      %add3A_166 = arith.constant 2 : i32
      %add3A_167 = arith.addi %mul3A_121, %add3A_166 : i32
      %add3A_168 = arith.constant 3 : i32
      %add3A_169 = arith.addi %add3A_167, %add3A_168 : i32
      %lt3A_170 = arith.constant 125 : i32
      %lt3A_171 = arith.cmpi slt, %add3A_169, %lt3A_170 : i32
      %convert_element_type3A_172 = arith.extui %lt3A_171 : i1 to i32
      %cond3A_173 = arith.constant 0 : i32
      %cond3A_174 = arith.cmpi ne, %convert_element_type3A_172, %cond3A_173 : i32
      scf.if %cond3A_174 {
        %add3A_175 = arith.constant 2 : i32
        %add3A_176 = arith.addi %mul3A_121, %add3A_175 : i32
        %add3A_177 = arith.constant 3 : i32
        %add3A_178 = arith.addi %add3A_176, %add3A_177 : i32
        %mul3A_179 = arith.constant 10000 : i32
        %mul3A_180 = arith.muli %add3A, %mul3A_179 : i32
        %mul3A_181 = arith.constant 80 : i32
        %mul3A_182 = arith.muli %add3A_178, %mul3A_181 : i32
        %add3A_183 = arith.addi %mul3A_180, %mul3A_182 : i32
        %multiple_of3A_184 = tpu.assume_multiple %add3A_183, 8 : i32
        %dma_start3A_185 = tpu.memref_slice %arg4[%multiple_of3A_184] : memref<320000xi32, #tpu.memory_space<hbm>> -> memref<80xi32, #tpu.memory_space<hbm>>
        %dma_start3A_186 = tpu.memref_slice %arg4[%multiple_of3A_184] : memref<320000xi32, #tpu.memory_space<hbm>> -> memref<80xi32, #tpu.memory_space<hbm>>
        tpu.enqueue_dma source(%dma_start3A_186 : memref<80xi32, #tpu.memory_space<hbm>>) target(%arg10 : memref<80xi32, #tpu.memory_space<vmem>>) target_semaphore(%arg18 : memref<!tpu.dma_semaphore, #tpu.memory_space<semaphore_mem>>)
        %mul3A_187 = arith.constant 80 : i32
        %mul3A_188 = arith.muli %add3A_178, %mul3A_187 : i32
        %multiple_of3A_189 = tpu.assume_multiple %mul3A_188, 8 : i32
        %dma_start3A_190 = tpu.memref_slice %arg7[%multiple_of3A_189] : memref<10000xi32, #tpu.memory_space<vmem>> -> memref<80xi32, #tpu.memory_space<vmem>>
        %dma_start3A_191 = arith.constant 0 : i32
        %dma_start3A_192 = arith.constant 0 : i32
        %dma_start3A_193 = tpu.memref_slice %arg2[%dma_start3A_191, %dma_start3A_192] : memref<10000x128xf32, #tpu.memory_space<hbm>> -> memref<10000x128xf32, #tpu.memory_space<hbm>>
        tpu.enqueue_indirect_dma source(%dma_start3A_193 : memref<10000x128xf32, #tpu.memory_space<hbm>>) target(%arg13 : memref<80x128xf32, #tpu.memory_space<vmem>>) offsets(%dma_start3A_190 : memref<80xi32, #tpu.memory_space<vmem>>) semaphore(%arg21 : memref<!tpu.dma_semaphore, #tpu.memory_space<semaphore_mem>>)
      } else {
      }
    }
    %scan3A_93 = arith.constant 41 : i32
    %dma_wait3A = arith.constant 0 : i32
    %dma_wait3A_94 = tpu.memref_slice %arg4[%dma_wait3A] : memref<320000xi32, #tpu.memory_space<hbm>> -> memref<80xi32, #tpu.memory_space<hbm>>
    %dma_wait3A_95 = arith.constant 0 : i32
    %dma_wait3A_96 = tpu.memref_slice %arg4[%dma_wait3A_95] : memref<320000xi32, #tpu.memory_space<hbm>> -> memref<80xi32, #tpu.memory_space<hbm>>
    tpu.wait_dma2 semaphore(%arg16 : memref<!tpu.dma_semaphore, #tpu.memory_space<semaphore_mem>>) src(%dma_wait3A_96 : memref<80xi32, #tpu.memory_space<hbm>>) dst(%arg8 : memref<80xi32, #tpu.memory_space<vmem>>)
    %dma_wait3A_97 = arith.constant 0 : i32
    %dma_wait3A_98 = tpu.memref_slice %arg7[%dma_wait3A_97] : memref<10000xi32, #tpu.memory_space<vmem>> -> memref<80xi32, #tpu.memory_space<vmem>>
    %dma_wait3A_99 = arith.constant 0 : i32
    %dma_wait3A_100 = arith.constant 0 : i32
    %dma_wait3A_101 = tpu.memref_slice %arg2[%dma_wait3A_99, %dma_wait3A_100] : memref<10000x128xf32, #tpu.memory_space<hbm>> -> memref<10000x128xf32, #tpu.memory_space<hbm>>
    tpu.wait_indirect_dma semaphore(%arg19 : memref<!tpu.dma_semaphore, #tpu.memory_space<semaphore_mem>>) src(%dma_wait3A_101 : memref<10000x128xf32, #tpu.memory_space<hbm>>) dst(%arg11 : memref<80x128xf32, #tpu.memory_space<vmem>>)
    "tpu.region"() ({
      %run_scoped3A = tpu.sem_alloc : memref<!tpu.dma_semaphore, #tpu.memory_space<semaphore_mem>>
      %dma_start3A_119 = arith.constant 0 : i32
      %dma_start3A_120 = arith.constant 0 : i32
      %dma_start3A_121 = tpu.memref_slice %arg15[%dma_start3A_119, %dma_start3A_120] : memref<10240x128xf32, #tpu.memory_space<vmem_shared>> -> memref<10240x128xf32, #tpu.memory_space<vmem_shared>>
      tpu.enqueue_indirect_dma source(%arg11 : memref<80x128xf32, #tpu.memory_space<vmem>>) target(%dma_start3A_121 : memref<10240x128xf32, #tpu.memory_space<vmem_shared>>) offsets(%arg8 : memref<80xi32, #tpu.memory_space<vmem>>) semaphore(%run_scoped3A : memref<!tpu.dma_semaphore, #tpu.memory_space<semaphore_mem>>) {add = true}
      %dma_wait3A_122 = arith.constant 0 : i32
      %dma_wait3A_123 = arith.constant 0 : i32
      %dma_wait3A_124 = tpu.memref_slice %arg15[%dma_wait3A_122, %dma_wait3A_123] : memref<10240x128xf32, #tpu.memory_space<vmem_shared>> -> memref<10240x128xf32, #tpu.memory_space<vmem_shared>>
      tpu.wait_indirect_dma semaphore(%run_scoped3A : memref<!tpu.dma_semaphore, #tpu.memory_space<semaphore_mem>>) src(%arg11 : memref<80x128xf32, #tpu.memory_space<vmem>>) dst(%dma_wait3A_124 : memref<10240x128xf32, #tpu.memory_space<vmem_shared>>)
      tpu.yield
    }) : () -> ()
    %dma_wait3A_102 = arith.constant 0 : i32
    %dma_wait3A_103 = tpu.memref_slice %arg4[%dma_wait3A_102] : memref<320000xi32, #tpu.memory_space<hbm>> -> memref<80xi32, #tpu.memory_space<hbm>>
    %dma_wait3A_104 = arith.constant 0 : i32
    %dma_wait3A_105 = tpu.memref_slice %arg4[%dma_wait3A_104] : memref<320000xi32, #tpu.memory_space<hbm>> -> memref<80xi32, #tpu.memory_space<hbm>>
    tpu.wait_dma2 semaphore(%arg17 : memref<!tpu.dma_semaphore, #tpu.memory_space<semaphore_mem>>) src(%dma_wait3A_105 : memref<80xi32, #tpu.memory_space<hbm>>) dst(%arg9 : memref<80xi32, #tpu.memory_space<vmem>>)
    %dma_wait3A_106 = arith.constant 0 : i32
    %dma_wait3A_107 = tpu.memref_slice %arg7[%dma_wait3A_106] : memref<10000xi32, #tpu.memory_space<vmem>> -> memref<80xi32, #tpu.memory_space<vmem>>
    %dma_wait3A_108 = arith.constant 0 : i32
    %dma_wait3A_109 = arith.constant 0 : i32
    %dma_wait3A_110 = tpu.memref_slice %arg2[%dma_wait3A_108, %dma_wait3A_109] : memref<10000x128xf32, #tpu.memory_space<hbm>> -> memref<10000x128xf32, #tpu.memory_space<hbm>>
    tpu.wait_indirect_dma semaphore(%arg20 : memref<!tpu.dma_semaphore, #tpu.memory_space<semaphore_mem>>) src(%dma_wait3A_110 : memref<10000x128xf32, #tpu.memory_space<hbm>>) dst(%arg12 : memref<80x128xf32, #tpu.memory_space<vmem>>)
    "tpu.region"() ({
      %run_scoped3A = tpu.sem_alloc : memref<!tpu.dma_semaphore, #tpu.memory_space<semaphore_mem>>
      %dma_start3A_119 = arith.constant 0 : i32
      %dma_start3A_120 = arith.constant 0 : i32
      %dma_start3A_121 = tpu.memref_slice %arg15[%dma_start3A_119, %dma_start3A_120] : memref<10240x128xf32, #tpu.memory_space<vmem_shared>> -> memref<10240x128xf32, #tpu.memory_space<vmem_shared>>
      tpu.enqueue_indirect_dma source(%arg12 : memref<80x128xf32, #tpu.memory_space<vmem>>) target(%dma_start3A_121 : memref<10240x128xf32, #tpu.memory_space<vmem_shared>>) offsets(%arg9 : memref<80xi32, #tpu.memory_space<vmem>>) semaphore(%run_scoped3A : memref<!tpu.dma_semaphore, #tpu.memory_space<semaphore_mem>>) {add = true}
      %dma_wait3A_122 = arith.constant 0 : i32
      %dma_wait3A_123 = arith.constant 0 : i32
      %dma_wait3A_124 = tpu.memref_slice %arg15[%dma_wait3A_122, %dma_wait3A_123] : memref<10240x128xf32, #tpu.memory_space<vmem_shared>> -> memref<10240x128xf32, #tpu.memory_space<vmem_shared>>
      tpu.wait_indirect_dma semaphore(%run_scoped3A : memref<!tpu.dma_semaphore, #tpu.memory_space<semaphore_mem>>) src(%arg12 : memref<80x128xf32, #tpu.memory_space<vmem>>) dst(%dma_wait3A_124 : memref<10240x128xf32, #tpu.memory_space<vmem_shared>>)
      tpu.yield
    }) : () -> ()
    %barrier3A_111 = arith.constant 0 : index
    tpu.barrier barrier_id(%barrier3A_111)
    %eq3A = arith.constant 0 : i32
    %eq3A_112 = arith.cmpi eq, %arg0, %eq3A : i32
    %convert_element_type3A = arith.extui %eq3A_112 : i1 to i32
    %cond3A = arith.constant 0 : i32
    %cond3A_113 = arith.cmpi ne, %convert_element_type3A, %cond3A : i32
    scf.if %cond3A_113 {
      "tpu.region"() ({
        %run_scoped3A = tpu.sem_alloc : memref<!tpu.dma_semaphore, #tpu.memory_space<semaphore_mem>>
        %dma_start3A_119 = arith.constant 0 : i32
        %dma_start3A_120 = tpu.memref_slice %arg5[%mul3A_2, %dma_start3A_119] : memref<10240x128xf32, #tpu.memory_space<hbm>> -> memref<640x128xf32, #tpu.memory_space<hbm>>
        %dma_start3A_121 = arith.constant 0 : i32
        %dma_start3A_122 = tpu.memref_slice %arg15[%mul3A_2, %dma_start3A_121] : memref<10240x128xf32, #tpu.memory_space<vmem_shared>> -> memref<640x128xf32, #tpu.memory_space<vmem_shared>>
        tpu.enqueue_dma source(%dma_start3A_122 : memref<640x128xf32, #tpu.memory_space<vmem_shared>>) target(%dma_start3A_120 : memref<640x128xf32, #tpu.memory_space<hbm>>) target_semaphore(%run_scoped3A : memref<!tpu.dma_semaphore, #tpu.memory_space<semaphore_mem>>)
        %dma_wait3A_123 = arith.constant 0 : i32
        %dma_wait3A_124 = tpu.memref_slice %arg5[%mul3A_2, %dma_wait3A_123] : memref<10240x128xf32, #tpu.memory_space<hbm>> -> memref<640x128xf32, #tpu.memory_space<hbm>>
        %dma_wait3A_125 = arith.constant 0 : i32
        %dma_wait3A_126 = tpu.memref_slice %arg15[%mul3A_2, %dma_wait3A_125] : memref<10240x128xf32, #tpu.memory_space<vmem_shared>> -> memref<640x128xf32, #tpu.memory_space<vmem_shared>>
        tpu.wait_dma2 semaphore(%run_scoped3A : memref<!tpu.dma_semaphore, #tpu.memory_space<semaphore_mem>>) src(%dma_wait3A_126 : memref<640x128xf32, #tpu.memory_space<vmem_shared>>) dst(%dma_wait3A_124 : memref<640x128xf32, #tpu.memory_space<hbm>>)
        tpu.yield
      }) : () -> ()
    } else {
    }
    %eq3A_114 = arith.constant 1 : i32
    %eq3A_115 = arith.cmpi eq, %arg0, %eq3A_114 : i32
    %convert_element_type3A_116 = arith.extui %eq3A_115 : i1 to i32
    %cond3A_117 = arith.constant 0 : i32
    %cond3A_118 = arith.cmpi ne, %convert_element_type3A_116, %cond3A_117 : i32
    scf.if %cond3A_118 {
      "tpu.region"() ({
        %run_scoped3A = tpu.sem_alloc : memref<!tpu.dma_semaphore, #tpu.memory_space<semaphore_mem>>
        %dma_start3A_119 = arith.constant 0 : i32
        %dma_start3A_120 = tpu.memref_slice %arg6[%mul3A_2, %dma_start3A_119] : memref<10240x128xf32, #tpu.memory_space<hbm>> -> memref<640x128xf32, #tpu.memory_space<hbm>>
        %dma_start3A_121 = arith.constant 0 : i32
        %dma_start3A_122 = tpu.memref_slice %arg15[%mul3A_2, %dma_start3A_121] : memref<10240x128xf32, #tpu.memory_space<vmem_shared>> -> memref<640x128xf32, #tpu.memory_space<vmem_shared>>
        tpu.enqueue_dma source(%dma_start3A_122 : memref<640x128xf32, #tpu.memory_space<vmem_shared>>) target(%dma_start3A_120 : memref<640x128xf32, #tpu.memory_space<hbm>>) target_semaphore(%run_scoped3A : memref<!tpu.dma_semaphore, #tpu.memory_space<semaphore_mem>>)
        %dma_wait3A_123 = arith.constant 0 : i32
        %dma_wait3A_124 = tpu.memref_slice %arg6[%mul3A_2, %dma_wait3A_123] : memref<10240x128xf32, #tpu.memory_space<hbm>> -> memref<640x128xf32, #tpu.memory_space<hbm>>
        %dma_wait3A_125 = arith.constant 0 : i32
        %dma_wait3A_126 = tpu.memref_slice %arg15[%mul3A_2, %dma_wait3A_125] : memref<10240x128xf32, #tpu.memory_space<vmem_shared>> -> memref<640x128xf32, #tpu.memory_space<vmem_shared>>
        tpu.wait_dma2 semaphore(%run_scoped3A : memref<!tpu.dma_semaphore, #tpu.memory_space<semaphore_mem>>) src(%dma_wait3A_126 : memref<640x128xf32, #tpu.memory_space<vmem_shared>>) dst(%dma_wait3A_124 : memref<640x128xf32, #tpu.memory_space<hbm>>)
        tpu.yield
      }) : () -> ()
    } else {
    }
    return
  }
}

module attributes {stable_mosaic.version = 14 : i64} {
  func.func @_enc_body(%arg0: memref<10000x128xf32, #tpu.memory_space<vmem>>, %arg1: memref<128x128xf32, #tpu.memory_space<vmem>>, %arg2: memref<1x128xf32, #tpu.memory_space<vmem>>, %arg3: memref<2x320000xi32, #tpu.memory_space<vmem>>, %arg4: memref<10000x128xf32, #tpu.memory_space<vmem>>, %arg5: memref<320000xi32, #tpu.memory_space<vmem>>, %arg6: memref<320000xi32, #tpu.memory_space<vmem>>) attributes {dimension_semantics = [], scalar_prefetch = 0 : i64, scratch_operands = 0 : i64, tpu.core_type = #tpu.core_type<tc>} {
    %get3A = arith.constant 0 : index
    %get3A_0 = arith.constant 0 : index
    %get3A_1 = vector.load %arg0[%get3A, %get3A_0] : memref<10000x128xf32, #tpu.memory_space<vmem>>, vector<10000x128xf32>
    %get3A_2 = arith.constant 0 : index
    %get3A_3 = arith.constant 0 : index
    %get3A_4 = vector.load %arg1[%get3A_2, %get3A_3] : memref<128x128xf32, #tpu.memory_space<vmem>>, vector<128x128xf32>
    %dot_general3A = arith.constant dense<0.000000e+00> : vector<10000x128xf32>
    %dot_general3A_5 = tpu.matmul %get3A_1, %get3A_4, %dot_general3A {dimension_numbers = #tpu.dot_dimension_numbers<[1], [0], [0], [1], [0, 0, 1, 1], [], []>, transpose_lhs_hint = false} : vector<10000x128xf32>, vector<128x128xf32>, vector<10000x128xf32> -> vector<10000x128xf32>
    %get3A_6 = arith.constant 0 : index
    %get3A_7 = arith.constant 0 : index
    %get3A_8 = vector.load %arg2[%get3A_6, %get3A_7] : memref<1x128xf32, #tpu.memory_space<vmem>>, vector<1x128xf32>
    %add3A = vector.broadcast %get3A_8 : vector<1x128xf32> to vector<10000x128xf32>
    %add3A_9 = arith.addf %dot_general3A_5, %add3A : vector<10000x128xf32>
    %max3A = arith.constant 0.000000e+00 : f32
    %max3A_10 = vector.broadcast %max3A : f32 to vector<10000x128xf32>
    %max3A_11 = arith.maximumf %add3A_9, %max3A_10 : vector<10000x128xf32>
    %swap3A = arith.constant 0 : index
    %swap3A_12 = arith.constant 0 : index
    %swap3A_13 = vector.load %arg4[%swap3A, %swap3A_12] : memref<10000x128xf32, #tpu.memory_space<vmem>>, vector<10000x128xf32>
    tpu.vector_store %arg4[%swap3A, %swap3A_12], %max3A_11 {strides = array<i32>} : memref<10000x128xf32, #tpu.memory_space<vmem>>, vector<10000x128xf32>,
    %get3A_14 = arith.constant 0 : index
    %get3A_15 = arith.constant 0 : index
    %get3A_16 = vector.load %arg3[%get3A_14, %get3A_15] : memref<2x320000xi32, #tpu.memory_space<vmem>>, vector<1x320000xi32>
    %get3A_17 = vector.shape_cast %get3A_16 : vector<1x320000xi32> to vector<320000xi32>
    %swap3A_18 = arith.constant 0 : index
    %swap3A_19 = vector.load %arg5[%swap3A_18] : memref<320000xi32, #tpu.memory_space<vmem>>, vector<320000xi32>
    tpu.vector_store %arg5[%swap3A_18], %get3A_17 {strides = array<i32>} : memref<320000xi32, #tpu.memory_space<vmem>>, vector<320000xi32>,
    %get3A_20 = arith.constant 1 : index
    %get3A_21 = arith.constant 0 : index
    %get3A_22 = vector.load %arg3[%get3A_20, %get3A_21] : memref<2x320000xi32, #tpu.memory_space<vmem>>, vector<1x320000xi32>
    %get3A_23 = vector.shape_cast %get3A_22 : vector<1x320000xi32> to vector<320000xi32>
    %swap3A_24 = arith.constant 0 : index
    %swap3A_25 = vector.load %arg6[%swap3A_24] : memref<320000xi32, #tpu.memory_space<vmem>>, vector<320000xi32>
    tpu.vector_store %arg6[%swap3A_24], %get3A_23 {strides = array<i32>} : memref<320000xi32, #tpu.memory_space<vmem>>, vector<320000xi32>,
    return
  }
}

module attributes {stable_mosaic.version = 14 : i64} {
  func.func @_layer_body(%arg0: i32, %arg1: memref<2000x128xf32, #tpu.memory_space<vmem>>, %arg2: memref<2000x128xf32, #tpu.memory_space<vmem>>, %arg3: memref<2000x1xf32, #tpu.memory_space<vmem>>, %arg4: memref<2000x1xf32, #tpu.memory_space<vmem>>, %arg5: memref<2x128x64xf32, #tpu.memory_space<vmem>>, %arg6: memref<1x128xf32, #tpu.memory_space<vmem>>, %arg7: memref<2000x128xf32, #tpu.memory_space<vmem>>) attributes {dimension_semantics = [#tpu.dimension_semantics<arbitrary>], iteration_bounds = array<i64: 5>, scalar_prefetch = 0 : i64, scratch_operands = 0 : i64, tpu.core_type = #tpu.core_type<tc>, window_params = [{transform_indices = @transform_0, window_bounds = array<i64: 2000, 128>}, {transform_indices = @transform_1, window_bounds = array<i64: 2000, 128>}, {transform_indices = @transform_2, window_bounds = array<i64: 2000, 1>}, {transform_indices = @transform_3, window_bounds = array<i64: 2000, 1>}, {pipeline_mode = #tpu.pipeline_mode<synchronous>, transform_indices = @transform_4, window_bounds = array<i64: 2, 128, 64>}, {pipeline_mode = #tpu.pipeline_mode<synchronous>, transform_indices = @transform_5, window_bounds = array<i64: 1, 128>}, {transform_indices = @transform_6, window_bounds = array<i64: 2000, 128>}]} {
    %get3A = arith.constant 0 : index
    %get3A_0 = arith.constant 0 : index
    %get3A_1 = vector.load %arg3[%get3A, %get3A_0] : memref<2000x1xf32, #tpu.memory_space<vmem>>, vector<2000x1xf32>
    %get3A_2 = arith.constant 0 : index
    %get3A_3 = arith.constant 0 : index
    %get3A_4 = vector.load %arg4[%get3A_2, %get3A_3] : memref<2000x1xf32, #tpu.memory_space<vmem>>, vector<2000x1xf32>
    %add3A = arith.addf %get3A_1, %get3A_4 : vector<2000x1xf32>
    %max3A = arith.constant 1.000000e+00 : f32
    %max3A_5 = vector.broadcast %max3A : f32 to vector<2000x1xf32>
    %max3A_6 = arith.maximumf %add3A, %max3A_5 : vector<2000x1xf32>
    %div3A = arith.constant 1.000000e+00 : f32
    %div3A_7 = vector.broadcast %div3A : f32 to vector<2000x1xf32>
    %div3A_8 = arith.divf %div3A_7, %max3A_6 : vector<2000x1xf32>
    %get3A_9 = arith.constant 0 : index
    %get3A_10 = arith.constant 0 : index
    %get3A_11 = vector.load %arg1[%get3A_9, %get3A_10] : memref<2000x128xf32, #tpu.memory_space<vmem>>, vector<2000x128xf32>
    %get3A_12 = arith.constant 0 : index
    %get3A_13 = arith.constant 0 : index
    %get3A_14 = vector.load %arg2[%get3A_12, %get3A_13] : memref<2000x128xf32, #tpu.memory_space<vmem>>, vector<2000x128xf32>
    %add3A_15 = arith.addf %get3A_11, %get3A_14 : vector<2000x128xf32>
    %mul3A = vector.broadcast %div3A_8 : vector<2000x1xf32> to vector<2000x128xf32>
    %mul3A_16 = arith.mulf %add3A_15, %mul3A : vector<2000x128xf32>
    %get3A_17 = arith.constant 0 : index
    %get3A_18 = arith.constant 0 : index
    %get3A_19 = arith.constant 0 : index
    %get3A_20 = vector.load %arg5[%get3A_17, %get3A_18, %get3A_19] : memref<2x128x64xf32, #tpu.memory_space<vmem>>, vector<1x128x64xf32>
    %get3A_21 = vector.shape_cast %get3A_20 : vector<1x128x64xf32> to vector<128x64xf32>
    %dot_general3A = arith.constant dense<0.000000e+00> : vector<2000x64xf32>
    %dot_general3A_22 = tpu.matmul %mul3A_16, %get3A_21, %dot_general3A {dimension_numbers = #tpu.dot_dimension_numbers<[1], [0], [0], [1], [0, 0, 1, 1], [], []>, transpose_lhs_hint = false} : vector<2000x128xf32>, vector<128x64xf32>, vector<2000x64xf32> -> vector<2000x64xf32>
    %get3A_23 = arith.constant 1 : index
    %get3A_24 = arith.constant 0 : index
    %get3A_25 = arith.constant 0 : index
    %get3A_26 = vector.load %arg5[%get3A_23, %get3A_24, %get3A_25] : memref<2x128x64xf32, #tpu.memory_space<vmem>>, vector<1x128x64xf32>
    %get3A_27 = vector.shape_cast %get3A_26 : vector<1x128x64xf32> to vector<128x64xf32>
    %dot_general3A_28 = arith.constant dense<0.000000e+00> : vector<2000x64xf32>
    %dot_general3A_29 = tpu.matmul %mul3A_16, %get3A_27, %dot_general3A_28 {dimension_numbers = #tpu.dot_dimension_numbers<[1], [0], [0], [1], [0, 0, 1, 1], [], []>, transpose_lhs_hint = false} : vector<2000x128xf32>, vector<128x64xf32>, vector<2000x64xf32> -> vector<2000x64xf32>
    %concatenate3A = tpu.concatenate %dot_general3A_22, %dot_general3A_29 in 1 : vector<2000x64xf32>, vector<2000x64xf32> -> vector<2000x128xf32>
    %get3A_30 = arith.constant 0 : index
    %get3A_31 = arith.constant 0 : index
    %get3A_32 = vector.load %arg6[%get3A_30, %get3A_31] : memref<1x128xf32, #tpu.memory_space<vmem>>, vector<1x128xf32>
    %add3A_33 = vector.broadcast %get3A_32 : vector<1x128xf32> to vector<2000x128xf32>
    %add3A_34 = arith.addf %concatenate3A, %add3A_33 : vector<2000x128xf32>
    %max3A_35 = arith.constant 0.000000e+00 : f32
    %max3A_36 = vector.broadcast %max3A_35 : f32 to vector<2000x128xf32>
    %max3A_37 = arith.maximumf %add3A_34, %max3A_36 : vector<2000x128xf32>
    %swap3A = arith.constant 0 : index
    %swap3A_38 = arith.constant 0 : index
    %swap3A_39 = vector.load %arg7[%swap3A, %swap3A_38] : memref<2000x128xf32, #tpu.memory_space<vmem>>, vector<2000x128xf32>
    tpu.vector_store %arg7[%swap3A, %swap3A_38], %max3A_37 {strides = array<i32>} : memref<2000x128xf32, #tpu.memory_space<vmem>>, vector<2000x128xf32>,
    return
  }
  func.func @transform_0(%arg0: i32) -> (i32, i32) {
    %c0_i32 = arith.constant 0 : i32
    %c0_i32_0 = arith.constant 0 : i32
    return %arg0, %c0_i32 : i32, i32
  }
  func.func @transform_1(%arg0: i32) -> (i32, i32) {
    %c0_i32 = arith.constant 0 : i32
    %c0_i32_0 = arith.constant 0 : i32
    return %arg0, %c0_i32 : i32, i32
  }
  func.func @transform_2(%arg0: i32) -> (i32, i32) {
    %c0_i32 = arith.constant 0 : i32
    %c0_i32_0 = arith.constant 0 : i32
    return %arg0, %c0_i32 : i32, i32
  }
  func.func @transform_3(%arg0: i32) -> (i32, i32) {
    %c0_i32 = arith.constant 0 : i32
    %c0_i32_0 = arith.constant 0 : i32
    return %arg0, %c0_i32 : i32, i32
  }
  func.func @transform_4(%arg0: i32) -> (i32, i32, i32) {
    %c0_i32 = arith.constant 0 : i32
    %c0_i32_0 = arith.constant 0 : i32
    %c0_i32_1 = arith.constant 0 : i32
    %c0_i32_2 = arith.constant 0 : i32
    return %c0_i32, %c0_i32_0, %c0_i32_1 : i32, i32, i32
  }
  func.func @transform_5(%arg0: i32) -> (i32, i32) {
    %c0_i32 = arith.constant 0 : i32
    %c0_i32_0 = arith.constant 0 : i32
    %c0_i32_1 = arith.constant 0 : i32
    return %c0_i32, %c0_i32_0 : i32, i32
  }
  func.func @transform_6(%arg0: i32) -> (i32, i32) {
    %c0_i32 = arith.constant 0 : i32
    %c0_i32_0 = arith.constant 0 : i32
    return %arg0, %c0_i32 : i32, i32
  }
}

module attributes {stable_mosaic.version = 14 : i64} {
  func.func @_final_body(%arg0: i32, %arg1: memref<2000x128xf32, #tpu.memory_space<vmem>>, %arg2: memref<2000x128xf32, #tpu.memory_space<vmem>>, %arg3: memref<2000x1xf32, #tpu.memory_space<vmem>>, %arg4: memref<2000x1xf32, #tpu.memory_space<vmem>>, %arg5: memref<2x128x64xf32, #tpu.memory_space<vmem>>, %arg6: memref<1x128xf32, #tpu.memory_space<vmem>>, %arg7: memref<128x128xf32, #tpu.memory_space<vmem>>, %arg8: memref<1x128xf32, #tpu.memory_space<vmem>>, %arg9: memref<2000x128xf32, #tpu.memory_space<vmem>>, %arg10: memref<2000x128xf32, #tpu.memory_space<vmem>>) attributes {dimension_semantics = [#tpu.dimension_semantics<arbitrary>], iteration_bounds = array<i64: 5>, scalar_prefetch = 0 : i64, scratch_operands = 0 : i64, tpu.core_type = #tpu.core_type<tc>, window_params = [{transform_indices = @transform_0, window_bounds = array<i64: 2000, 128>}, {transform_indices = @transform_1, window_bounds = array<i64: 2000, 128>}, {transform_indices = @transform_2, window_bounds = array<i64: 2000, 1>}, {transform_indices = @transform_3, window_bounds = array<i64: 2000, 1>}, {pipeline_mode = #tpu.pipeline_mode<synchronous>, transform_indices = @transform_4, window_bounds = array<i64: 2, 128, 64>}, {pipeline_mode = #tpu.pipeline_mode<synchronous>, transform_indices = @transform_5, window_bounds = array<i64: 1, 128>}, {pipeline_mode = #tpu.pipeline_mode<synchronous>, transform_indices = @transform_6, window_bounds = array<i64: 128, 128>}, {pipeline_mode = #tpu.pipeline_mode<synchronous>, transform_indices = @transform_7, window_bounds = array<i64: 1, 128>}, {transform_indices = @transform_8, window_bounds = array<i64: 2000, 128>}, {transform_indices = @transform_9, window_bounds = array<i64: 2000, 128>}]} {
    %get3A = arith.constant 0 : index
    %get3A_0 = arith.constant 0 : index
    %get3A_1 = vector.load %arg3[%get3A, %get3A_0] : memref<2000x1xf32, #tpu.memory_space<vmem>>, vector<2000x1xf32>
    %get3A_2 = arith.constant 0 : index
    %get3A_3 = arith.constant 0 : index
    %get3A_4 = vector.load %arg4[%get3A_2, %get3A_3] : memref<2000x1xf32, #tpu.memory_space<vmem>>, vector<2000x1xf32>
    %add3A = arith.addf %get3A_1, %get3A_4 : vector<2000x1xf32>
    %max3A = arith.constant 1.000000e+00 : f32
    %max3A_5 = vector.broadcast %max3A : f32 to vector<2000x1xf32>
    %max3A_6 = arith.maximumf %add3A, %max3A_5 : vector<2000x1xf32>
    %div3A = arith.constant 1.000000e+00 : f32
    %div3A_7 = vector.broadcast %div3A : f32 to vector<2000x1xf32>
    %div3A_8 = arith.divf %div3A_7, %max3A_6 : vector<2000x1xf32>
    %get3A_9 = arith.constant 0 : index
    %get3A_10 = arith.constant 0 : index
    %get3A_11 = vector.load %arg1[%get3A_9, %get3A_10] : memref<2000x128xf32, #tpu.memory_space<vmem>>, vector<2000x128xf32>
    %get3A_12 = arith.constant 0 : index
    %get3A_13 = arith.constant 0 : index
    %get3A_14 = vector.load %arg2[%get3A_12, %get3A_13] : memref<2000x128xf32, #tpu.memory_space<vmem>>, vector<2000x128xf32>
    %add3A_15 = arith.addf %get3A_11, %get3A_14 : vector<2000x128xf32>
    %mul3A = vector.broadcast %div3A_8 : vector<2000x1xf32> to vector<2000x128xf32>
    %mul3A_16 = arith.mulf %add3A_15, %mul3A : vector<2000x128xf32>
    %get3A_17 = arith.constant 0 : index
    %get3A_18 = arith.constant 0 : index
    %get3A_19 = arith.constant 0 : index
    %get3A_20 = vector.load %arg5[%get3A_17, %get3A_18, %get3A_19] : memref<2x128x64xf32, #tpu.memory_space<vmem>>, vector<1x128x64xf32>
    %get3A_21 = vector.shape_cast %get3A_20 : vector<1x128x64xf32> to vector<128x64xf32>
    %dot_general3A = arith.constant dense<0.000000e+00> : vector<2000x64xf32>
    %dot_general3A_22 = tpu.matmul %mul3A_16, %get3A_21, %dot_general3A {dimension_numbers = #tpu.dot_dimension_numbers<[1], [0], [0], [1], [0, 0, 1, 1], [], []>, transpose_lhs_hint = false} : vector<2000x128xf32>, vector<128x64xf32>, vector<2000x64xf32> -> vector<2000x64xf32>
    %get3A_23 = arith.constant 1 : index
    %get3A_24 = arith.constant 0 : index
    %get3A_25 = arith.constant 0 : index
    %get3A_26 = vector.load %arg5[%get3A_23, %get3A_24, %get3A_25] : memref<2x128x64xf32, #tpu.memory_space<vmem>>, vector<1x128x64xf32>
    %get3A_27 = vector.shape_cast %get3A_26 : vector<1x128x64xf32> to vector<128x64xf32>
    %dot_general3A_28 = arith.constant dense<0.000000e+00> : vector<2000x64xf32>
    %dot_general3A_29 = tpu.matmul %mul3A_16, %get3A_27, %dot_general3A_28 {dimension_numbers = #tpu.dot_dimension_numbers<[1], [0], [0], [1], [0, 0, 1, 1], [], []>, transpose_lhs_hint = false} : vector<2000x128xf32>, vector<128x64xf32>, vector<2000x64xf32> -> vector<2000x64xf32>
    %concatenate3A = tpu.concatenate %dot_general3A_22, %dot_general3A_29 in 1 : vector<2000x64xf32>, vector<2000x64xf32> -> vector<2000x128xf32>
    %get3A_30 = arith.constant 0 : index
    %get3A_31 = arith.constant 0 : index
    %get3A_32 = vector.load %arg6[%get3A_30, %get3A_31] : memref<1x128xf32, #tpu.memory_space<vmem>>, vector<1x128xf32>
    %add3A_33 = vector.broadcast %get3A_32 : vector<1x128xf32> to vector<2000x128xf32>
    %add3A_34 = arith.addf %concatenate3A, %add3A_33 : vector<2000x128xf32>
    %max3A_35 = arith.constant 0.000000e+00 : f32
    %max3A_36 = vector.broadcast %max3A_35 : f32 to vector<2000x128xf32>
    %max3A_37 = arith.maximumf %add3A_34, %max3A_36 : vector<2000x128xf32>
    %swap3A = arith.constant 0 : index
    %swap3A_38 = arith.constant 0 : index
    %swap3A_39 = vector.load %arg10[%swap3A, %swap3A_38] : memref<2000x128xf32, #tpu.memory_space<vmem>>, vector<2000x128xf32>
    tpu.vector_store %arg10[%swap3A, %swap3A_38], %max3A_37 {strides = array<i32>} : memref<2000x128xf32, #tpu.memory_space<vmem>>, vector<2000x128xf32>,
    %get3A_40 = arith.constant 0 : index
    %get3A_41 = arith.constant 0 : index
    %get3A_42 = vector.load %arg7[%get3A_40, %get3A_41] : memref<128x128xf32, #tpu.memory_space<vmem>>, vector<128x128xf32>
    %dot_general3A_43 = arith.constant dense<0.000000e+00> : vector<2000x128xf32>
    %dot_general3A_44 = tpu.matmul %max3A_37, %get3A_42, %dot_general3A_43 {dimension_numbers = #tpu.dot_dimension_numbers<[1], [0], [0], [1], [0, 0, 1, 1], [], []>, transpose_lhs_hint = false} : vector<2000x128xf32>, vector<128x128xf32>, vector<2000x128xf32> -> vector<2000x128xf32>
    %get3A_45 = arith.constant 0 : index
    %get3A_46 = arith.constant 0 : index
    %get3A_47 = vector.load %arg8[%get3A_45, %get3A_46] : memref<1x128xf32, #tpu.memory_space<vmem>>, vector<1x128xf32>
    %add3A_48 = vector.broadcast %get3A_47 : vector<1x128xf32> to vector<2000x128xf32>
    %add3A_49 = arith.addf %dot_general3A_44, %add3A_48 : vector<2000x128xf32>
    %swap3A_50 = arith.constant 0 : index
    %swap3A_51 = arith.constant 0 : index
    %swap3A_52 = vector.load %arg9[%swap3A_50, %swap3A_51] : memref<2000x128xf32, #tpu.memory_space<vmem>>, vector<2000x128xf32>
    tpu.vector_store %arg9[%swap3A_50, %swap3A_51], %add3A_49 {strides = array<i32>} : memref<2000x128xf32, #tpu.memory_space<vmem>>, vector<2000x128xf32>,
    return
  }
  func.func @transform_0(%arg0: i32) -> (i32, i32) {
    %c0_i32 = arith.constant 0 : i32
    %c0_i32_0 = arith.constant 0 : i32
    return %arg0, %c0_i32 : i32, i32
  }
  func.func @transform_1(%arg0: i32) -> (i32, i32) {
    %c0_i32 = arith.constant 0 : i32
    %c0_i32_0 = arith.constant 0 : i32
    return %arg0, %c0_i32 : i32, i32
  }
  func.func @transform_2(%arg0: i32) -> (i32, i32) {
    %c0_i32 = arith.constant 0 : i32
    %c0_i32_0 = arith.constant 0 : i32
    return %arg0, %c0_i32 : i32, i32
  }
  func.func @transform_3(%arg0: i32) -> (i32, i32) {
    %c0_i32 = arith.constant 0 : i32
    %c0_i32_0 = arith.constant 0 : i32
    return %arg0, %c0_i32 : i32, i32
  }
  func.func @transform_4(%arg0: i32) -> (i32, i32, i32) {
    %c0_i32 = arith.constant 0 : i32
    %c0_i32_0 = arith.constant 0 : i32
    %c0_i32_1 = arith.constant 0 : i32
    %c0_i32_2 = arith.constant 0 : i32
    return %c0_i32, %c0_i32_0, %c0_i32_1 : i32, i32, i32
  }
  func.func @transform_5(%arg0: i32) -> (i32, i32) {
    %c0_i32 = arith.constant 0 : i32
    %c0_i32_0 = arith.constant 0 : i32
    %c0_i32_1 = arith.constant 0 : i32
    return %c0_i32, %c0_i32_0 : i32, i32
  }
  func.func @transform_6(%arg0: i32) -> (i32, i32) {
    %c0_i32 = arith.constant 0 : i32
    %c0_i32_0 = arith.constant 0 : i32
    %c0_i32_1 = arith.constant 0 : i32
    return %c0_i32, %c0_i32_0 : i32, i32
  }
  func.func @transform_7(%arg0: i32) -> (i32, i32) {
    %c0_i32 = arith.constant 0 : i32
    %c0_i32_0 = arith.constant 0 : i32
    %c0_i32_1 = arith.constant 0 : i32
    return %c0_i32, %c0_i32_0 : i32, i32
  }
  func.func @transform_8(%arg0: i32) -> (i32, i32) {
    %c0_i32 = arith.constant 0 : i32
    %c0_i32_0 = arith.constant 0 : i32
    return %arg0, %c0_i32 : i32, i32
  }
  func.func @transform_9(%arg0: i32) -> (i32, i32) {
    %c0_i32 = arith.constant 0 : i32
    %c0_i32_0 = arith.constant 0 : i32
    return %arg0, %c0_i32 : i32, i32
  }
}

</mosaic_0001>

<sc_bundles>
// kernel: kernel.10.cloned.1.call-start
scs
__scs_entry_jumppad:
0x0: {  	(pc) =	sbr.rel $0x88, $3  }
0x1: {  	(tag) =	ssettag $0x0;
	lr =	simm.s32 $0x1  }
0x2: {  	[smem:$0x3F99] =	sst lr;
	_ =	strace $0xD0000000  }
0x3: {  	_ = 	snop  }
0x4: {  	_ = 	snop  }
0x5: {  	_ = 	snop  }
0x6: {  	_ = 	snop  }
0x7: {  	_ = 	snop  }
__scs_overlays_trampoline_lowered:
0x8: {  	[smem:$0x3FA8] =	sst s0  }
0x9: {  	[smem:$0x3FA9] =	sst s1  }
0xa: {  	[smem:$0x3FAA] =	sst s2  }
0xb: {  	[smem:$0x3FAB] =	sst s3  }
0xc: {  	[smem:$0x3FAC] =	sst s4  }
0xd: {  	[smem:$0x3FAD] =	sst s5  }
0xe: {  	[smem:$0x3FAE] =	sst s6  }
0xf: {  	[smem:$0x3FAF] =	sst s7  }
0x10: {  	[smem:$0x3FB0] =	sst s8  }
0x11: {  	[smem:$0x3FB1] =	sst s9;
	s0 =	simm.s32 @!p0 $0x0  }
0x12: {  	s1 =	sld [smem:$0x3F97];
	s0 =	simm.s32 @p0 $0x1  }
0x13: {  	[smem:$0x3FB2] =	sst s0;
	s0 =	simm.s32 @!p1 $0x0  }
0x14: {  	s2 =	sld [smem:$0x3F96];
	s0 =	simm.s32 @p1 $0x1  }
0x15: {  	[smem:$0x3FB3] =	sst s0;
	s0 =	simm.s32 @!p2 $0x0  }
0x16: {  	s3 =	sld [smem:$0x3FDB];
	s0 =	simm.s32 @p2 $0x1  }
0x17: {  	s4 =	simm.s32 $0x1BF5;
	[smem:$0x3FB5] =	sst s0  }
0x18: {  	s0 =	sld [smem:$0x3F98];
	_ =	swait.ge [sflag:s4], $0x0  }
0x19: {  	s7 =	sld [smem:$0x3F99]  }
0x1a: {  	s8 =	sadd.s32 $0xFFFFE003, lr  }
0x1b: {  	s9 =	sadd.s32 $0xFFFFFEF7, lr;
	s5 =	simm.s32 $0xFFFFFFFF;
	p2 =	slt.u32 s8, $0xFFFFF086  }
0x1c: {  	p1 =	slt.u32 s9, $0xF7A;
	s5 =	simm.s32 @!p2 $0x0  }
0x1d: {  	s5 =	simm.s32 @p1 $0x1;
	p0 =	seq.s32 s7, s2  }
0x1e: {  	s7 =	smul.u32 @!p0 $0xF7A, s2;
	p2 =	seq.s32 @!p0 s5, $0x0  }
0x1f: {  	s9 =	smul.u32 $0xF7A, s1;
	s8 =	simm.s32 @!p0 $0x1BF5;
	p2 =	por !p2, p0  }
0x20: {  	[sflag:s8] =	ssyncset.s32 @!p0 $0xFFFFF086;
	s6 =	sadd.s32 @!p0 s3, s7;
	s7 =	simm.s32 @!p0 $0x108  }
0x21: {  	s3 =	sadd.s32 s3, s9;
	s6 =	sadd.s32 @!p0 $0x88, s6;
	s7 =	simm.s32 @p2 $0x1082  }
0x22: {  	[simem:s7], [sflag:s8] =	dma.local @!p0 [hbm:s6], $0xF7A  }
0x23: {  	s9 =	sor.u32 $0xD0000000, s2;
	s6 =	simm.s32 $0x108;
	_ =	swait.ge @!p0 [sflag:s8], $0x0  }
0x24: {  	s3 =	sadd.s32 $0x88, s3;
	s6 =	simm.s32 @!p1 $0x1082;
	[sflag:s4] =	ssyncset.s32 $0xFFFFF086  }
0x25: {  	[simem:s6], [sflag:s4] =	dma.local [hbm:s3], $0xF7A  }
0x26: {  	[smem:$0x3F99] =	sst s1;
	(tag) =	ssettag s2;
	_ =	strace s9  }
0x27: {  	s1 =	sld [smem:$0x3FA9]  }
0x28: {  	s2 =	sld [smem:$0x3FAA]  }
0x29: {  	s4 =	sld [smem:$0x3FAC]  }
0x2a: {  	p0 =	seq.s32 s5, $0x0;
	s5 =	sld [smem:$0x3FAD]  }
0x2b: {  	s6 =	sld [smem:$0x3FAE]  }
0x2c: {  	s7 =	sld [smem:$0x3FAF]  }
0x2d: {  	s3 =	simm.s32 $0x108;
	s8 =	sld [smem:$0x3FB0]  }
0x2e: {  	s3 =	simm.s32 @!p0 $0x1082;
	s9 =	sld [smem:$0x3FB1]  }
0x2f: {  	lr =	sadd.s32 s0, s3;
	s0 =	sld [smem:$0x3FA8]  }
0x30: {  	s3 =	sld [smem:$0x3FAB]  }
0x31: {  	[smem:$0x3FB4] =	sst s10  }
0x32: {  	s10 =	sld [smem:$0x3FB2];
	_ =	sdelay $0x3  }
0x33: {  	p0 =	seq.s32 s10, $0x1;
	s10 =	sld [smem:$0x3FB4];
	_ =	sdelay $0x3  }
0x34: {  	[smem:$0x3FB4] =	sst s10  }
0x35: {  	s10 =	sld [smem:$0x3FB3];
	_ =	sdelay $0x3  }
0x36: {  	p1 =	seq.s32 s10, $0x1;
	s10 =	sld [smem:$0x3FB4];
	_ =	sdelay $0x3  }
0x37: {  	[smem:$0x3FB4] =	sst s10  }
0x38: {  	s10 =	sld [smem:$0x3FB5]  }
0x39: {  	_ = 	snop;
	(pc) =	sbr.ind lr, $3  }
0x3a: {  	_ = 	snop  }
0x3b: {  	_ = 	snop  }
0x3c: {  	p2 =	seq.s32 s10, $0x1;
	s10 =	sld [smem:$0x3FB4]  }
0x3d: {  	_ =	shalt  }
0x3e: {  	_ =	shalt  }
0x3f: {  	_ =	shalt  }
0x40: {  	_ =	shalt  }
0x41: {  	_ =	shalt  }
0x42: {  	_ =	shalt  }
0x43: {  	_ =	shalt  }
0x44: {  	_ =	shalt  }
0x45: {  	_ =	shalt  }
0x46: {  	_ =	shalt  }
0x47: {  	_ =	shalt  }
0x48: {  	_ =	shalt  }
0x49: {  	_ =	shalt  }
0x4a: {  	_ =	shalt  }
0x4b: {  	_ =	shalt  }
0x4c: {  	_ =	shalt  }
0x4d: {  	_ =	shalt  }
0x4e: {  	_ =	shalt  }
0x4f: {  	_ =	shalt  }
0x50: {  	_ =	shalt  }
0x51: {  	_ =	shalt  }
0x52: {  	_ =	shalt  }
0x53: {  	_ =	shalt  }
0x54: {  	_ =	shalt  }
0x55: {  	_ =	shalt  }
0x56: {  	_ =	shalt  }
0x57: {  	_ =	shalt  }
0x58: {  	_ =	shalt  }
0x59: {  	_ =	shalt  }
0x5a: {  	_ =	shalt  }
0x5b: {  	_ =	shalt  }
0x5c: {  	_ =	shalt  }
0x5d: {  	_ =	shalt  }
0x5e: {  	_ =	shalt  }
0x5f: {  	_ =	shalt  }
0x60: {  	_ =	shalt  }
0x61: {  	_ =	shalt  }
0x62: {  	_ =	shalt  }
0x63: {  	_ =	shalt  }
0x64: {  	_ =	shalt  }
0x65: {  	_ =	shalt  }
0x66: {  	_ =	shalt  }
0x67: {  	_ =	shalt  }
0x68: {  	_ =	shalt  }
0x69: {  	_ =	shalt  }
0x6a: {  	_ =	shalt  }
0x6b: {  	_ =	shalt  }
0x6c: {  	_ =	shalt  }
0x6d: {  	_ =	shalt  }
0x6e: {  	_ =	shalt  }
0x6f: {  	_ =	shalt  }
0x70: {  	_ =	shalt  }
0x71: {  	_ =	shalt  }
0x72: {  	_ =	shalt  }
0x73: {  	_ =	shalt  }
0x74: {  	_ =	shalt  }
0x75: {  	_ =	shalt  }
0x76: {  	_ =	shalt  }
0x77: {  	_ =	shalt  }
0x78: {  	_ =	shalt  }
0x79: {  	_ =	shalt  }
0x7a: {  	_ =	shalt  }
0x7b: {  	_ =	shalt  }
0x7c: {  	_ =	shalt  }
0x7d: {  	_ =	shalt  }
0x7e: {  	_ =	shalt  }
0x7f: {  	_ =	shalt  }
0x80: {  	_ =	shalt  }
0x81: {  	_ =	shalt  }
0x82: {  	_ =	shalt  }
0x83: {  	_ =	shalt  }
0x84: {  	_ =	shalt  }
0x85: {  	_ =	shalt  }
0x86: {  	_ =	shalt  }
0x87: {  	_ =	shalt  }
.Lfunc_end0:
.L_simem_size_0:
called_computation.1_lowered:
.L_overlay_start_0:
0x88: {  	s2 =	sld [smem:$0x3FD9]  }
0x89: {  	s3 =	sld [smem:$0x3FFE];
	_ =	sdelay $0x1  }
0x8a: {  	s1 =	srdreg.scid  }
0x8b: {  	s0 =	sand.u32 $0x1, s1  }
0x8c: {  	s14 =	sshll.u32 s0, $0xA;
	s2 =	sadd.s32 s3, s2  }
0x8d: {  	s2 =	sadd.s32 s2, s14  }
0x8e: {  	[smem:$0x3FC0] =	sst s2  }
0x8f: {  	_ = 	snop  }
0x90: {  	s2 =	sld [smem:$0x3FD0];
	_ =	sdelay $0x2  }
0x91: {  	s15 =	simm.s32 $0xA;
	s4 =	simm.s32 $0x10  }
0x92: {  	[smem:s4], [sflag:s15] =	dma.local [hbm:s2], $0x1  }
0x93: {  	_ =	swait.eq [sflag:s15], $0x1  }
0x94: {  	[sflag:s15] =	ssyncset.done $0x0  }
0x95: {  	s16 =	sld [smem:$0x10];
	[sflag:s15] =	ssyncadd.s32 $0xFFFFFFFF  }
0x96: {  	s17 =	sld [smem:$0x11];
	(tm) =	ssettm $0x1  }
0x97: {  	s18 =	sld [smem:$0x3FFB];
	_ =	sdelay $0x3  }
0x98: {  	_ =	strace s18  }
0x99: {  	s4 =	sld [smem:$0x3FFC];
	_ =	sdelay $0x3  }
0x9a: {  	_ =	strace s4  }
0x9b: {  	s4 =	sld [smem:$0x3FFD];
	_ =	sdelay $0x3  }
0x9c: {  	_ =	strace s4  }
0x9d: {  	_ =	strace $0x8FFFFFFF  }
0x9e: {  	s19 =	sld [smem:$0x3FDB];
	_ =	sdelay $0x1  }
0x9f: {  	s5 =	simm.s32 $_scs_section_size  }
0xa0: {  	s6 =	simm.s32 $_size__tile_overlayer_lowered;
	s7 =	simm.s32 $_tile_overlayer_lowered  }
0xa1: {  	s22 =	simm.s32 $0x1BFF;
	s21 =	sshll.u32 s7, $0x1;
	s4 =	sadd.s32 s5, s19  }
0xa2: {  	s8 =	simm.s32 $0x0;
	s20 =	sshll.u32 s6, $0x1;
	s6 =	sadd.s32 s21, s4  }
0xa3: {  	[timem:s8], [sflag:s22] =	dma.local [hbm:s6], s20  }
0xa4: {  	_ =	swait.ge [sflag:s22], s20  }
0xa5: {  	s5 =	ssub.s32 $0x0, s20;
	[sflag:s22] =	ssyncset.done $0x0  }
0xa6: {  	[sflag:s22] =	ssyncadd.s32 s5;
	_ =	sdelay $0x1  }
0xa7: {  	s23 =	simm.s32 $0x1B8B  }
0xa8: {  	_ =	swait.ge [sflag:s23], $0x1  }
0xa9: {  	[sflag:s23] =	ssyncset.done $0x0  }
0xaa: {  	s25 =	simm.s32 $0x1B8E;
	s24 =	sld [smem:$0x3FFE];
	[sflag:s23] =	ssyncadd.s32 $0xFFFFFFFF  }
0xab: {  	s26 =	simm.s32 $execute0_lowered;
	[smem:$0x3FD2] =	sst s25  }
0xac: {  	s6 =	sshll.u32 s26, $0x1;
	_ =	strace $0x80000049;
	[dreg:$0x1] =	wrdreg $0xFFFFFFFF  }
0xad: {  	s28 =	simm.s32 $_size_execute0_lowered;
	s4 =	sadd.s32 s4, s6;
	[dreg:$0x0] =	wrdreg $0x0  }
0xae: {  	s6 =	sshll.u32 s28, $0x1;
	[dreg:$0x2] =	wrdreg s4  }
0xaf: {  	[dreg:$0x3] =	wrdreg s6  }
0xb0: {  	[dreg:$0x4] =	wrdreg $0xC0  }
0xb1: {  	_ =	task [dreg:s8], $0x5FFFF  }
0xb2: {  	[dreg:$0x1] =	wrdreg $0xFFFFFFFF  }
0xb3: {  	[dreg:$0x0] =	wrdreg $0x60  }
0xb4: {  	[dreg:$0x2] =	wrdreg s17  }
0xb5: {  	[dreg:$0x3] =	wrdreg s16  }
0xb6: {  	[dreg:$0x4] =	wrdreg s24  }
0xb7: {  	[dreg:$0x5] =	wrdreg $0xB1000  }
0xb8: {  	[dreg:$0x6] =	wrdreg $0x9  }
0xb9: {  	_ =	task.clear_ibuf [dreg:s8], $0x7FFFF;
	_ =	strace $0x90000049  }
0xba: {  	s29 =	simm.s32 $0x9;
	_ =	strace $0x8000004B  }
0xbb: {  	_ =	swait.ge [sflag:s29], $0x1  }
0xbc: {  	[sflag:s29] =	ssyncadd.s32 $0xFFFFFFFF  }
0xbd: {  	_ =	strace $0x9000004B  }
0xbe: {  	_ =	sfence  }
0xbf: {  	s30 =	sld [smem:$0x0];
	_ =	sdelay $0x2  }
0xc0: {  	s31 =	sshll.u32 s1, $0xD;
	s1 =	sshrl.u32 s1, $0x2  }
0xc1: {  	s3 =	sand.u32 $0x4000, s31;
	s1 =	sadd.s32 s1, s30  }
0xc2: {  	s0 =	sor.u32 s3, s0;
	s1 =	sshll.u32 s1, $0x11  }
0xc3: {  	s0 =	sor.u32 s1, s0  }
0xc4: {  	s0 =	sadd.s32 $0x8F2B, s0  }
0xc5: {  	[sflag:s0] =	ssyncadd.remote.s32 $0x1  }
0xc6: {  	_ =	sfence.sel $0xFFFF  }
0xc7: {  	[dreg:$0x0] =	wrdreg $0xFFFFFFFF;
	(pc) =	sbr.abs _section_cstart, $3  }
0xc8: {  	[dreg:$0x1] =	wrdreg $0xFFFFFFFF  }
0xc9: {  	_ =	task.clear_ibuf [dreg:s8], $0x2FFFF;
	_ =	strace $0x9FFFFFFF  }
0xca: {  	(tm) =	ssettm $0x7FFFFFFF  }
0xcb: {  	_ =	shalt  }
tec
execute0_lowered:
.L_overlay_start_1:
0x0: {  	(tag) =	ssettag $0x1  }
0x1: {  	s1 =	rddreg [dreg:$0x0]  }
0x2: {  	s0 =	rddreg [dreg:$0x1]  }
0x3: {  	s2 =	rddreg [dreg:$0x2];
	s12 =	stileid.u32  }
0x4: {  	s3 =	rddreg [dreg:$0x3];
	s6 =	smul.u32 $0x50000, s12  }
0x5: {  	s4 =	simm.s32 $0x0;
	s5 =	srdreg.scid;
	s28 =	simm.s32 $0x5  }
0x6: {  	s29 =	simm.s32 $0x3;
	s30 =	simm.s32 $0x6;
	s6 =	sshrl.u32 s6, $0x2  }
0x7: {  	s31 =	simm.s32 $0x0;
	[smem:$0x7FF] =	sst s4;
	s6 =	sadd.s32 s6, s3  }
0x8: {  	s7 =	sand.u32 $0x1, s5;
	s5 =	sadd.s32 $0x3A00, s2;
	s15 =	sadd.s32 $0x1000, s6  }
0x9: {  	_ =	strace $0x8000004A;
	s16 =	sadd.s32 $0x2000, s6;
	[dreg:$0x5] =	wrdreg s15  }
0xa: {  	s10 =	sshll.u32 s12, $0x1;
	s17 =	sadd.s32 $0x3000, s6;
	[dreg:$0x6] =	wrdreg s16  }
0xb: {  	s11 =	smul.u32 $0x4E20, s12;
	s18 =	sadd.s32 $0x4000, s6;
	[dreg:$0x7] =	wrdreg s17  }
0xc: {  	s26 =	smul.u32 $0x2800, s12;
	s19 =	sadd.s32 $0x5000, s6;
	[dreg:$0x8] =	wrdreg s18  }
0xd: {  	s8 =	ssub.s32 $0x2, s7;
	s20 =	sadd.s32 $0x6000, s6;
	[dreg:$0x9] =	wrdreg s19  }
0xe: {  	s14 =	sor.u32 s7, s10;
	s21 =	sadd.s32 $0x7000, s6;
	[dreg:$0xa] =	wrdreg s20  }
0xf: {  	p0 =	seq.s32 s7, $0x1;
	s22 =	sadd.s32 $0x8000, s6;
	[dreg:$0xb] =	wrdreg s21  }
0x10: {  	s10 =	simm.s32 $0x35800;
	s23 =	sadd.s32 $0x9000, s6;
	[dreg:$0xc] =	wrdreg s22  }
0x11: {  	s9 =	sshrl.u32 s8, $0x1;
	s24 =	sadd.s32 $0xA000, s6;
	[dreg:$0xd] =	wrdreg s23  }
0x12: {  	s10 =	simm.s32 @!p0 $0xD800;
	s25 =	sadd.s32 $0xB000, s6;
	[dreg:$0xe] =	wrdreg s24  }
0x13: {  	s2 =	sadd.s32 s10, s2;
	s13 =	sadd.s32 $0xC000, s6;
	[dreg:$0xf] =	wrdreg s25  }
0x14: {  	s8 =	ssub.s32 s8, s9;
	s2 =	sadd.s32 s2, s26;
	[dreg:$0x10] =	wrdreg s13  }
0x15: {  	s9 =	smul.u32 $0x2710, s14;
	s8 =	smax.u32 s8, $0x1;
	[dreg:$0x12] =	wrdreg s2  }
0x16: {  	s7 =	smul.u32 $0x2710, s7;
	s12 =	sadd.s32 $0xD000, s6;
	[dreg:$0x13] =	wrdreg s8  }
0x17: {  	s14 =	sadd.s32 $0xF000, s6;
	s9 =	sshrl.u32 s9, $0x3;
	[dreg:$0x14] =	wrdreg s12  }
0x18: {  	s13 =	sadd.s32 $0xE000, s6;
	[dreg:$0x16] =	wrdreg s14;
	s15 =	sadd.s32 $0x10000, s6  }
0x19: {  	s16 =	sadd.s32 $0x11000, s6;
	s17 =	sadd.s32 $0x12000, s6;
	[dreg:$0x15] =	wrdreg s13  }
0x1a: {  	s18 =	sadd.s32 $0x13000, s6;
	s12 =	simm.s32 $0x7;
	[dreg:$0x17] =	wrdreg s15  }
0x1b: {  	s14 =	simm.s32 $0x50;
	s0 =	sadd.s32 s0, s9;
	[dreg:$0x18] =	wrdreg s16  }
0x1c: {  	s20 =	sadd.s32 s5, s9;
	s9 =	sadd.s32 s7, s11;
	[dreg:$0x19] =	wrdreg s17  }
0x1d: {  	[dreg:$0x1a] =	wrdreg s18;
	s13 =	simm.s32 $0x2780;
	s15 =	simm.s32 $0x2900  }
0x1e: {  	s16 =	simm.s32 $0x2800;
	s17 =	simm.s32 $0x5100;
	s18 =	simm.s32 $0x2880  }
0x1f: {  	[dreg:$0x11] =	wrdreg s0;
	s11 =	sadd.s32 $0x190, s9;
	s19 =	sadd.s32 $0xA, s20  }
0x20: {  	s7 =	sadd.s32 $0x140, s9;
	s21 =	sadd.s32 $0x14, s20;
	[dreg:$0x1b] =	wrdreg s19  }
0x21: {  	s25 =	sadd.s32 $0xF0, s9;
	s22 =	sadd.s32 $0x4CE, s20;
	[dreg:$0x1c] =	wrdreg s21  }
0x22: {  	s26 =	sadd.s32 $0x4D8, s20;
	s2 =	sshrl.u32 s11, $0x3;
	[dreg:$0x1d] =	wrdreg s22  }
0x23: {  	s7 =	sshrl.u32 s7, $0x3;
	[dreg:$0x1e] =	wrdreg s26;
	s11 =	simm.s32 $0xA100  }
0x24: {  	s19 =	simm.s32 $0x7900;
	s21 =	simm.s32 $0x1;
	s22 =	simm.s32 $0x4  }
0x25: {  	v0 =	vimm.f32 $0.0e+00;
	s26 =	simm.s32 $0x2;
	s23 =	sadd.s32 s2, s5;
	s24 =	sadd.s32 s7, s5  }
.LBB2_1:
0x26: {  	s0 =	simm.s32 $0x0;
	s2 =	simm.s32 $0x200  }
.LBB2_2:
0x27: {  	p0 =	sne.s32 s2, $0x3E00;
	[tilespmem:s0+$0xA170] =	vst v0  }
0x28: {  	[tilespmem:s0+$0xA100] =	vst v0  }
0x29: {  	[tilespmem:s0+$0xA110] =	vst v0  }
.Ltmp0:
0x2a: {  	[tilespmem:s0+$0xA120] =	vst v0;
	(pc) =	sbr.rel @p0 .LBB2_2-.Ltmp0, $4  }
0x2b: {  	[tilespmem:s0+$0xA130] =	vst v0  }
0x2c: {  	[tilespmem:s0+$0xA140] =	vst v0  }
0x2d: {  	[tilespmem:s0+$0xA150] =	vst v0  }
0x2e: {  	[tilespmem:s0+$0xA160] =	vst v0;
	s0 =	sshra.s32 s2, $0x2;
	s2 =	sadd.s32 $0x200, s2  }
0x2f: {  	[tilespmem:s0+$0xA170] =	vst v0  }
0x30: {  	[tilespmem:s0+$0xA100] =	vst v0  }
0x31: {  	[tilespmem:s0+$0xA110] =	vst v0  }
0x32: {  	[tilespmem:s0+$0xA120] =	vst v0  }
0x33: {  	[tilespmem:s0+$0xA130] =	vst v0  }
0x34: {  	[tilespmem:s0+$0xA140] =	vst v0  }
0x35: {  	[tilespmem:s0+$0xA150] =	vst v0  }
0x36: {  	[tilespmem:s0+$0xA160] =	vst v0  }
0x37: {  	[spmem:s6] =	stream.linear.scatter [tilespmem:s11], [sflag:$0x7], $0x1000, $0x38;
	[tilespmem:$0x1F100] =	vst v63  }
0x38: {  	_ =	swait.ge [sflag:s12], $0x1000  }
0x39: {  	[sflag:s12] =	ssyncset.done $0x0  }
0x3a: {  	s9 =	rddreg [dreg:$0x5];
	[sflag:s12] =	ssyncadd.s32 $0xFFFFF000  }
0x3b: {  	[spmem:s9] =	stream.linear.scatter [tilespmem:s11], [sflag:$0x7], $0x1000, $0x38;
	[tilespmem:$0x1F100] =	vst v63  }
0x3c: {  	_ =	swait.ge [sflag:s12], $0x1000  }
0x3d: {  	[sflag:s12] =	ssyncset.done $0x0  }
0x3e: {  	s10 =	rddreg [dreg:$0x6];
	[sflag:s12] =	ssyncadd.s32 $0xFFFFF000  }
0x3f: {  	[spmem:s10] =	stream.linear.scatter [tilespmem:s11], [sflag:$0x7], $0x1000, $0x38;
	[tilespmem:$0x1F100] =	vst v63  }
0x40: {  	_ =	swait.ge [sflag:s12], $0x1000  }
0x41: {  	[sflag:s12] =	ssyncset.done $0x0  }
0x42: {  	s2 =	rddreg [dreg:$0x7];
	[sflag:s12] =	ssyncadd.s32 $0xFFFFF000  }
0x43: {  	[spmem:s2] =	stream.linear.scatter [tilespmem:s11], [sflag:$0x7], $0x1000, $0x38;
	[tilespmem:$0x1F100] =	vst v63  }
0x44: {  	_ =	swait.ge [sflag:s12], $0x1000  }
0x45: {  	[sflag:s12] =	ssyncset.done $0x0  }
0x46: {  	s7 =	rddreg [dreg:$0x8];
	[sflag:s12] =	ssyncadd.s32 $0xFFFFF000  }
0x47: {  	[spmem:s7] =	stream.linear.scatter [tilespmem:s11], [sflag:$0x7], $0x1000, $0x38;
	[tilespmem:$0x1F100] =	vst v63  }
0x48: {  	_ =	swait.ge [sflag:s12], $0x1000  }
0x49: {  	[sflag:s12] =	ssyncset.done $0x0  }
0x4a: {  	s8 =	rddreg [dreg:$0x9];
	[sflag:s12] =	ssyncadd.s32 $0xFFFFF000  }
0x4b: {  	[spmem:s8] =	stream.linear.scatter [tilespmem:s11], [sflag:$0x7], $0x1000, $0x38;
	[tilespmem:$0x1F100] =	vst v63  }
0x4c: {  	_ =	swait.ge [sflag:s12], $0x1000  }
0x4d: {  	[sflag:s12] =	ssyncset.done $0x0  }
0x4e: {  	s9 =	rddreg [dreg:$0xa];
	[sflag:s12] =	ssyncadd.s32 $0xFFFFF000  }
0x4f: {  	[spmem:s9] =	stream.linear.scatter [tilespmem:s11], [sflag:$0x7], $0x1000, $0x38;
	[tilespmem:$0x1F100] =	vst v63  }
0x50: {  	_ =	swait.ge [sflag:s12], $0x1000  }
0x51: {  	[sflag:s12] =	ssyncset.done $0x0  }
0x52: {  	s10 =	rddreg [dreg:$0xb];
	[sflag:s12] =	ssyncadd.s32 $0xFFFFF000  }
0x53: {  	[spmem:s10] =	stream.linear.scatter [tilespmem:s11], [sflag:$0x7], $0x1000, $0x38;
	[tilespmem:$0x1F100] =	vst v63  }
0x54: {  	_ =	swait.ge [sflag:s12], $0x1000  }
0x55: {  	[sflag:s12] =	ssyncset.done $0x0  }
0x56: {  	s2 =	rddreg [dreg:$0xc];
	[sflag:s12] =	ssyncadd.s32 $0xFFFFF000  }
0x57: {  	[spmem:s2] =	stream.linear.scatter [tilespmem:s11], [sflag:$0x7], $0x1000, $0x38;
	[tilespmem:$0x1F100] =	vst v63  }
0x58: {  	_ =	swait.ge [sflag:s12], $0x1000  }
0x59: {  	[sflag:s12] =	ssyncset.done $0x0  }
0x5a: {  	s7 =	rddreg [dreg:$0xd];
	[sflag:s12] =	ssyncadd.s32 $0xFFFFF000  }
0x5b: {  	[spmem:s7] =	stream.linear.scatter [tilespmem:s11], [sflag:$0x7], $0x1000, $0x38;
	[tilespmem:$0x1F100] =	vst v63  }
0x5c: {  	_ =	swait.ge [sflag:s12], $0x1000  }
0x5d: {  	[sflag:s12] =	ssyncset.done $0x0  }
0x5e: {  	s8 =	rddreg [dreg:$0xe];
	[sflag:s12] =	ssyncadd.s32 $0xFFFFF000  }
0x5f: {  	[spmem:s8] =	stream.linear.scatter [tilespmem:s11], [sflag:$0x7], $0x1000, $0x38;
	[tilespmem:$0x1F100] =	vst v63  }
0x60: {  	_ =	swait.ge [sflag:s12], $0x1000  }
0x61: {  	[sflag:s12] =	ssyncset.done $0x0  }
0x62: {  	s9 =	rddreg [dreg:$0xf];
	[sflag:s12] =	ssyncadd.s32 $0xFFFFF000  }
0x63: {  	[spmem:s9] =	stream.linear.scatter [tilespmem:s11], [sflag:$0x7], $0x1000, $0x38;
	[tilespmem:$0x1F100] =	vst v63  }
0x64: {  	_ =	swait.ge [sflag:s12], $0x1000  }
0x65: {  	[sflag:s12] =	ssyncset.done $0x0  }
0x66: {  	s10 =	rddreg [dreg:$0x10];
	[sflag:s12] =	ssyncadd.s32 $0xFFFFF000  }
0x67: {  	[spmem:s10] =	stream.linear.scatter [tilespmem:s11], [sflag:$0x7], $0x1000, $0x38;
	[tilespmem:$0x1F100] =	vst v63  }
0x68: {  	_ =	swait.ge [sflag:s12], $0x1000  }
0x69: {  	[sflag:s12] =	ssyncset.done $0x0  }
0x6a: {  	s2 =	rddreg [dreg:$0x14];
	[sflag:s12] =	ssyncadd.s32 $0xFFFFF000  }
0x6b: {  	[spmem:s2] =	stream.linear.scatter [tilespmem:s11], [sflag:$0x7], $0x1000, $0x38;
	[tilespmem:$0x1F100] =	vst v63  }
0x6c: {  	_ =	swait.ge [sflag:s12], $0x1000  }
0x6d: {  	[sflag:s12] =	ssyncset.done $0x0  }
0x6e: {  	s7 =	rddreg [dreg:$0x15];
	[sflag:s12] =	ssyncadd.s32 $0xFFFFF000  }
0x6f: {  	[spmem:s7] =	stream.linear.scatter [tilespmem:s11], [sflag:$0x7], $0x1000, $0x38;
	[tilespmem:$0x1F100] =	vst v63  }
0x70: {  	_ =	swait.ge [sflag:s12], $0x1000  }
0x71: {  	[sflag:s12] =	ssyncset.done $0x0  }
0x72: {  	s8 =	rddreg [dreg:$0x16];
	[sflag:s12] =	ssyncadd.s32 $0xFFFFF000  }
0x73: {  	[spmem:s8] =	stream.linear.scatter [tilespmem:s11], [sflag:$0x7], $0x1000, $0x38;
	[tilespmem:$0x1F100] =	vst v63  }
0x74: {  	_ =	swait.ge [sflag:s12], $0x1000  }
0x75: {  	[sflag:s12] =	ssyncset.done $0x0  }
0x76: {  	s9 =	rddreg [dreg:$0x17];
	[sflag:s12] =	ssyncadd.s32 $0xFFFFF000  }
0x77: {  	[spmem:s9] =	stream.linear.scatter [tilespmem:s11], [sflag:$0x7], $0x1000, $0x38;
	[tilespmem:$0x1F100] =	vst v63  }
0x78: {  	_ =	swait.ge [sflag:s12], $0x1000  }
0x79: {  	[sflag:s12] =	ssyncset.done $0x0  }
0x7a: {  	s10 =	rddreg [dreg:$0x18];
	[sflag:s12] =	ssyncadd.s32 $0xFFFFF000  }
0x7b: {  	[spmem:s10] =	stream.linear.scatter [tilespmem:s11], [sflag:$0x7], $0x1000, $0x38;
	[tilespmem:$0x1F100] =	vst v63  }
0x7c: {  	_ =	swait.ge [sflag:s12], $0x1000  }
0x7d: {  	[sflag:s12] =	ssyncset.done $0x0  }
0x7e: {  	s2 =	rddreg [dreg:$0x19];
	[sflag:s12] =	ssyncadd.s32 $0xFFFFF000  }
0x7f: {  	[spmem:s2] =	stream.linear.scatter [tilespmem:s11], [sflag:$0x7], $0x1000, $0x38;
	[tilespmem:$0x1F100] =	vst v63  }
0x80: {  	_ =	swait.ge [sflag:s12], $0x1000  }
0x81: {  	[sflag:s12] =	ssyncset.done $0x0  }
0x82: {  	s7 =	rddreg [dreg:$0x1a];
	[sflag:s12] =	ssyncadd.s32 $0xFFFFF000  }
0x83: {  	[spmem:s7] =	stream.linear.scatter [tilespmem:s11], [sflag:$0x7], $0x1000, $0x38;
	[tilespmem:$0x1F100] =	vst v63  }
0x84: {  	_ =	swait.ge [sflag:s12], $0x1000  }
0x85: {  	[sflag:s12] =	ssyncset.done $0x0  }
0x86: {  	s8 =	simm.s32 $0x0;
	s2 =	rddreg [dreg:$0x11];
	[sflag:s12] =	ssyncadd.s32 $0xFFFFF000  }
0x87: {  	[tilespmem:s8], [sflag:$0x7] =	stream.linear.gather [hbm4b:s2+s8], $0x2710, $0x38;
	[tilespmem:$0x1F100] =	vst v63  }
0x88: {  	_ =	swait.ge [sflag:s12], $0x2710  }
0x89: {  	[sflag:s12] =	ssyncset.done $0x0  }
0x8a: {  	[sflag:s12] =	ssyncadd.s32 $0xFFFFD8F0  }
0x8b: {  	[bflag:$0x0] =	sbarrier.arrive $0xFFFF  }
0x8c: {  	[tilespmem:s13], [sflag:$0x1] =	stream.linear.gather [hbm4b:s20+s8], $0x50, $0x38;
	[tilespmem:$0x1F100] =	vst v63  }
0x8d: {  	_ = 	snop  }
0x8e: {  	[tilespmem:s15], [sflag:$0x4] =	stream.indirect.gather [hbm4b:s1+s14], $0x80, s8, s14, $0xb8;
	[tilespmem:$0x1F100] =	vst v63  }
0x8f: {  	s9 =	rddreg [dreg:$0x1b]  }
0x90: {  	[tilespmem:s16], [sflag:$0x2] =	stream.linear.gather [hbm4b:s9+s8], $0x50, $0x38;
	[tilespmem:$0x1F100] =	vst v63  }
0x91: {  	_ = 	snop  }
0x92: {  	[tilespmem:s17], [sflag:$0x5] =	stream.indirect.gather [hbm4b:s1+s14], $0x80, s14, s14, $0xb8;
	[tilespmem:$0x1F100] =	vst v63  }
0x93: {  	s10 =	rddreg [dreg:$0x1c]  }
0x94: {  	[tilespmem:s18], [sflag:$0x3] =	stream.linear.gather [hbm4b:s10+s8], $0x50, $0x38;
	[tilespmem:$0x1F100] =	vst v63  }
0x95: {  	s7 =	simm.s32 $0xA0  }
0x96: {  	[tilespmem:s19], [sflag:$0x6] =	stream.indirect.gather [hbm4b:s1+s14], $0x80, s7, s14, $0xb8;
	[tilespmem:$0x1F100] =	vst v63  }
0x97: {  	_ =	swait.ge [sflag:s21], $0x50  }
0x98: {  	[sflag:s21] =	ssyncset.done $0x0  }
0x99: {  	[sflag:s21] =	ssyncadd.s32 $0xFFFFFFB0  }
0x9a: {  	_ =	swait.ge [sflag:s22], $0x2800  }
0x9b: {  	[sflag:s22] =	ssyncset.done $0x0  }
0x9c: {  	[sflag:s22] =	ssyncadd.s32 $0xFFFFD800  }
0x9d: {  	[spmem:s3] =	stream.indirect.scatter.add.f32 [tilespmem:s15], [sflag:$0x7], $0x80, s13, s14, $0xb8;
	[tilespmem:$0x1F100] =	vst v63  }
0x9e: {  	_ =	swait.ge [sflag:s12], $0x2800  }
0x9f: {  	s8 =	sshrl.u32 s25, $0x3;
	[sflag:s12] =	ssyncset.done $0x0  }
0xa0: {  	s0 =	sadd.s32 s5, s8;
	[sflag:s12] =	ssyncadd.s32 $0xFFFFD800  }
0xa1: {  	[tilespmem:s13], [sflag:$0x1] =	stream.linear.gather [hbm4b:s0+s4], $0x50, $0x38;
	[tilespmem:$0x1F100] =	vst v63  }
0xa2: {  	s9 =	simm.s32 $0xF0  }
0xa3: {  	[tilespmem:s15], [sflag:$0x4] =	stream.indirect.gather [hbm4b:s1+s14], $0x80, s9, s14, $0xb8;
	[tilespmem:$0x1F100] =	vst v63  }
0xa4: {  	_ =	swait.ge [sflag:s26], $0x50  }
0xa5: {  	[sflag:s26] =	ssyncset.done $0x0  }
0xa6: {  	[sflag:s26] =	ssyncadd.s32 $0xFFFFFFB0  }
0xa7: {  	_ =	swait.ge [sflag:s28], $0x2800  }
0xa8: {  	[sflag:s28] =	ssyncset.done $0x0  }
0xa9: {  	[sflag:s28] =	ssyncadd.s32 $0xFFFFD800  }
0xaa: {  	[spmem:s3] =	stream.indirect.scatter.add.f32 [tilespmem:s17], [sflag:$0x7], $0x80, s16, s14, $0xb8;
	[tilespmem:$0x1F100] =	vst v63  }
0xab: {  	_ =	swait.ge [sflag:s12], $0x2800  }
0xac: {  	[sflag:s12] =	ssyncset.done $0x0  }
0xad: {  	[sflag:s12] =	ssyncadd.s32 $0xFFFFD800  }
0xae: {  	[tilespmem:s16], [sflag:$0x2] =	stream.linear.gather [hbm4b:s24+s4], $0x50, $0x38;
	[tilespmem:$0x1F100] =	vst v63  }
0xaf: {  	s10 =	simm.s32 $0x140  }
0xb0: {  	[tilespmem:s17], [sflag:$0x5] =	stream.indirect.gather [hbm4b:s1+s14], $0x80, s10, s14, $0xb8;
	[tilespmem:$0x1F100] =	vst v63  }
0xb1: {  	_ =	swait.ge [sflag:s29], $0x50  }
0xb2: {  	[sflag:s29] =	ssyncset.done $0x0  }
0xb3: {  	[sflag:s29] =	ssyncadd.s32 $0xFFFFFFB0  }
0xb4: {  	_ =	swait.ge [sflag:s30], $0x2800  }
0xb5: {  	[sflag:s30] =	ssyncset.done $0x0  }
0xb6: {  	[sflag:s30] =	ssyncadd.s32 $0xFFFFD800  }
0xb7: {  	[spmem:s3] =	stream.indirect.scatter.add.f32 [tilespmem:s19], [sflag:$0x7], $0x80, s18, s14, $0xb8;
	[tilespmem:$0x1F100] =	vst v63  }
0xb8: {  	s2 =	sadd.s32 $0xF0, s25;
	_ =	swait.ge [sflag:s12], $0x2800  }
0xb9: {  	s8 =	sadd.s32 $0x1E, s24;
	s7 =	sadd.s32 $0x1E, s23;
	[sflag:s12] =	ssyncset.done $0x0  }
0xba: {  	s0 =	simm.s32 $0x3C0;
	s9 =	simm.s32 $0x190;
	[sflag:s12] =	ssyncadd.s32 $0xFFFFD800  }
0xbb: {  	[tilespmem:s18], [sflag:$0x3] =	stream.linear.gather [hbm4b:s23+s4], $0x50, $0x38;
	[tilespmem:$0x1F100] =	vst v63  }
.LBB2_4:
0xbc: {  	[tilespmem:s19], [sflag:$0x6] =	stream.indirect.gather [hbm4b:s1+s14], $0x80, s9, s14, $0xb8;
	[tilespmem:$0x1F100] =	vst v63  }
0xbd: {  	s9 =	smov.u32 s0  }
0xbe: {  	p0 =	sne.s32 s0, $0x9240;
	s0 =	sadd.s32 $0x3C0, s0;
	_ =	swait.ge [sflag:s21], $0x50  }
0xbf: {  	[sflag:s21] =	ssyncset.done $0x0  }
0xc0: {  	[sflag:s21] =	ssyncadd.s32 $0xFFFFFFB0  }
0xc1: {  	_ =	swait.ge [sflag:s22], $0x2800  }
0xc2: {  	[sflag:s22] =	ssyncset.done $0x0  }
0xc3: {  	[sflag:s22] =	ssyncadd.s32 $0xFFFFD800  }
0xc4: {  	[spmem:s3] =	stream.indirect.scatter.add.f32 [tilespmem:s15], [sflag:$0x7], $0x80, s13, s14, $0xb8;
	[tilespmem:$0x1F100] =	vst v63  }
0xc5: {  	_ =	swait.ge [sflag:s12], $0x2800  }
0xc6: {  	s10 =	sshrl.u32 s2, $0x3;
	[sflag:s12] =	ssyncset.done $0x0  }
0xc7: {  	s10 =	sadd.s32 s5, s10;
	s9 =	sshra.s32 s9, $0x2;
	[sflag:s12] =	ssyncadd.s32 $0xFFFFD800  }
0xc8: {  	[tilespmem:s13], [sflag:$0x1] =	stream.linear.gather [hbm4b:s10+s4], $0x50, $0x38;
	[tilespmem:$0x1F100] =	vst v63  }
0xc9: {  	s10 =	sadd.s32 $0xF0, s9  }
0xca: {  	[tilespmem:s15], [sflag:$0x4] =	stream.indirect.gather [hbm4b:s1+s14], $0x80, s10, s14, $0xb8;
	[tilespmem:$0x1F100] =	vst v63  }
0xcb: {  	_ =	swait.ge [sflag:s26], $0x50  }
0xcc: {  	[sflag:s26] =	ssyncset.done $0x0  }
0xcd: {  	[sflag:s26] =	ssyncadd.s32 $0xFFFFFFB0  }
0xce: {  	_ =	swait.ge [sflag:s28], $0x2800  }
0xcf: {  	[sflag:s28] =	ssyncset.done $0x0  }
0xd0: {  	[sflag:s28] =	ssyncadd.s32 $0xFFFFD800  }
0xd1: {  	[spmem:s3] =	stream.indirect.scatter.add.f32 [tilespmem:s17], [sflag:$0x7], $0x80, s16, s14, $0xb8;
	[tilespmem:$0x1F100] =	vst v63  }
0xd2: {  	_ =	swait.ge [sflag:s12], $0x2800  }
0xd3: {  	[sflag:s12] =	ssyncset.done $0x0  }
0xd4: {  	[sflag:s12] =	ssyncadd.s32 $0xFFFFD800  }
0xd5: {  	[tilespmem:s16], [sflag:$0x2] =	stream.linear.gather [hbm4b:s8+s4], $0x50, $0x38;
	[tilespmem:$0x1F100] =	vst v63  }
0xd6: {  	s10 =	sadd.s32 $0x140, s9  }
0xd7: {  	[tilespmem:s17], [sflag:$0x5] =	stream.indirect.gather [hbm4b:s1+s14], $0x80, s10, s14, $0xb8;
	[tilespmem:$0x1F100] =	vst v63  }
0xd8: {  	_ =	swait.ge [sflag:s29], $0x50  }
0xd9: {  	[sflag:s29] =	ssyncset.done $0x0  }
0xda: {  	[sflag:s29] =	ssyncadd.s32 $0xFFFFFFB0  }
0xdb: {  	_ =	swait.ge [sflag:s30], $0x2800  }
0xdc: {  	[sflag:s30] =	ssyncset.done $0x0  }
0xdd: {  	[sflag:s30] =	ssyncadd.s32 $0xFFFFD800  }
0xde: {  	[spmem:s3] =	stream.indirect.scatter.add.f32 [tilespmem:s19], [sflag:$0x7], $0x80, s18, s14, $0xb8;
	[tilespmem:$0x1F100] =	vst v63  }
.Ltmp1:
0xdf: {  	_ =	swait.ge [sflag:s12], $0x2800;
	(pc) =	sbr.rel @p0 .LBB2_4-.Ltmp1, $4  }
0xe0: {  	[sflag:s12] =	ssyncset.done $0x0  }
0xe1: {  	s2 =	sadd.s32 $0xF0, s2;
	[sflag:s12] =	ssyncadd.s32 $0xFFFFD800  }
0xe2: {  	[tilespmem:s18], [sflag:$0x3] =	stream.linear.gather [hbm4b:s7+s4], $0x50, $0x38;
	[tilespmem:$0x1F100] =	vst v63  }
0xe3: {  	s9 =	sadd.s32 $0x190, s9;
	s8 =	sadd.s32 $0x1E, s8;
	s7 =	sadd.s32 $0x1E, s7  }
0xe4: {  	[tilespmem:s19], [sflag:$0x6] =	stream.indirect.gather [hbm4b:s1+s14], $0x80, s9, s14, $0xb8;
	[tilespmem:$0x1F100] =	vst v63  }
0xe5: {  	_ =	swait.ge [sflag:s21], $0x50  }
0xe6: {  	[sflag:s21] =	ssyncset.done $0x0  }
0xe7: {  	[sflag:s21] =	ssyncadd.s32 $0xFFFFFFB0  }
0xe8: {  	_ =	swait.ge [sflag:s22], $0x2800  }
0xe9: {  	[sflag:s22] =	ssyncset.done $0x0  }
0xea: {  	[sflag:s22] =	ssyncadd.s32 $0xFFFFD800  }
0xeb: {  	[spmem:s3] =	stream.indirect.scatter.add.f32 [tilespmem:s15], [sflag:$0x7], $0x80, s13, s14, $0xb8;
	[tilespmem:$0x1F100] =	vst v63  }
0xec: {  	_ =	swait.ge [sflag:s12], $0x2800  }
0xed: {  	[sflag:s12] =	ssyncset.done $0x0  }
0xee: {  	s0 =	rddreg [dreg:$0x1d];
	[sflag:s12] =	ssyncadd.s32 $0xFFFFD800  }
0xef: {  	[tilespmem:s13], [sflag:$0x1] =	stream.linear.gather [hbm4b:s0+s4], $0x50, $0x38;
	[tilespmem:$0x1F100] =	vst v63  }
0xf0: {  	s2 =	simm.s32 $0x2670  }
0xf1: {  	[tilespmem:s15], [sflag:$0x4] =	stream.indirect.gather [hbm4b:s1+s14], $0x80, s2, s14, $0xb8;
	[tilespmem:$0x1F100] =	vst v63  }
0xf2: {  	_ =	swait.ge [sflag:s26], $0x50  }
0xf3: {  	[sflag:s26] =	ssyncset.done $0x0  }
0xf4: {  	[sflag:s26] =	ssyncadd.s32 $0xFFFFFFB0  }
0xf5: {  	_ =	swait.ge [sflag:s28], $0x2800  }
0xf6: {  	[sflag:s28] =	ssyncset.done $0x0  }
0xf7: {  	[sflag:s28] =	ssyncadd.s32 $0xFFFFD800  }
0xf8: {  	[spmem:s3] =	stream.indirect.scatter.add.f32 [tilespmem:s17], [sflag:$0x7], $0x80, s16, s14, $0xb8;
	[tilespmem:$0x1F100] =	vst v63  }
0xf9: {  	_ =	swait.ge [sflag:s12], $0x2800  }
0xfa: {  	[sflag:s12] =	ssyncset.done $0x0  }
0xfb: {  	s7 =	rddreg [dreg:$0x1e];
	[sflag:s12] =	ssyncadd.s32 $0xFFFFD800  }
0xfc: {  	[tilespmem:s16], [sflag:$0x2] =	stream.linear.gather [hbm4b:s7+s4], $0x50, $0x38;
	[tilespmem:$0x1F100] =	vst v63  }
0xfd: {  	s8 =	simm.s32 $0x26C0  }
0xfe: {  	[tilespmem:s17], [sflag:$0x5] =	stream.indirect.gather [hbm4b:s1+s14], $0x80, s8, s14, $0xb8;
	[tilespmem:$0x1F100] =	vst v63  }
0xff: {  	_ =	swait.ge [sflag:s29], $0x50  }
0x100: {  	[sflag:s29] =	ssyncset.done $0x0  }
0x101: {  	[sflag:s29] =	ssyncadd.s32 $0xFFFFFFB0  }
0x102: {  	_ =	swait.ge [sflag:s30], $0x2800  }
0x103: {  	[sflag:s30] =	ssyncset.done $0x0  }
0x104: {  	[sflag:s30] =	ssyncadd.s32 $0xFFFFD800  }
0x105: {  	[spmem:s3] =	stream.indirect.scatter.add.f32 [tilespmem:s19], [sflag:$0x7], $0x80, s18, s14, $0xb8;
	[tilespmem:$0x1F100] =	vst v63  }
0x106: {  	_ =	swait.ge [sflag:s12], $0x2800  }
0x107: {  	[sflag:s12] =	ssyncset.done $0x0  }
0x108: {  	[sflag:s12] =	ssyncadd.s32 $0xFFFFD800  }
0x109: {  	_ =	swait.ge [sflag:s21], $0x50  }
0x10a: {  	[sflag:s21] =	ssyncset.done $0x0  }
0x10b: {  	[sflag:s21] =	ssyncadd.s32 $0xFFFFFFB0  }
0x10c: {  	_ =	swait.ge [sflag:s22], $0x2800  }
0x10d: {  	[sflag:s22] =	ssyncset.done $0x0  }
0x10e: {  	[sflag:s22] =	ssyncadd.s32 $0xFFFFD800  }
0x10f: {  	[spmem:s3] =	stream.indirect.scatter.add.f32 [tilespmem:s15], [sflag:$0x7], $0x80, s13, s14, $0xb8;
	[tilespmem:$0x1F100] =	vst v63  }
0x110: {  	_ =	swait.ge [sflag:s12], $0x2800  }
0x111: {  	[sflag:s12] =	ssyncset.done $0x0  }
0x112: {  	[sflag:s12] =	ssyncadd.s32 $0xFFFFD800  }
0x113: {  	_ =	swait.ge [sflag:s26], $0x50  }
0x114: {  	[sflag:s26] =	ssyncset.done $0x0  }
0x115: {  	[sflag:s26] =	ssyncadd.s32 $0xFFFFFFB0  }
0x116: {  	_ =	swait.ge [sflag:s28], $0x2800  }
0x117: {  	[sflag:s28] =	ssyncset.done $0x0  }
0x118: {  	[sflag:s28] =	ssyncadd.s32 $0xFFFFD800  }
0x119: {  	[spmem:s3] =	stream.indirect.scatter.add.f32 [tilespmem:s17], [sflag:$0x7], $0x80, s16, s14, $0xb8;
	[tilespmem:$0x1F100] =	vst v63  }
0x11a: {  	_ =	swait.ge [sflag:s12], $0x2800  }
0x11b: {  	[sflag:s12] =	ssyncset.done $0x0  }
0x11c: {  	s9 =	stileid.u32;
	[sflag:s12] =	ssyncadd.s32 $0xFFFFD800  }
0x11d: {  	s0 =	sshll.u32 s9, $0x6;
	[bflag:$0x0] =	sbarrier.arrive $0xFFFF  }
0x11e: {  	s0 =	sor.u32 $0x1C07, s0;
	s2 =	sshrl.u32 s6, $0x3;
	s7 =	rddreg [dreg:$0x12]  }
0x11f: {  	[hbm:s7], [sflag:s0] =	dma.local [spmem:s2], $0x2800  }
0x120: {  	_ =	swait.ge [sflag:s12], $0x2800  }
0x121: {  	s31 =	sadd.s32 $0x1, s31;
	s10 =	rddreg [dreg:$0x13]  }
0x122: {  	p0 =	sne.s32 s31, s10  }
.Ltmp2:
0x123: {  	_ = 	snop;
	(pc) =	sbr.rel @p0 .LBB2_1-.Ltmp2, $3  }
0x124: {  	_ =	sdelay $0x1  }
0x125: {  	[sflag:s12] =	ssyncset.done $0x0  }
0x126: {  	[sflag:s12] =	ssyncadd.s32 $0xFFFFD800  }
0x127: {  	_ =	sfence.sel $0x180000  }
0x128: {  	[bflag:$0x0] =	sbarrier.arrive $0xFFFF  }
0x129: {  	_ =	strace $0x9000004A  }
0x12a: {  	s0 =	stileid.u32;
	[bflag:$0x2] =	sbarrier.arrive $0xFFFF  }
0x12b: {  	p0 =	sne.s32 s0, $0x0;
	s0 =	rddreg [dreg:$0x4]  }
0x12c: {  	s0 =	sadd.s32 @!p0 $0x100000, s0  }
0x12d: {  	[sflag:s0] =	ssyncadd.tile.s32 @!p0 $0x1;
	_ =	shalt  }
.Lfunc_end2:
_tile_overlayer_lowered:
.L_overlay_start_2:
0x12e: {  	(tag) =	ssettag $0x2  }
0x12f: {  	s0 =	rddreg [dreg:$0x0];
	s2 =	stileid.u32  }
0x130: {  	s1 =	rddreg [dreg:$0x1];
	p0 =	sne.s32 s2, $0x0  }
0x131: {  	s3 =	rddreg [dreg:$0x2];
	[bflag:$0x3] =	sbarrier.arrive $0xFFFF;
	s2 =	simm.s32 @!p0 $0x1C07  }
0x132: {  	[timem:s3], [sflag:s2] =	dma.local @!p0 [hbm:s0], s1  }
0x133: {  	s0 =	simm.s32 @!p0 $0x7  }
0x134: {  	_ =	swait.ge @!p0 [sflag:s0], s1  }
0x135: {  	s1 =	ssub.s32 @!p0 $0x0, s1;
	[sflag:s0] =	ssyncset.done @!p0 $0x0  }
0x136: {  	[sflag:s0] =	ssyncadd.s32 @!p0 s1  }
0x137: {  	[bflag:$0x3] =	sbarrier.arrive $0xFFFF  }
0x138: {  	_ =	shalt  }

// kernel: kernel.7.cloned.1.call-start
scs
__scs_entry_jumppad:
0x0: {  	(pc) =	sbr.rel $0x88, $3  }
0x1: {  	(tag) =	ssettag $0x0;
	lr =	simm.s32 $0x1  }
0x2: {  	[smem:$0x3F99] =	sst lr;
	_ =	strace $0xD0000000  }
0x3: {  	_ = 	snop  }
0x4: {  	_ = 	snop  }
0x5: {  	_ = 	snop  }
0x6: {  	_ = 	snop  }
0x7: {  	_ = 	snop  }
__scs_overlays_trampoline_lowered:
0x8: {  	[smem:$0x3FA8] =	sst s0  }
0x9: {  	[smem:$0x3FA9] =	sst s1  }
0xa: {  	[smem:$0x3FAA] =	sst s2  }
0xb: {  	[smem:$0x3FAB] =	sst s3  }
0xc: {  	[smem:$0x3FAC] =	sst s4  }
0xd: {  	[smem:$0x3FAD] =	sst s5  }
0xe: {  	[smem:$0x3FAE] =	sst s6  }
0xf: {  	[smem:$0x3FAF] =	sst s7  }
0x10: {  	[smem:$0x3FB0] =	sst s8  }
0x11: {  	[smem:$0x3FB1] =	sst s9;
	s0 =	simm.s32 @!p0 $0x0  }
0x12: {  	s1 =	sld [smem:$0x3F97];
	s0 =	simm.s32 @p0 $0x1  }
0x13: {  	[smem:$0x3FB2] =	sst s0;
	s0 =	simm.s32 @!p1 $0x0  }
0x14: {  	s2 =	sld [smem:$0x3F96];
	s0 =	simm.s32 @p1 $0x1  }
0x15: {  	[smem:$0x3FB3] =	sst s0;
	s0 =	simm.s32 @!p2 $0x0  }
0x16: {  	s3 =	sld [smem:$0x3FDB];
	s0 =	simm.s32 @p2 $0x1  }
0x17: {  	s4 =	simm.s32 $0x1BF5;
	[smem:$0x3FB5] =	sst s0  }
0x18: {  	s0 =	sld [smem:$0x3F98];
	_ =	swait.ge [sflag:s4], $0x0  }
0x19: {  	s7 =	sld [smem:$0x3F99]  }
0x1a: {  	s8 =	sadd.s32 $0xFFFFE003, lr  }
0x1b: {  	s9 =	sadd.s32 $0xFFFFFEF7, lr;
	s5 =	simm.s32 $0xFFFFFFFF;
	p2 =	slt.u32 s8, $0xFFFFF086  }
0x1c: {  	p1 =	slt.u32 s9, $0xF7A;
	s5 =	simm.s32 @!p2 $0x0  }
0x1d: {  	s5 =	simm.s32 @p1 $0x1;
	p0 =	seq.s32 s7, s2  }
0x1e: {  	s7 =	smul.u32 @!p0 $0xF7A, s2;
	p2 =	seq.s32 @!p0 s5, $0x0  }
0x1f: {  	s9 =	smul.u32 $0xF7A, s1;
	s8 =	simm.s32 @!p0 $0x1BF5;
	p2 =	por !p2, p0  }
0x20: {  	[sflag:s8] =	ssyncset.s32 @!p0 $0xFFFFF086;
	s6 =	sadd.s32 @!p0 s3, s7;
	s7 =	simm.s32 @!p0 $0x108  }
0x21: {  	s3 =	sadd.s32 s3, s9;
	s6 =	sadd.s32 @!p0 $0x88, s6;
	s7 =	simm.s32 @p2 $0x1082  }
0x22: {  	[simem:s7], [sflag:s8] =	dma.local @!p0 [hbm:s6], $0xF7A  }
0x23: {  	s9 =	sor.u32 $0xD0000000, s2;
	s6 =	simm.s32 $0x108;
	_ =	swait.ge @!p0 [sflag:s8], $0x0  }
0x24: {  	s3 =	sadd.s32 $0x88, s3;
	s6 =	simm.s32 @!p1 $0x1082;
	[sflag:s4] =	ssyncset.s32 $0xFFFFF086  }
0x25: {  	[simem:s6], [sflag:s4] =	dma.local [hbm:s3], $0xF7A  }
0x26: {  	[smem:$0x3F99] =	sst s1;
	(tag) =	ssettag s2;
	_ =	strace s9  }
0x27: {  	s1 =	sld [smem:$0x3FA9]  }
0x28: {  	s2 =	sld [smem:$0x3FAA]  }
0x29: {  	s4 =	sld [smem:$0x3FAC]  }
0x2a: {  	p0 =	seq.s32 s5, $0x0;
	s5 =	sld [smem:$0x3FAD]  }
0x2b: {  	s6 =	sld [smem:$0x3FAE]  }
0x2c: {  	s7 =	sld [smem:$0x3FAF]  }
0x2d: {  	s3 =	simm.s32 $0x108;
	s8 =	sld [smem:$0x3FB0]  }
0x2e: {  	s3 =	simm.s32 @!p0 $0x1082;
	s9 =	sld [smem:$0x3FB1]  }
0x2f: {  	lr =	sadd.s32 s0, s3;
	s0 =	sld [smem:$0x3FA8]  }
0x30: {  	s3 =	sld [smem:$0x3FAB]  }
0x31: {  	[smem:$0x3FB4] =	sst s10  }
0x32: {  	s10 =	sld [smem:$0x3FB2];
	_ =	sdelay $0x3  }
0x33: {  	p0 =	seq.s32 s10, $0x1;
	s10 =	sld [smem:$0x3FB4];
	_ =	sdelay $0x3  }
0x34: {  	[smem:$0x3FB4] =	sst s10  }
0x35: {  	s10 =	sld [smem:$0x3FB3];
	_ =	sdelay $0x3  }
0x36: {  	p1 =	seq.s32 s10, $0x1;
	s10 =	sld [smem:$0x3FB4];
	_ =	sdelay $0x3  }
0x37: {  	[smem:$0x3FB4] =	sst s10  }
0x38: {  	s10 =	sld [smem:$0x3FB5]  }
0x39: {  	_ = 	snop;
	(pc) =	sbr.ind lr, $3  }
0x3a: {  	_ = 	snop  }
0x3b: {  	_ = 	snop  }
0x3c: {  	p2 =	seq.s32 s10, $0x1;
	s10 =	sld [smem:$0x3FB4]  }
0x3d: {  	_ =	shalt  }
0x3e: {  	_ =	shalt  }
0x3f: {  	_ =	shalt  }
0x40: {  	_ =	shalt  }
0x41: {  	_ =	shalt  }
0x42: {  	_ =	shalt  }
0x43: {  	_ =	shalt  }
0x44: {  	_ =	shalt  }
0x45: {  	_ =	shalt  }
0x46: {  	_ =	shalt  }
0x47: {  	_ =	shalt  }
0x48: {  	_ =	shalt  }
0x49: {  	_ =	shalt  }
0x4a: {  	_ =	shalt  }
0x4b: {  	_ =	shalt  }
0x4c: {  	_ =	shalt  }
0x4d: {  	_ =	shalt  }
0x4e: {  	_ =	shalt  }
0x4f: {  	_ =	shalt  }
0x50: {  	_ =	shalt  }
0x51: {  	_ =	shalt  }
0x52: {  	_ =	shalt  }
0x53: {  	_ =	shalt  }
0x54: {  	_ =	shalt  }
0x55: {  	_ =	shalt  }
0x56: {  	_ =	shalt  }
0x57: {  	_ =	shalt  }
0x58: {  	_ =	shalt  }
0x59: {  	_ =	shalt  }
0x5a: {  	_ =	shalt  }
0x5b: {  	_ =	shalt  }
0x5c: {  	_ =	shalt  }
0x5d: {  	_ =	shalt  }
0x5e: {  	_ =	shalt  }
0x5f: {  	_ =	shalt  }
0x60: {  	_ =	shalt  }
0x61: {  	_ =	shalt  }
0x62: {  	_ =	shalt  }
0x63: {  	_ =	shalt  }
0x64: {  	_ =	shalt  }
0x65: {  	_ =	shalt  }
0x66: {  	_ =	shalt  }
0x67: {  	_ =	shalt  }
0x68: {  	_ =	shalt  }
0x69: {  	_ =	shalt  }
0x6a: {  	_ =	shalt  }
0x6b: {  	_ =	shalt  }
0x6c: {  	_ =	shalt  }
0x6d: {  	_ =	shalt  }
0x6e: {  	_ =	shalt  }
0x6f: {  	_ =	shalt  }
0x70: {  	_ =	shalt  }
0x71: {  	_ =	shalt  }
0x72: {  	_ =	shalt  }
0x73: {  	_ =	shalt  }
0x74: {  	_ =	shalt  }
0x75: {  	_ =	shalt  }
0x76: {  	_ =	shalt  }
0x77: {  	_ =	shalt  }
0x78: {  	_ =	shalt  }
0x79: {  	_ =	shalt  }
0x7a: {  	_ =	shalt  }
0x7b: {  	_ =	shalt  }
0x7c: {  	_ =	shalt  }
0x7d: {  	_ =	shalt  }
0x7e: {  	_ =	shalt  }
0x7f: {  	_ =	shalt  }
0x80: {  	_ =	shalt  }
0x81: {  	_ =	shalt  }
0x82: {  	_ =	shalt  }
0x83: {  	_ =	shalt  }
0x84: {  	_ =	shalt  }
0x85: {  	_ =	shalt  }
0x86: {  	_ =	shalt  }
0x87: {  	_ =	shalt  }
.Lfunc_end0:
.L_simem_size_0:
called_computation_lowered:
.L_overlay_start_0:
0x88: {  	s2 =	sld [smem:$0x3FD9]  }
0x89: {  	s3 =	sld [smem:$0x3FFE];
	_ =	sdelay $0x1  }
0x8a: {  	s1 =	srdreg.scid  }
0x8b: {  	s0 =	sand.u32 $0x1, s1  }
0x8c: {  	s14 =	sshll.u32 s0, $0xA;
	s2 =	sadd.s32 s3, s2  }
0x8d: {  	s2 =	sadd.s32 s2, s14  }
0x8e: {  	[smem:$0x3FC0] =	sst s2  }
0x8f: {  	_ = 	snop  }
0x90: {  	s2 =	sld [smem:$0x3FD0];
	_ =	sdelay $0x2  }
0x91: {  	s15 =	simm.s32 $0xA;
	s4 =	simm.s32 $0x10  }
0x92: {  	[smem:s4], [sflag:s15] =	dma.local [hbm:s2], $0x1  }
0x93: {  	_ =	swait.eq [sflag:s15], $0x1  }
0x94: {  	[sflag:s15] =	ssyncset.done $0x0  }
0x95: {  	s16 =	sld [smem:$0x10];
	[sflag:s15] =	ssyncadd.s32 $0xFFFFFFFF  }
0x96: {  	s17 =	sld [smem:$0x11];
	(tm) =	ssettm $0x1  }
0x97: {  	s18 =	sld [smem:$0x3FFB];
	_ =	sdelay $0x3  }
0x98: {  	_ =	strace s18  }
0x99: {  	s4 =	sld [smem:$0x3FFC];
	_ =	sdelay $0x3  }
0x9a: {  	_ =	strace s4  }
0x9b: {  	s4 =	sld [smem:$0x3FFD];
	_ =	sdelay $0x3  }
0x9c: {  	_ =	strace s4  }
0x9d: {  	_ =	strace $0x8FFFFFFF  }
0x9e: {  	s19 =	sld [smem:$0x3FDB];
	_ =	sdelay $0x1  }
0x9f: {  	s5 =	simm.s32 $_scs_section_size  }
0xa0: {  	s6 =	simm.s32 $_size__tile_overlayer_lowered;
	s7 =	simm.s32 $_tile_overlayer_lowered  }
0xa1: {  	s22 =	simm.s32 $0x1BFF;
	s21 =	sshll.u32 s7, $0x1;
	s4 =	sadd.s32 s5, s19  }
0xa2: {  	s8 =	simm.s32 $0x0;
	s20 =	sshll.u32 s6, $0x1;
	s6 =	sadd.s32 s21, s4  }
0xa3: {  	[timem:s8], [sflag:s22] =	dma.local [hbm:s6], s20  }
0xa4: {  	_ =	swait.ge [sflag:s22], s20  }
0xa5: {  	s5 =	ssub.s32 $0x0, s20;
	[sflag:s22] =	ssyncset.done $0x0  }
0xa6: {  	[sflag:s22] =	ssyncadd.s32 s5;
	_ =	sdelay $0x1  }
0xa7: {  	s23 =	simm.s32 $0x1B8B  }
0xa8: {  	_ =	swait.ge [sflag:s23], $0x1  }
0xa9: {  	[sflag:s23] =	ssyncset.done $0x0  }
0xaa: {  	s25 =	simm.s32 $0x1B8E;
	s24 =	sld [smem:$0x3FFE];
	[sflag:s23] =	ssyncadd.s32 $0xFFFFFFFF  }
0xab: {  	s26 =	simm.s32 $execute0_lowered;
	[smem:$0x3FD2] =	sst s25  }
0xac: {  	s6 =	sshll.u32 s26, $0x1;
	_ =	strace $0x80000046;
	[dreg:$0x1] =	wrdreg $0xFFFFFFFF  }
0xad: {  	s28 =	simm.s32 $_size_execute0_lowered;
	s4 =	sadd.s32 s4, s6;
	[dreg:$0x0] =	wrdreg $0x0  }
0xae: {  	s6 =	sshll.u32 s28, $0x1;
	[dreg:$0x2] =	wrdreg s4  }
0xaf: {  	[dreg:$0x3] =	wrdreg s6  }
0xb0: {  	[dreg:$0x4] =	wrdreg $0xC0  }
0xb1: {  	_ =	task [dreg:s8], $0x5FFFF  }
0xb2: {  	[dreg:$0x1] =	wrdreg $0xFFFFFFFF  }
0xb3: {  	[dreg:$0x0] =	wrdreg $0x60  }
0xb4: {  	[dreg:$0x2] =	wrdreg s17  }
0xb5: {  	[dreg:$0x3] =	wrdreg s16  }
0xb6: {  	[dreg:$0x4] =	wrdreg s24  }
0xb7: {  	[dreg:$0x5] =	wrdreg $0xB1000  }
0xb8: {  	[dreg:$0x6] =	wrdreg $0x1F4000  }
0xb9: {  	[dreg:$0x7] =	wrdreg $0x9  }
0xba: {  	_ =	task.clear_ibuf [dreg:s8], $0x8FFFF;
	_ =	strace $0x90000046  }
0xbb: {  	s29 =	simm.s32 $0x9;
	_ =	strace $0x80000048  }
0xbc: {  	_ =	swait.ge [sflag:s29], $0x1  }
0xbd: {  	[sflag:s29] =	ssyncadd.s32 $0xFFFFFFFF  }
0xbe: {  	_ =	strace $0x90000048  }
0xbf: {  	_ =	sfence  }
0xc0: {  	s30 =	sld [smem:$0x0];
	_ =	sdelay $0x2  }
0xc1: {  	s31 =	sshll.u32 s1, $0xD;
	s1 =	sshrl.u32 s1, $0x2  }
0xc2: {  	s3 =	sand.u32 $0x4000, s31;
	s1 =	sadd.s32 s1, s30  }
0xc3: {  	s0 =	sor.u32 s3, s0;
	s1 =	sshll.u32 s1, $0x11  }
0xc4: {  	s0 =	sor.u32 s1, s0  }
0xc5: {  	s0 =	sadd.s32 $0x8F2B, s0  }
0xc6: {  	[sflag:s0] =	ssyncadd.remote.s32 $0x1  }
0xc7: {  	_ =	sfence.sel $0xFFFF  }
0xc8: {  	[dreg:$0x0] =	wrdreg $0xFFFFFFFF;
	(pc) =	sbr.abs _section_cstart, $3  }
0xc9: {  	[dreg:$0x1] =	wrdreg $0xFFFFFFFF  }
0xca: {  	_ =	task.clear_ibuf [dreg:s8], $0x2FFFF;
	_ =	strace $0x9FFFFFFF  }
0xcb: {  	(tm) =	ssettm $0x7FFFFFFF  }
tec
execute0_lowered:
.L_overlay_start_1:
0x0: {  	(tag) =	ssettag $0x1  }
0x1: {  	s1 =	rddreg [dreg:$0x0]  }
0x2: {  	s0 =	rddreg [dreg:$0x1]  }
0x3: {  	s5 =	rddreg [dreg:$0x2]  }
0x4: {  	s2 =	rddreg [dreg:$0x3]  }
0x5: {  	s3 =	rddreg [dreg:$0x4]  }
0x6: {  	s4 =	simm.s32 $0x0;
	s7 =	srdreg.scid;
	s16 =	stileid.u32  }
0x7: {  	s28 =	simm.s32 $0x4;
	s29 =	simm.s32 $0x2;
	[smem:$0x7FF] =	sst s4  }
0x8: {  	s8 =	sadd.s32 $0xE400, s5;
	s9 =	sand.u32 $0x1, s7;
	s11 =	smul.u32 $0x50000, s16  }
0x9: {  	s10 =	sadd.s32 $0x36400, s5;
	s20 =	sshll.u32 s16, $0x1;
	s25 =	smul.u32 $0x2800, s16  }
0xa: {  	s7 =	ssub.s32 $0x2, s9;
	s14 =	sor.u32 s9, s20;
	p0 =	seq.s32 s9, $0x0  }
0xb: {  	s13 =	sshrl.u32 s7, $0x1;
	s11 =	sshrl.u32 s11, $0x2;
	s10 =	smov.u32 @p0 s8  }
0xc: {  	s13 =	ssub.s32 s7, s13;
	s7 =	sadd.s32 s11, s2;
	s20 =	sadd.s32 s10, s25  }
0xd: {  	_ =	strace $0x80000047;
	s11 =	sadd.s32 $0x1000, s7;
	[dreg:$0xe] =	wrdreg s20  }
0xe: {  	s30 =	simm.s32 $0x3;
	s21 =	sadd.s32 $0x2000, s7;
	[dreg:$0x6] =	wrdreg s11  }
0xf: {  	s31 =	simm.s32 $0x6;
	s23 =	sadd.s32 $0x3000, s7;
	[dreg:$0x7] =	wrdreg s21  }
0x10: {  	s6 =	sadd.s32 $0x3A00, s5;
	s24 =	sadd.s32 $0x4000, s7;
	[dreg:$0x8] =	wrdreg s23  }
0x11: {  	s12 =	sadd.s32 $0xD800, s5;
	s17 =	sadd.s32 $0x5000, s7;
	[dreg:$0x9] =	wrdreg s24  }
0x12: {  	s5 =	sadd.s32 $0xDE00, s5;
	s26 =	sadd.s32 $0x6000, s7;
	[dreg:$0xa] =	wrdreg s17  }
0x13: {  	s15 =	smul.u32 $0x280, s16;
	s18 =	sadd.s32 $0x7000, s7;
	[dreg:$0xb] =	wrdreg s26  }
0x14: {  	s16 =	smul.u32 $0x4E20, s16;
	s19 =	sadd.s32 $0x8000, s7;
	[dreg:$0xc] =	wrdreg s18  }
0x15: {  	s22 =	smul.u32 $0x2710, s14;
	s14 =	sadd.s32 $0xA000, s7;
	[dreg:$0xd] =	wrdreg s19  }
0x16: {  	s5 =	smov.u32 @p0 s12;
	s20 =	sadd.s32 $0xF000, s7;
	[dreg:$0x16] =	wrdreg s14  }
0x17: {  	s22 =	sshrl.u32 s22, $0x3;
	s21 =	sadd.s32 $0x9000, s7;
	[dreg:$0x1b] =	wrdreg s20  }
0x18: {  	s17 =	smul.u32 $0x2710, s9;
	s0 =	sadd.s32 s0, s22;
	[dreg:$0xf] =	wrdreg s21  }
0x19: {  	s18 =	sadd.s32 s15, s3;
	s11 =	smax.u32 s13, $0x1;
	[dreg:$0x10] =	wrdreg s0  }
0x1a: {  	s23 =	sshrl.u32 s15, $0x3;
	s15 =	sadd.s32 $0xB000, s7;
	[dreg:$0x12] =	wrdreg s11  }
0x1b: {  	s10 =	sadd.s32 s6, s22;
	s19 =	sadd.s32 $0xE000, s7;
	[dreg:$0x17] =	wrdreg s15  }
0x1c: {  	s22 =	sadd.s32 $0x11000, s7;
	s14 =	simm.s32 $0x7;
	[dreg:$0x1a] =	wrdreg s19  }
0x1d: {  	s0 =	sadd.s32 s5, s23;
	s21 =	sadd.s32 $0x10000, s7;
	[dreg:$0x1d] =	wrdreg s22  }
0x1e: {  	s23 =	sadd.s32 $0x12000, s7;
	s15 =	simm.s32 $0x2780;
	s19 =	simm.s32 $0x2800  }
0x1f: {  	s22 =	simm.s32 $0x2880;
	s8 =	sadd.s32 s17, s16;
	[dreg:$0x11] =	wrdreg s0  }
0x20: {  	s16 =	sadd.s32 $0xC000, s7;
	s17 =	sadd.s32 $0xD000, s7;
	[dreg:$0x1c] =	wrdreg s21  }
0x21: {  	[dreg:$0x1e] =	wrdreg s23;
	s21 =	simm.s32 $0x5100;
	s23 =	simm.s32 $0x7900  }
0x22: {  	s24 =	sadd.s32 $0x190, s8;
	s26 =	sadd.s32 $0x140, s8;
	[dreg:$0x18] =	wrdreg s16  }
0x23: {  	s13 =	sadd.s32 $0xF0, s8;
	[dreg:$0x19] =	wrdreg s17;
	s16 =	simm.s32 $0x50  }
0x24: {  	s17 =	simm.s32 $0x2900;
	s25 =	sshrl.u32 s24, $0x3;
	s12 =	sshrl.u32 s26, $0x3  }
0x25: {  	[dreg:$0x15] =	wrdreg s13;
	s24 =	sadd.s32 $0x13000, s7;
	s26 =	sadd.s32 $0x14, s10  }
.Ltmp0:
0x26: {  	s13 =	simm.s32 $0xA100;
	[dreg:$0x1f] =	wrdreg s24;
	(pc) =	sbr.rel .LBB2_1-.Ltmp0, $4  }
0x27: {  	s0 =	sadd.s32 s25, s6;
	s25 =	sadd.s32 $0xA, s10;
	[smem:$0x7FD] =	sst s26  }
0x28: {  	s26 =	simm.s32 $0x1;
	s24 =	simm.s32 $0x1F100;
	[dreg:$0x13] =	wrdreg s0  }
0x29: {  	s0 =	sadd.s32 s12, s6;
	[smem:$0x7FC] =	sst s25;
	s12 =	smov.u32 s10  }
0x2a: {  	v0 =	vimm.f32 $0.0e+00;
	v1 =	vimm.f32 $1.000000000e+00;
	s25 =	simm.s32 $0x5;
	[dreg:$0x14] =	wrdreg s0;
	s0 =	simm.s32 $0x0  }
.LBB2_6:
0x2b: {  	_ =	swait.ge [sflag:s26], $0x50  }
0x2c: {  	[sflag:s26] =	ssyncset.done $0x0  }
0x2d: {  	[sflag:s26] =	ssyncadd.s32 $0xFFFFFFB0  }
0x2e: {  	_ =	swait.ge [sflag:s28], $0x2800  }
0x2f: {  	[sflag:s28] =	ssyncset.done $0x0  }
0x30: {  	[sflag:s28] =	ssyncadd.s32 $0xFFFFD800  }
0x31: {  	[spmem:s2] =	stream.indirect.scatter.add.f32 [tilespmem:s17], [sflag:$0x7], $0x80, s15, s16, $0xb8;
	[tilespmem:$0x1F680] =	vst v63  }
0x32: {  	_ =	swait.ge [sflag:s14], $0x2800  }
0x33: {  	[sflag:s14] =	ssyncset.done $0x0  }
0x34: {  	[sflag:s14] =	ssyncadd.s32 $0xFFFFD800  }
0x35: {  	[spmem:s3] =	stream.indirect.scatter.add.f32 [tilespmem:s24], [sflag:$0x7], $0x1, s15, s16, $0xb8;
	[tilespmem:$0x1F680] =	vst v63  }
0x36: {  	_ =	swait.ge [sflag:s14], $0x50  }
0x37: {  	[sflag:s14] =	ssyncset.done $0x0  }
0x38: {  	[sflag:s14] =	ssyncadd.s32 $0xFFFFFFB0  }
0x39: {  	_ =	swait.ge [sflag:s29], $0x50  }
0x3a: {  	[sflag:s29] =	ssyncset.done $0x0  }
0x3b: {  	[sflag:s29] =	ssyncadd.s32 $0xFFFFFFB0  }
0x3c: {  	_ =	swait.ge [sflag:s25], $0x2800  }
0x3d: {  	[sflag:s25] =	ssyncset.done $0x0  }
0x3e: {  	[sflag:s25] =	ssyncadd.s32 $0xFFFFD800  }
0x3f: {  	[spmem:s2] =	stream.indirect.scatter.add.f32 [tilespmem:s21], [sflag:$0x7], $0x80, s19, s16, $0xb8;
	[tilespmem:$0x1F680] =	vst v63  }
0x40: {  	_ =	swait.ge [sflag:s14], $0x2800  }
0x41: {  	[sflag:s14] =	ssyncset.done $0x0  }
0x42: {  	[sflag:s14] =	ssyncadd.s32 $0xFFFFD800  }
0x43: {  	[spmem:s3] =	stream.indirect.scatter.add.f32 [tilespmem:s24], [sflag:$0x7], $0x1, s19, s16, $0xb8;
	[tilespmem:$0x1F680] =	vst v63  }
0x44: {  	_ =	swait.ge [sflag:s14], $0x50  }
0x45: {  	[sflag:s14] =	ssyncset.done $0x0  }
0x46: {  	s5 =	stileid.u32;
	[sflag:s14] =	ssyncadd.s32 $0xFFFFFFB0  }
0x47: {  	s5 =	sshll.u32 s5, $0x6;
	[bflag:$0x0] =	sbarrier.arrive $0xFFFF  }
0x48: {  	s8 =	sshrl.u32 s7, $0x3;
	s5 =	sor.u32 $0x1C07, s5;
	s9 =	rddreg [dreg:$0xe]  }
0x49: {  	[hbm:s9], [sflag:s5] =	dma.local [spmem:s8], $0x2800  }
0x4a: {  	_ =	swait.ge [sflag:s14], $0x2800  }
0x4b: {  	[sflag:s14] =	ssyncset.done $0x0  }
0x4c: {  	s10 =	sshrl.u32 s18, $0x3;
	s11 =	rddreg [dreg:$0x11];
	[sflag:s14] =	ssyncadd.s32 $0xFFFFD800  }
0x4d: {  	[hbm:s11], [sflag:s5] =	dma.local [spmem:s10], $0x50  }
0x4e: {  	_ =	swait.ge [sflag:s14], $0x50  }
0x4f: {  	s0 =	sadd.s32 $0x1, s0;
	s20 =	rddreg [dreg:$0x12]  }
0x50: {  	p0 =	sne.s32 s0, s20  }
.Ltmp1:
0x51: {  	_ = 	snop;
	(pc) =	sbr.rel @!p0 .LBB2_7-.Ltmp1, $3  }
0x52: {  	_ =	sdelay $0x1  }
0x53: {  	[sflag:s14] =	ssyncset.done $0x0  }
0x54: {  	[sflag:s14] =	ssyncadd.s32 $0xFFFFFFB0  }
.LBB2_1:
0x55: {  	s5 =	simm.s32 $0x0;
	s8 =	simm.s32 $0x200  }
.LBB2_2:
0x56: {  	p0 =	sne.s32 s8, $0x3E00;
	[tilespmem:s5+$0xA170] =	vst v0  }
0x57: {  	[tilespmem:s5+$0xA100] =	vst v0  }
0x58: {  	[tilespmem:s5+$0xA110] =	vst v0  }
.Ltmp2:
0x59: {  	[tilespmem:s5+$0xA120] =	vst v0;
	(pc) =	sbr.rel @p0 .LBB2_2-.Ltmp2, $4  }
0x5a: {  	[tilespmem:s5+$0xA130] =	vst v0  }
0x5b: {  	[tilespmem:s5+$0xA140] =	vst v0  }
0x5c: {  	[tilespmem:s5+$0xA150] =	vst v0  }
0x5d: {  	[tilespmem:s5+$0xA160] =	vst v0;
	s5 =	sshra.s32 s8, $0x2;
	s8 =	sadd.s32 $0x200, s8  }
0x5e: {  	[tilespmem:s5+$0xA170] =	vst v0  }
0x5f: {  	[tilespmem:s5+$0xA100] =	vst v0  }
0x60: {  	[tilespmem:s5+$0xA110] =	vst v0  }
0x61: {  	[tilespmem:s5+$0xA120] =	vst v0  }
0x62: {  	[tilespmem:s5+$0xA130] =	vst v0  }
0x63: {  	[tilespmem:s5+$0xA140] =	vst v0  }
0x64: {  	[tilespmem:s5+$0xA150] =	vst v0  }
0x65: {  	[tilespmem:s5+$0xA160] =	vst v0  }
0x66: {  	[spmem:s7] =	stream.linear.scatter [tilespmem:s13], [sflag:$0x7], $0x1000, $0x38;
	[tilespmem:$0x1F680] =	vst v63  }
0x67: {  	_ =	swait.ge [sflag:s14], $0x1000  }
0x68: {  	[sflag:s14] =	ssyncset.done $0x0  }
0x69: {  	s10 =	rddreg [dreg:$0x6];
	[sflag:s14] =	ssyncadd.s32 $0xFFFFF000  }
0x6a: {  	[spmem:s10] =	stream.linear.scatter [tilespmem:s13], [sflag:$0x7], $0x1000, $0x38;
	[tilespmem:$0x1F680] =	vst v63  }
0x6b: {  	_ =	swait.ge [sflag:s14], $0x1000  }
0x6c: {  	[sflag:s14] =	ssyncset.done $0x0  }
0x6d: {  	s11 =	rddreg [dreg:$0x7];
	[sflag:s14] =	ssyncadd.s32 $0xFFFFF000  }
0x6e: {  	[spmem:s11] =	stream.linear.scatter [tilespmem:s13], [sflag:$0x7], $0x1000, $0x38;
	[tilespmem:$0x1F680] =	vst v63  }
0x6f: {  	_ =	swait.ge [sflag:s14], $0x1000  }
0x70: {  	[sflag:s14] =	ssyncset.done $0x0  }
0x71: {  	s20 =	rddreg [dreg:$0x8];
	[sflag:s14] =	ssyncadd.s32 $0xFFFFF000  }
0x72: {  	[spmem:s20] =	stream.linear.scatter [tilespmem:s13], [sflag:$0x7], $0x1000, $0x38;
	[tilespmem:$0x1F680] =	vst v63  }
0x73: {  	_ =	swait.ge [sflag:s14], $0x1000  }
0x74: {  	[sflag:s14] =	ssyncset.done $0x0  }
0x75: {  	s8 =	rddreg [dreg:$0x9];
	[sflag:s14] =	ssyncadd.s32 $0xFFFFF000  }
0x76: {  	[spmem:s8] =	stream.linear.scatter [tilespmem:s13], [sflag:$0x7], $0x1000, $0x38;
	[tilespmem:$0x1F680] =	vst v63  }
0x77: {  	_ =	swait.ge [sflag:s14], $0x1000  }
0x78: {  	[sflag:s14] =	ssyncset.done $0x0  }
0x79: {  	s9 =	rddreg [dreg:$0xa];
	[sflag:s14] =	ssyncadd.s32 $0xFFFFF000  }
0x7a: {  	[spmem:s9] =	stream.linear.scatter [tilespmem:s13], [sflag:$0x7], $0x1000, $0x38;
	[tilespmem:$0x1F680] =	vst v63  }
0x7b: {  	_ =	swait.ge [sflag:s14], $0x1000  }
0x7c: {  	[sflag:s14] =	ssyncset.done $0x0  }
0x7d: {  	s10 =	rddreg [dreg:$0xb];
	[sflag:s14] =	ssyncadd.s32 $0xFFFFF000  }
0x7e: {  	[spmem:s10] =	stream.linear.scatter [tilespmem:s13], [sflag:$0x7], $0x1000, $0x38;
	[tilespmem:$0x1F680] =	vst v63  }
0x7f: {  	_ =	swait.ge [sflag:s14], $0x1000  }
0x80: {  	[sflag:s14] =	ssyncset.done $0x0  }
0x81: {  	s11 =	rddreg [dreg:$0xc];
	[sflag:s14] =	ssyncadd.s32 $0xFFFFF000  }
0x82: {  	[spmem:s11] =	stream.linear.scatter [tilespmem:s13], [sflag:$0x7], $0x1000, $0x38;
	[tilespmem:$0x1F680] =	vst v63  }
0x83: {  	_ =	swait.ge [sflag:s14], $0x1000  }
0x84: {  	[sflag:s14] =	ssyncset.done $0x0  }
0x85: {  	s20 =	rddreg [dreg:$0xd];
	[sflag:s14] =	ssyncadd.s32 $0xFFFFF000  }
0x86: {  	[spmem:s20] =	stream.linear.scatter [tilespmem:s13], [sflag:$0x7], $0x1000, $0x38;
	[tilespmem:$0x1F680] =	vst v63  }
0x87: {  	_ =	swait.ge [sflag:s14], $0x1000  }
0x88: {  	[sflag:s14] =	ssyncset.done $0x0  }
0x89: {  	s8 =	rddreg [dreg:$0xf];
	[sflag:s14] =	ssyncadd.s32 $0xFFFFF000  }
0x8a: {  	[spmem:s8] =	stream.linear.scatter [tilespmem:s13], [sflag:$0x7], $0x1000, $0x38;
	[tilespmem:$0x1F680] =	vst v63  }
0x8b: {  	_ =	swait.ge [sflag:s14], $0x1000  }
0x8c: {  	[sflag:s14] =	ssyncset.done $0x0  }
0x8d: {  	s9 =	rddreg [dreg:$0x16];
	[sflag:s14] =	ssyncadd.s32 $0xFFFFF000  }
0x8e: {  	[spmem:s9] =	stream.linear.scatter [tilespmem:s13], [sflag:$0x7], $0x1000, $0x38;
	[tilespmem:$0x1F680] =	vst v63  }
0x8f: {  	_ =	swait.ge [sflag:s14], $0x1000  }
0x90: {  	[sflag:s14] =	ssyncset.done $0x0  }
0x91: {  	s10 =	rddreg [dreg:$0x17];
	[sflag:s14] =	ssyncadd.s32 $0xFFFFF000  }
0x92: {  	[spmem:s10] =	stream.linear.scatter [tilespmem:s13], [sflag:$0x7], $0x1000, $0x38;
	[tilespmem:$0x1F680] =	vst v63  }
0x93: {  	_ =	swait.ge [sflag:s14], $0x1000  }
0x94: {  	[sflag:s14] =	ssyncset.done $0x0  }
0x95: {  	s11 =	rddreg [dreg:$0x18];
	[sflag:s14] =	ssyncadd.s32 $0xFFFFF000  }
0x96: {  	[spmem:s11] =	stream.linear.scatter [tilespmem:s13], [sflag:$0x7], $0x1000, $0x38;
	[tilespmem:$0x1F680] =	vst v63  }
0x97: {  	_ =	swait.ge [sflag:s14], $0x1000  }
0x98: {  	[sflag:s14] =	ssyncset.done $0x0  }
0x99: {  	s20 =	rddreg [dreg:$0x19];
	[sflag:s14] =	ssyncadd.s32 $0xFFFFF000  }
0x9a: {  	[spmem:s20] =	stream.linear.scatter [tilespmem:s13], [sflag:$0x7], $0x1000, $0x38;
	[tilespmem:$0x1F680] =	vst v63  }
0x9b: {  	_ =	swait.ge [sflag:s14], $0x1000  }
0x9c: {  	[sflag:s14] =	ssyncset.done $0x0  }
0x9d: {  	s8 =	rddreg [dreg:$0x1a];
	[sflag:s14] =	ssyncadd.s32 $0xFFFFF000  }
0x9e: {  	[spmem:s8] =	stream.linear.scatter [tilespmem:s13], [sflag:$0x7], $0x1000, $0x38;
	[tilespmem:$0x1F680] =	vst v63  }
0x9f: {  	_ =	swait.ge [sflag:s14], $0x1000  }
0xa0: {  	[sflag:s14] =	ssyncset.done $0x0  }
0xa1: {  	s9 =	rddreg [dreg:$0x1b];
	[sflag:s14] =	ssyncadd.s32 $0xFFFFF000  }
0xa2: {  	[spmem:s9] =	stream.linear.scatter [tilespmem:s13], [sflag:$0x7], $0x1000, $0x38;
	[tilespmem:$0x1F680] =	vst v63  }
0xa3: {  	_ =	swait.ge [sflag:s14], $0x1000  }
0xa4: {  	[sflag:s14] =	ssyncset.done $0x0  }
0xa5: {  	s10 =	rddreg [dreg:$0x1c];
	[sflag:s14] =	ssyncadd.s32 $0xFFFFF000  }
0xa6: {  	[spmem:s10] =	stream.linear.scatter [tilespmem:s13], [sflag:$0x7], $0x1000, $0x38;
	[tilespmem:$0x1F680] =	vst v63  }
0xa7: {  	_ =	swait.ge [sflag:s14], $0x1000  }
0xa8: {  	[sflag:s14] =	ssyncset.done $0x0  }
0xa9: {  	s11 =	rddreg [dreg:$0x1d];
	[sflag:s14] =	ssyncadd.s32 $0xFFFFF000  }
0xaa: {  	[spmem:s11] =	stream.linear.scatter [tilespmem:s13], [sflag:$0x7], $0x1000, $0x38;
	[tilespmem:$0x1F680] =	vst v63  }
0xab: {  	_ =	swait.ge [sflag:s14], $0x1000  }
0xac: {  	[sflag:s14] =	ssyncset.done $0x0  }
0xad: {  	s20 =	rddreg [dreg:$0x1e];
	[sflag:s14] =	ssyncadd.s32 $0xFFFFF000  }
0xae: {  	[spmem:s20] =	stream.linear.scatter [tilespmem:s13], [sflag:$0x7], $0x1000, $0x38;
	[tilespmem:$0x1F680] =	vst v63  }
0xaf: {  	_ =	swait.ge [sflag:s14], $0x1000  }
0xb0: {  	[sflag:s14] =	ssyncset.done $0x0  }
0xb1: {  	s8 =	rddreg [dreg:$0x1f];
	[sflag:s14] =	ssyncadd.s32 $0xFFFFF000  }
0xb2: {  	[spmem:s8] =	stream.linear.scatter [tilespmem:s13], [sflag:$0x7], $0x1000, $0x38;
	[tilespmem:$0x1F680] =	vst v63  }
0xb3: {  	_ =	swait.ge [sflag:s14], $0x1000  }
0xb4: {  	[sflag:s14] =	ssyncset.done $0x0  }
0xb5: {  	[sflag:s14] =	ssyncadd.s32 $0xFFFFF000  }
0xb6: {  	[tilespmem:$0x1F180] =	vst v0  }
0xb7: {  	[tilespmem:$0x1F190] =	vst v0  }
0xb8: {  	[tilespmem:$0x1F1A0] =	vst v0  }
0xb9: {  	[tilespmem:$0x1F1B0] =	vst v0  }
0xba: {  	[tilespmem:$0x1F1C0] =	vst v0  }
0xbb: {  	[tilespmem:$0x1F1D0] =	vst v0  }
0xbc: {  	[tilespmem:$0x1F1E0] =	vst v0  }
0xbd: {  	[tilespmem:$0x1F1F0] =	vst v0  }
0xbe: {  	[tilespmem:$0x1F200] =	vst v0  }
0xbf: {  	[tilespmem:$0x1F210] =	vst v0  }
0xc0: {  	[tilespmem:$0x1F220] =	vst v0  }
0xc1: {  	[tilespmem:$0x1F230] =	vst v0  }
0xc2: {  	[tilespmem:$0x1F240] =	vst v0  }
0xc3: {  	[tilespmem:$0x1F250] =	vst v0  }
0xc4: {  	[tilespmem:$0x1F260] =	vst v0  }
0xc5: {  	[tilespmem:$0x1F270] =	vst v0  }
0xc6: {  	[tilespmem:$0x1F280] =	vst v0  }
0xc7: {  	[tilespmem:$0x1F290] =	vst v0  }
0xc8: {  	[tilespmem:$0x1F2A0] =	vst v0  }
0xc9: {  	[tilespmem:$0x1F2B0] =	vst v0  }
0xca: {  	[tilespmem:$0x1F2C0] =	vst v0  }
0xcb: {  	[tilespmem:$0x1F2D0] =	vst v0  }
0xcc: {  	[tilespmem:$0x1F2E0] =	vst v0  }
0xcd: {  	[tilespmem:$0x1F2F0] =	vst v0  }
0xce: {  	[tilespmem:$0x1F300] =	vst v0  }
0xcf: {  	[tilespmem:$0x1F310] =	vst v0  }
0xd0: {  	[tilespmem:$0x1F320] =	vst v0  }
0xd1: {  	[tilespmem:$0x1F330] =	vst v0  }
0xd2: {  	[tilespmem:$0x1F340] =	vst v0  }
0xd3: {  	[tilespmem:$0x1F350] =	vst v0  }
0xd4: {  	[tilespmem:$0x1F360] =	vst v0  }
0xd5: {  	[tilespmem:$0x1F370] =	vst v0  }
0xd6: {  	[tilespmem:$0x1F380] =	vst v0  }
0xd7: {  	[tilespmem:$0x1F390] =	vst v0  }
0xd8: {  	[tilespmem:$0x1F3A0] =	vst v0  }
0xd9: {  	[tilespmem:$0x1F3B0] =	vst v0  }
0xda: {  	[tilespmem:$0x1F3C0] =	vst v0  }
0xdb: {  	[tilespmem:$0x1F3D0] =	vst v0  }
0xdc: {  	[tilespmem:$0x1F3E0] =	vst v0  }
0xdd: {  	s9 =	simm.s32 $0x1F180;
	[tilespmem:$0x1F3F0] =	vst v0  }
0xde: {  	[spmem:s18] =	stream.linear.scatter [tilespmem:s9], [sflag:$0x7], $0x280, $0x38;
	[tilespmem:$0x1F680] =	vst v63  }
0xdf: {  	_ =	swait.ge [sflag:s14], $0x280  }
0xe0: {  	[sflag:s14] =	ssyncset.done $0x0  }
0xe1: {  	[sflag:s14] =	ssyncadd.s32 $0xFFFFFD80  }
0xe2: {  	[tilespmem:$0x1F100] =	vst v1  }
0xe3: {  	[tilespmem:$0x1F110] =	vst v1  }
0xe4: {  	[tilespmem:$0x1F120] =	vst v1  }
0xe5: {  	[tilespmem:$0x1F130] =	vst v1  }
0xe6: {  	s5 =	simm.s32 $0x0;
	s8 =	rddreg [dreg:$0x10];
	[tilespmem:$0x1F140] =	vst v1  }
0xe7: {  	[tilespmem:s5], [sflag:$0x7] =	stream.linear.gather [hbm4b:s8+s5], $0x2710, $0x38;
	[tilespmem:$0x1F680] =	vst v63  }
0xe8: {  	_ =	swait.ge [sflag:s14], $0x2710  }
0xe9: {  	[sflag:s14] =	ssyncset.done $0x0  }
0xea: {  	[sflag:s14] =	ssyncadd.s32 $0xFFFFD8F0  }
0xeb: {  	[bflag:$0x0] =	sbarrier.arrive $0xFFFF  }
0xec: {  	[tilespmem:s15], [sflag:$0x1] =	stream.linear.gather [hbm4b:s12+s5], $0x50, $0x38;
	[tilespmem:$0x1F680] =	vst v63  }
0xed: {  	s10 =	sld [smem:$0x7FC]  }
0xee: {  	[tilespmem:s17], [sflag:$0x4] =	stream.indirect.gather [hbm4b:s1+s16], $0x80, s5, s16, $0xb8;
	[tilespmem:$0x1F680] =	vst v63  }
0xef: {  	_ = 	snop  }
0xf0: {  	[tilespmem:s19], [sflag:$0x2] =	stream.linear.gather [hbm4b:s10+s5], $0x50, $0x38;
	[tilespmem:$0x1F680] =	vst v63  }
0xf1: {  	s11 =	sld [smem:$0x7FD]  }
0xf2: {  	[tilespmem:s21], [sflag:$0x5] =	stream.indirect.gather [hbm4b:s1+s16], $0x80, s16, s16, $0xb8;
	[tilespmem:$0x1F680] =	vst v63  }
0xf3: {  	s8 =	rddreg [dreg:$0x15]  }
0xf4: {  	[tilespmem:s22], [sflag:$0x3] =	stream.linear.gather [hbm4b:s11+s5], $0x50, $0x38;
	[tilespmem:$0x1F680] =	vst v63  }
0xf5: {  	s20 =	simm.s32 $0xA0;
	s9 =	rddreg [dreg:$0x14]  }
0xf6: {  	[tilespmem:s23], [sflag:$0x6] =	stream.indirect.gather [hbm4b:s1+s16], $0x80, s20, s16, $0xb8;
	[tilespmem:$0x1F680] =	vst v63  }
0xf7: {  	s20 =	rddreg [dreg:$0x13]  }
.LBB2_4:
0xf8: {  	_ =	swait.ge [sflag:s26], $0x50  }
0xf9: {  	[sflag:s26] =	ssyncset.done $0x0  }
0xfa: {  	[sflag:s26] =	ssyncadd.s32 $0xFFFFFFB0  }
0xfb: {  	_ =	swait.ge [sflag:s28], $0x2800  }
0xfc: {  	[sflag:s28] =	ssyncset.done $0x0  }
0xfd: {  	[sflag:s28] =	ssyncadd.s32 $0xFFFFD800  }
0xfe: {  	[spmem:s2] =	stream.indirect.scatter.add.f32 [tilespmem:s17], [sflag:$0x7], $0x80, s15, s16, $0xb8;
	[tilespmem:$0x1F680] =	vst v63  }
0xff: {  	_ =	swait.ge [sflag:s14], $0x2800  }
0x100: {  	[sflag:s14] =	ssyncset.done $0x0  }
0x101: {  	[sflag:s14] =	ssyncadd.s32 $0xFFFFD800  }
0x102: {  	[spmem:s3] =	stream.indirect.scatter.add.f32 [tilespmem:s24], [sflag:$0x7], $0x1, s15, s16, $0xb8;
	[tilespmem:$0x1F680] =	vst v63  }
0x103: {  	_ =	swait.ge [sflag:s14], $0x50  }
0x104: {  	s10 =	sshrl.u32 s8, $0x3;
	[sflag:s14] =	ssyncset.done $0x0  }
0x105: {  	s10 =	sadd.s32 s6, s10;
	[sflag:s14] =	ssyncadd.s32 $0xFFFFFFB0  }
0x106: {  	[tilespmem:s15], [sflag:$0x1] =	stream.linear.gather [hbm4b:s10+s4], $0x50, $0x38;
	[tilespmem:$0x1F680] =	vst v63  }
0x107: {  	s10 =	sshra.s32 s5, $0x2  }
0x108: {  	s11 =	sadd.s32 $0xF0, s10  }
0x109: {  	[tilespmem:s17], [sflag:$0x4] =	stream.indirect.gather [hbm4b:s1+s16], $0x80, s11, s16, $0xb8;
	[tilespmem:$0x1F680] =	vst v63  }
0x10a: {  	_ =	swait.ge [sflag:s29], $0x50  }
0x10b: {  	[sflag:s29] =	ssyncset.done $0x0  }
0x10c: {  	[sflag:s29] =	ssyncadd.s32 $0xFFFFFFB0  }
0x10d: {  	_ =	swait.ge [sflag:s25], $0x2800  }
0x10e: {  	[sflag:s25] =	ssyncset.done $0x0  }
0x10f: {  	[sflag:s25] =	ssyncadd.s32 $0xFFFFD800  }
0x110: {  	[spmem:s2] =	stream.indirect.scatter.add.f32 [tilespmem:s21], [sflag:$0x7], $0x80, s19, s16, $0xb8;
	[tilespmem:$0x1F680] =	vst v63  }
0x111: {  	_ =	swait.ge [sflag:s14], $0x2800  }
0x112: {  	[sflag:s14] =	ssyncset.done $0x0  }
0x113: {  	[sflag:s14] =	ssyncadd.s32 $0xFFFFD800  }
0x114: {  	[spmem:s3] =	stream.indirect.scatter.add.f32 [tilespmem:s24], [sflag:$0x7], $0x1, s19, s16, $0xb8;
	[tilespmem:$0x1F680] =	vst v63  }
0x115: {  	_ =	swait.ge [sflag:s14], $0x50  }
0x116: {  	[sflag:s14] =	ssyncset.done $0x0  }
0x117: {  	[sflag:s14] =	ssyncadd.s32 $0xFFFFFFB0  }
0x118: {  	[tilespmem:s19], [sflag:$0x2] =	stream.linear.gather [hbm4b:s9+s4], $0x50, $0x38;
	[tilespmem:$0x1F680] =	vst v63  }
0x119: {  	s11 =	sadd.s32 $0x140, s10  }
0x11a: {  	[tilespmem:s21], [sflag:$0x5] =	stream.indirect.gather [hbm4b:s1+s16], $0x80, s11, s16, $0xb8;
	[tilespmem:$0x1F680] =	vst v63  }
0x11b: {  	_ =	swait.ge [sflag:s30], $0x50  }
0x11c: {  	[sflag:s30] =	ssyncset.done $0x0  }
0x11d: {  	[sflag:s30] =	ssyncadd.s32 $0xFFFFFFB0  }
0x11e: {  	_ =	swait.ge [sflag:s31], $0x2800  }
0x11f: {  	[sflag:s31] =	ssyncset.done $0x0  }
0x120: {  	[sflag:s31] =	ssyncadd.s32 $0xFFFFD800  }
0x121: {  	[spmem:s2] =	stream.indirect.scatter.add.f32 [tilespmem:s23], [sflag:$0x7], $0x80, s22, s16, $0xb8;
	[tilespmem:$0x1F680] =	vst v63  }
0x122: {  	_ =	swait.ge [sflag:s14], $0x2800  }
0x123: {  	p0 =	seq.s32 s5, $0x9600;
	[sflag:s14] =	ssyncset.done $0x0  }
.Ltmp3:
0x124: {  	[sflag:s14] =	ssyncadd.s32 $0xFFFFD800;
	(pc) =	sbr.rel @p0 .LBB2_6-.Ltmp3, $4  }
0x125: {  	[spmem:s3] =	stream.indirect.scatter.add.f32 [tilespmem:s24], [sflag:$0x7], $0x1, s22, s16, $0xb8;
	[tilespmem:$0x1F680] =	vst v63  }
0x126: {  	_ =	swait.ge [sflag:s14], $0x50  }
0x127: {  	[sflag:s14] =	ssyncset.done $0x0  }
0x128: {  	[sflag:s14] =	ssyncadd.s32 $0xFFFFFFB0  }
.Ltmp4:
0x129: {  	(pc) =	sbr.rel .LBB2_4-.Ltmp4, $4  }
0x12a: {  	[tilespmem:s22], [sflag:$0x3] =	stream.linear.gather [hbm4b:s20+s4], $0x50, $0x38;
	[tilespmem:$0x1F680] =	vst v63  }
0x12b: {  	s10 =	sadd.s32 $0x190, s10;
	s20 =	sadd.s32 $0x1E, s20  }
0x12c: {  	s5 =	sadd.s32 $0x3C0, s5;
	s9 =	sadd.s32 $0x1E, s9;
	s8 =	sadd.s32 $0xF0, s8  }
0x12d: {  	[tilespmem:s23], [sflag:$0x6] =	stream.indirect.gather [hbm4b:s1+s16], $0x80, s10, s16, $0xb8;
	[tilespmem:$0x1F680] =	vst v63  }
.LBB2_7:
0x12e: {  	_ =	sfence.sel $0x180000  }
0x12f: {  	[bflag:$0x0] =	sbarrier.arrive $0xFFFF  }
0x130: {  	_ =	strace $0x90000047  }
0x131: {  	s0 =	stileid.u32;
	[bflag:$0x2] =	sbarrier.arrive $0xFFFF  }
0x132: {  	p0 =	sne.s32 s0, $0x0;
	s0 =	rddreg [dreg:$0x5]  }
0x133: {  	s0 =	sadd.s32 @!p0 $0x100000, s0  }
0x134: {  	[sflag:s0] =	ssyncadd.tile.s32 @!p0 $0x1;
	_ =	shalt  }
.Lfunc_end2:
_tile_overlayer_lowered:
.L_overlay_start_2:
0x135: {  	(tag) =	ssettag $0x2  }
0x136: {  	s0 =	rddreg [dreg:$0x0];
	s2 =	stileid.u32  }
0x137: {  	s1 =	rddreg [dreg:$0x1];
	p0 =	sne.s32 s2, $0x0  }
0x138: {  	s3 =	rddreg [dreg:$0x2];
	[bflag:$0x3] =	sbarrier.arrive $0xFFFF;
	s2 =	simm.s32 @!p0 $0x1C07  }
0x139: {  	[timem:s3], [sflag:s2] =	dma.local @!p0 [hbm:s0], s1  }
0x13a: {  	s0 =	simm.s32 @!p0 $0x7  }
0x13b: {  	_ =	swait.ge @!p0 [sflag:s0], s1  }
0x13c: {  	s1 =	ssub.s32 @!p0 $0x0, s1;
	[sflag:s0] =	ssyncset.done @!p0 $0x0  }
0x13d: {  	[sflag:s0] =	ssyncadd.s32 @!p0 s1  }
0x13e: {  	[bflag:$0x3] =	sbarrier.arrive $0xFFFF  }
0x13f: {  	_ =	shalt  }

</sc_bundles>
